<compile_context>
chip_gen: v7x
topology: tpu7x:2x2x1
jax: 0.10.2.dev20260603
libtpu: 0.0.44.dev20260713+nightly
codegen_flags: <defaults>
</compile_context>

<pallas_src>
import functools

import jax
import jax.numpy as jnp
from jax import lax
from jax.experimental import pallas as pl
from jax.experimental.pallas import tpu as pltpu
from jax.experimental.pallas import tpu_sc as plsc

N = 10000
E = 320000
IN_CH = 128
HID = 32

NC = 2
NS = 16
NW = NC * NS
EPW = E // NW
CH = 1000
NCHUNK = EPW // CH
RA = 624
RLAST = N - (NS - 1) * RA
CNTW = 16

_MESH = plsc.VectorSubcoreMesh(
    core_axis_name="c", subcore_axis_name="s", num_cores=NC, num_subcores=NS
)
_SC_PARAMS = pltpu.CompilerParams(use_tc_tiling_on_sc=False)


def _f32(*shape):
    return jax.ShapeDtypeStruct(shape, jnp.float32)


def _tile_layout(sid):
    row0 = pl.multiple_of(sid * RA, 8)
    is_last = sid == NS - 1
    return row0, is_last


def _per_tile(is_last, fn):
    @pl.when(is_last)
    def _():
        fn(RLAST)

    @pl.when(jnp.logical_not(is_last))
    def _():
        fn(RA)


def _edge_pipeline(ei_hbm, wid, bufs, gather_tab, scatter_fn):
    def load_idx(g, sv, dv):
        base = pl.multiple_of(wid * EPW + g * CH, 8)
        pltpu.sync_copy(ei_hbm.at[0, pl.ds(base, CH)], sv)
        pltpu.sync_copy(ei_hbm.at[1, pl.ds(base, CH)], dv)

    src0, dst0 = bufs[0][0], bufs[0][1]
    load_idx(0, src0, dst0)
    pltpu.make_async_copy(gather_tab.at[src0], bufs[0][2], bufs[0][3]).start()

    def pair_body(i, _):
        for b in range(2):
            g = 2 * i + b
            sv, dv, rv, sm = bufs[b]
            sv2, dv2, rv2, sm2 = bufs[1 - b]

            def prefetch():
                load_idx(g + 1, sv2, dv2)
                pltpu.make_async_copy(gather_tab.at[sv2], rv2, sm2).start()

            if b == 0:
                prefetch()
            else:
                @pl.when(i < NCHUNK // 2 - 1)
                def _():
                    prefetch()

            pltpu.make_async_copy(gather_tab.at[sv], rv, sm).wait()
            scatter_fn(rv, dv)
        return 0

    lax.fori_loop(0, NCHUNK // 2, pair_body, 0)


def _copy_rows(src_at, dst_at, is_last):
    def go(nr):
        pltpu.sync_copy(src_at(nr), dst_at(nr))
    _per_tile(is_last, go)


def _sc_pass1(edge_index, y1):
    scratch = [
        pltpu.VMEM((CH,), jnp.int32),
        pltpu.VMEM((CH,), jnp.int32),
        pltpu.VMEM((CH,), jnp.int32),
        pltpu.VMEM((CH,), jnp.int32),
        pltpu.VMEM((CH, HID), jnp.float32),
        pltpu.VMEM((CH, HID), jnp.float32),
        pltpu.SemaphoreType.DMA,
        pltpu.SemaphoreType.DMA,
        pltpu.VMEM((CH, CNTW), jnp.float32),
        pltpu.VMEM_SHARED((N, HID), jnp.float32),
        pltpu.VMEM_SHARED((N, CNTW), jnp.float32),
    ]

    def body(ei_hbm, y_hbm, acc_out, cnt_out, src0, src1, dst0, dst1,
             rows0, rows1, sem0, sem1, ones_v, acc_sh, cnt_sh):
        cid = lax.axis_index("c")
        sid = lax.axis_index("s")
        wid = sid * NC + cid
        row0, is_last = _tile_layout(sid)

        def zrows(i, _):
            rows0[i, pl.ds(0, 16)] = jnp.zeros((16,), jnp.float32)
            rows0[i, pl.ds(16, 16)] = jnp.zeros((16,), jnp.float32)
            ones_v[i, pl.ds(0, 16)] = jnp.zeros((16,), jnp.float32)
            return 0

        lax.fori_loop(0, RLAST, zrows, 0)
        _copy_rows(lambda nr: rows0.at[pl.ds(0, nr)],
                   lambda nr: acc_sh.at[pl.ds(row0, nr)], is_last)
        _copy_rows(lambda nr: ones_v.at[pl.ds(0, nr)],
                   lambda nr: cnt_sh.at[pl.ds(row0, nr)], is_last)

        def fill_ones(i, _):
            ones_v[i, pl.ds(0, 16)] = jnp.ones((16,), jnp.float32)
            return 0

        lax.fori_loop(0, CH, fill_ones, 0)
        plsc.subcore_barrier()

        bufs = ((src0, dst0, rows0, sem0), (src1, dst1, rows1, sem1))

        def scatter(rv, dv):
            pltpu.sync_copy(rv, acc_sh.at[dv], add=True)
            pltpu.sync_copy(ones_v, cnt_sh.at[dv], add=True)

        _edge_pipeline(ei_hbm, wid, bufs, y_hbm, scatter)
        plsc.subcore_barrier()

        _copy_rows(lambda nr: acc_sh.at[pl.ds(row0, nr)],
                   lambda nr: acc_out.at[cid, pl.ds(row0, nr)], is_last)
        _copy_rows(lambda nr: cnt_sh.at[pl.ds(row0, nr)],
                   lambda nr: cnt_out.at[cid, pl.ds(row0, nr)], is_last)

    run = pl.kernel(
        body,
        out_type=[_f32(NC, N, HID), _f32(NC, N, CNTW)],
        mesh=_MESH,
        scratch_types=scratch, compiler_params=_SC_PARAMS,
        name="sage_sc_pass1",
    )
    return run(edge_index, y1)


def _sc_pass2(edge_index, acc1, cntp, xrb):
    scratch = [
        pltpu.VMEM((CH,), jnp.int32),
        pltpu.VMEM((CH,), jnp.int32),
        pltpu.VMEM((CH,), jnp.int32),
        pltpu.VMEM((CH,), jnp.int32),
        pltpu.VMEM((CH, HID), jnp.float32),
        pltpu.VMEM((CH, HID), jnp.float32),
        pltpu.SemaphoreType.DMA,
        pltpu.SemaphoreType.DMA,
        pltpu.VMEM((RLAST, CNTW), jnp.float32),
        pltpu.VMEM((RLAST, CNTW), jnp.float32),
        pltpu.VMEM((RLAST, HID), jnp.float32),
        pltpu.VMEM_SHARED((N, HID), jnp.float32),
    ]

    def body(ei_hbm, acc1_hbm, cntp_hbm, xrb_hbm, acc_out, h_out,
             src0, src1, dst0, dst1, rows0, rows1, sem0, sem1,
             cb0, cb1, xb, acc_sh):
        cid = lax.axis_index("c")
        sid = lax.axis_index("s")
        wid = sid * NC + cid
        row0, is_last = _tile_layout(sid)

        def stage(nr):
            ds = [
                pltpu.make_async_copy(acc1_hbm.at[0, pl.ds(row0, nr)],
                                      rows0.at[pl.ds(0, nr)], sem0),
                pltpu.make_async_copy(acc1_hbm.at[1, pl.ds(row0, nr)],
                                      rows1.at[pl.ds(0, nr)], sem0),
                pltpu.make_async_copy(cntp_hbm.at[0, pl.ds(row0, nr)],
                                      cb0.at[pl.ds(0, nr)], sem0),
                pltpu.make_async_copy(cntp_hbm.at[1, pl.ds(row0, nr)],
                                      cb1.at[pl.ds(0, nr)], sem0),
                pltpu.make_async_copy(xrb_hbm.at[pl.ds(row0, nr)],
                                      xb.at[pl.ds(0, nr)], sem0),
            ]
            for d in ds:
                d.start()
            for d in ds:
                d.wait()

        _per_tile(is_last, stage)

        def hrow(r, _):
            cv = jnp.maximum(cb0[r, pl.ds(0, 16)] + cb1[r, pl.ds(0, 16)], 1.0)
            inv = 1.0 / cv
            for j in range(HID // 16):
                sl = pl.ds(j * 16, 16)
                v = (rows0[r, sl] + rows1[r, sl]) * inv + xb[r, sl]
                xb[r, sl] = jnp.maximum(v, 0.0)
            return 0

        def hcompute(nr):
            lax.fori_loop(0, nr, hrow, 0)
        _per_tile(is_last, hcompute)

        _copy_rows(lambda nr: xb.at[pl.ds(0, nr)],
                   lambda nr: h_out.at[cid, pl.ds(row0, nr)], is_last)

        def zrows(i, _):
            rows0[i, pl.ds(0, 16)] = jnp.zeros((16,), jnp.float32)
            rows0[i, pl.ds(16, 16)] = jnp.zeros((16,), jnp.float32)
            return 0

        lax.fori_loop(0, RLAST, zrows, 0)
        _copy_rows(lambda nr: rows0.at[pl.ds(0, nr)],
                   lambda nr: acc_sh.at[pl.ds(row0, nr)], is_last)
        plsc.subcore_barrier()

        bufs = ((src0, dst0, rows0, sem0), (src1, dst1, rows1, sem1))

        def scatter(rv, dv):
            pltpu.sync_copy(rv, acc_sh.at[dv], add=True)

        _edge_pipeline(ei_hbm, wid, bufs, h_out.at[cid], scatter)
        plsc.subcore_barrier()

        def divrow(r, _):
            cv = jnp.maximum(cb0[r, pl.ds(0, 16)] + cb1[r, pl.ds(0, 16)], 1.0)
            inv = 1.0 / cv
            for j in range(HID // 16):
                sl = pl.ds(j * 16, 16)
                rows0[r, sl] = rows0[r, sl] * inv
            return 0

        def divphase(nr):
            pltpu.sync_copy(acc_sh.at[pl.ds(row0, nr)], rows0.at[pl.ds(0, nr)])
            lax.fori_loop(0, nr, divrow, 0)
            pltpu.sync_copy(rows0.at[pl.ds(0, nr)],
                            acc_out.at[cid, pl.ds(row0, nr)])

        _per_tile(is_last, divphase)

    run = pl.kernel(
        body,
        out_type=[_f32(NC, N, HID), _f32(NC, N, HID)],
        mesh=_MESH, scratch_types=scratch, compiler_params=_SC_PARAMS,
        name="sage_sc_pass2",
    )
    return run(edge_index, acc1, cntp, xrb)


def _dotT(a, w):
    return lax.dot_general(a, w, (((1,), (1,)), ((), ())),
                           preferred_element_type=jnp.float32)


def _pre_body(x_ref, wl_ref, wr_ref, b1_ref, y1_ref, xrb_ref):
    x = x_ref[...]
    y1_ref[...] = _dotT(x, wl_ref[...])
    xrb_ref[...] = _dotT(x, wr_ref[...]) + b1_ref[...]


def _out_body(acc2p_ref, h0p_ref, w2l_ref, w2r_ref, b2_ref, out_ref):
    mean2 = acc2p_ref[0] + acc2p_ref[1]
    h = h0p_ref[0]
    wl = w2l_ref[...]
    wr = w2r_ref[...]
    b2 = b2_ref[...]
    for i in range(4):
        sl = slice(32 * i, 32 * i + 32)
        out_ref[:, sl] = (_dotT(mean2[:, sl], wl) + b2
                          + _dotT(h[:, sl], wr))


def kernel(x, edge_index, W1_l, b1_l, W1_r, W2_l, b2_l, W2_r):
    y1, xrb = pl.pallas_call(
        _pre_body,
        out_shape=[_f32(N, HID), _f32(N, HID)],
    )(x, W1_l, W1_r, b1_l.reshape(1, HID))

    acc1, cntp = _sc_pass1(edge_index, y1)
    acc2, h2 = _sc_pass2(edge_index, acc1, cntp, xrb)

    acc2p = acc2.reshape(NC, N // 4, 128)
    h2p = h2.reshape(NC, N // 4, 128)

    outp = pl.pallas_call(
        _out_body,
        out_shape=_f32(N // 4, 128),
        grid=(1,),
        in_specs=[
            pl.BlockSpec((NC, N // 4, 128), lambda i: (0, 0, 0)),
            pl.BlockSpec((1, N // 4, 128), lambda i: (0, 0, 0)),
            pl.BlockSpec((HID, HID), lambda i: (0, 0)),
            pl.BlockSpec((HID, HID), lambda i: (0, 0)),
            pl.BlockSpec((1, HID), lambda i: (0, 0)),
        ],
        out_specs=pl.BlockSpec((N // 4, 128), lambda i: (0, 0)),
    )(acc2p, h2p, W2_l, W2_r, b2_l.reshape(1, HID))

    return outp.reshape(N, HID)

# --- scband reference (transcript-rebuilt; emitter-appended) ---
"""Pipeline reference for scband-graph-sageencoder-18528488915293 (READ-ONLY COPY).

The authoritative reference and input builder live on the scoring server;
editing this copy changes nothing except your own understanding.
"""

import jax, jax.numpy as jnp
import numpy as np

N_NODES = 10000
N_EDGES = 320000
IN_CH = 128
HID = 32


def _glorot(key, shape):
    fan_in, fan_out = shape[1], shape[0]
    limit = np.sqrt(6.0 / (fan_in + fan_out))
    return jax.random.uniform(key, shape, dtype=jnp.float32, minval=-limit, maxval=limit)


def setup_inputs(seed: int = 0) -> dict:
    key = jax.random.key(seed)
    ks = jax.random.split(key, 8)
    x = jax.random.normal(ks[0], (N_NODES, IN_CH), dtype=jnp.float32)
    edge_index = jax.random.randint(ks[1], (2, N_EDGES), 0, N_NODES, dtype=jnp.int64 if jax.config.jax_enable_x64 else jnp.int32).astype(jnp.int32)
    # SAGEConv params: lin_l (neighbor transform, with bias), lin_r (root transform, no bias)
    W1_l = _glorot(ks[2], (HID, IN_CH))
    b1_l = jnp.zeros((HID,), dtype=jnp.float32)
    W1_r = _glorot(ks[3], (HID, IN_CH))
    W2_l = _glorot(ks[4], (HID, HID))
    b2_l = jnp.zeros((HID,), dtype=jnp.float32)
    W2_r = _glorot(ks[5], (HID, HID))
    return {"x": x, "edge_index": edge_index, "W1_l": W1_l, "b1_l": b1_l, "W1_r": W1_r,
            "W2_l": W2_l, "b2_l": b2_l, "W2_r": W2_r}


def _sage_conv(x, edge_index, W_l, b_l, W_r, num_nodes):
    src = edge_index[0]
    dst = edge_index[1]
    msg = jnp.take(x, src, axis=0)
    summed = jax.ops.segment_sum(msg, dst, num_segments=num_nodes)
    cnt = jax.ops.segment_sum(jnp.ones((msg.shape[0],), dtype=x.dtype), dst, num_segments=num_nodes)
    mean = summed / jnp.clip(cnt, 1.0, None)[:, None]
    out = mean @ W_l.T + b_l + x @ W_r.T
    return out


def reference(x, edge_index, W1_l, b1_l, W1_r, W2_l, b2_l, W2_r):
    h = _sage_conv(x, edge_index, W1_l, b1_l, W1_r, N_NODES)
    h = jax.nn.relu(h)
    # dropout is identity in eval mode
    out = _sage_conv(h, edge_index, W2_l, b2_l, W2_r, N_NODES)
    return out

if __name__ == "__main__":
    import jax
    _d = setup_inputs()
    print(jax.jit(kernel)(*tuple(_d.values())))

</pallas_src>

<mosaic_0001>
#map = affine_map<(d0, d1) -> (0, 0)>
#map1 = affine_map<(d0, d1) -> (0, 0, 0)>
module attributes {stable_mosaic.version = 14 : i64} {
  func.func @sage_sc_pass2(%arg0: i32, %arg1: i32, %arg2: memref<2x320000xi32, #tpu.memory_space<hbm>>, %arg3: memref<2x10000x32xf32, #tpu.memory_space<hbm>>, %arg4: memref<2x10000x16xf32, #tpu.memory_space<hbm>>, %arg5: memref<10000x32xf32, #tpu.memory_space<hbm>>, %arg6: memref<2x10000x32xf32, #tpu.memory_space<hbm>>, %arg7: memref<2x10000x32xf32, #tpu.memory_space<hbm>>, %arg8: memref<1000xi32, #tpu.memory_space<vmem>>, %arg9: memref<1000xi32, #tpu.memory_space<vmem>>, %arg10: memref<1000xi32, #tpu.memory_space<vmem>>, %arg11: memref<1000xi32, #tpu.memory_space<vmem>>, %arg12: memref<1000x32xf32, #tpu.memory_space<vmem>>, %arg13: memref<1000x32xf32, #tpu.memory_space<vmem>>, %arg14: memref<!tpu.dma_semaphore, #tpu.memory_space<semaphore_mem>>, %arg15: memref<!tpu.dma_semaphore, #tpu.memory_space<semaphore_mem>>, %arg16: memref<640x16xf32, #tpu.memory_space<vmem>>, %arg17: memref<640x16xf32, #tpu.memory_space<vmem>>, %arg18: memref<640x32xf32, #tpu.memory_space<vmem>>, %arg19: memref<10000x32xf32, #tpu.memory_space<vmem_shared>>) attributes {dimension_semantics = [#tpu.dimension_semantics<core_parallel>, #tpu.dimension_semantics<subcore_parallel>], iteration_bounds = array<i64: 2, 16>, scalar_prefetch = 0 : i64, scratch_operands = 12 : i64, tpu.core_type = #tpu.core_type<sc_vector_subcore>, window_params = [{transform_indices = #map}, {transform_indices = #map1}, {transform_indices = #map1}, {transform_indices = #map}, {transform_indices = #map1}, {transform_indices = #map1}]} {
    %mul3A = arith.constant 2 : i32
    %mul3A_0 = arith.muli %arg1, %mul3A : i32
    %add3A = arith.addi %mul3A_0, %arg0 : i32
    %mul3A_1 = arith.constant 624 : i32
    %mul3A_2 = arith.muli %arg1, %mul3A_1 : i32
    %multiple_of3A = tpu.assume_multiple %mul3A_2, 8 : i32
    %eq3A = arith.constant 15 : i32
    %eq3A_3 = arith.cmpi eq, %arg1, %eq3A : i32
    %convert_element_type3A = arith.extui %eq3A_3 : i1 to i32
    %cond3A = arith.constant 0 : i32
    %cond3A_4 = arith.cmpi ne, %convert_element_type3A, %cond3A : i32
    scf.if %cond3A_4 {
      %dma_start3A_67 = arith.constant 0 : i32
      %dma_start3A_68 = arith.constant 0 : i32
      %dma_start3A_69 = arith.constant 0 : i32
      %dma_start3A_70 = tpu.memref_slice %arg12[%dma_start3A_68, %dma_start3A_69] : memref<1000x32xf32, #tpu.memory_space<vmem>> -> memref<640x32xf32, #tpu.memory_space<vmem>>
      %dma_start3A_71 = arith.constant 0 : i32
      %dma_start3A_72 = tpu.memref_slice %arg3[%dma_start3A_67, %multiple_of3A, %dma_start3A_71] : memref<2x10000x32xf32, #tpu.memory_space<hbm>> -> memref<1x640x32xf32, #tpu.memory_space<hbm>>
      %dma_start3A_73 = tpu.memref_squeeze %dma_start3A_72 : memref<1x640x32xf32, #tpu.memory_space<hbm>> -> memref<640x32xf32, #tpu.memory_space<hbm>>
      %dma_start3A_74 = arith.constant 0 : i32
      %dma_start3A_75 = arith.constant 0 : i32
      %dma_start3A_76 = tpu.memref_slice %arg12[%dma_start3A_74, %dma_start3A_75] : memref<1000x32xf32, #tpu.memory_space<vmem>> -> memref<640x32xf32, #tpu.memory_space<vmem>>
      %dma_start3A_77 = arith.constant 0 : i32
      %dma_start3A_78 = tpu.memref_slice %arg3[%dma_start3A_67, %multiple_of3A, %dma_start3A_77] : memref<2x10000x32xf32, #tpu.memory_space<hbm>> -> memref<1x640x32xf32, #tpu.memory_space<hbm>>
      %dma_start3A_79 = tpu.memref_squeeze %dma_start3A_78 : memref<1x640x32xf32, #tpu.memory_space<hbm>> -> memref<640x32xf32, #tpu.memory_space<hbm>>
      tpu.enqueue_dma source(%dma_start3A_79 : memref<640x32xf32, #tpu.memory_space<hbm>>) target(%dma_start3A_76 : memref<640x32xf32, #tpu.memory_space<vmem>>) target_semaphore(%arg14 : memref<!tpu.dma_semaphore, #tpu.memory_space<semaphore_mem>>)
      %dma_start3A_80 = arith.constant 1 : i32
      %dma_start3A_81 = arith.constant 0 : i32
      %dma_start3A_82 = arith.constant 0 : i32
      %dma_start3A_83 = tpu.memref_slice %arg13[%dma_start3A_81, %dma_start3A_82] : memref<1000x32xf32, #tpu.memory_space<vmem>> -> memref<640x32xf32, #tpu.memory_space<vmem>>
      %dma_start3A_84 = arith.constant 0 : i32
      %dma_start3A_85 = tpu.memref_slice %arg3[%dma_start3A_80, %multiple_of3A, %dma_start3A_84] : memref<2x10000x32xf32, #tpu.memory_space<hbm>> -> memref<1x640x32xf32, #tpu.memory_space<hbm>>
      %dma_start3A_86 = tpu.memref_squeeze %dma_start3A_85 : memref<1x640x32xf32, #tpu.memory_space<hbm>> -> memref<640x32xf32, #tpu.memory_space<hbm>>
      %dma_start3A_87 = arith.constant 0 : i32
      %dma_start3A_88 = arith.constant 0 : i32
      %dma_start3A_89 = tpu.memref_slice %arg13[%dma_start3A_87, %dma_start3A_88] : memref<1000x32xf32, #tpu.memory_space<vmem>> -> memref<640x32xf32, #tpu.memory_space<vmem>>
      %dma_start3A_90 = arith.constant 0 : i32
      %dma_start3A_91 = tpu.memref_slice %arg3[%dma_start3A_80, %multiple_of3A, %dma_start3A_90] : memref<2x10000x32xf32, #tpu.memory_space<hbm>> -> memref<1x640x32xf32, #tpu.memory_space<hbm>>
      %dma_start3A_92 = tpu.memref_squeeze %dma_start3A_91 : memref<1x640x32xf32, #tpu.memory_space<hbm>> -> memref<640x32xf32, #tpu.memory_space<hbm>>
      tpu.enqueue_dma source(%dma_start3A_92 : memref<640x32xf32, #tpu.memory_space<hbm>>) target(%dma_start3A_89 : memref<640x32xf32, #tpu.memory_space<vmem>>) target_semaphore(%arg14 : memref<!tpu.dma_semaphore, #tpu.memory_space<semaphore_mem>>)
      %dma_start3A_93 = arith.constant 0 : i32
      %dma_start3A_94 = arith.constant 0 : i32
      %dma_start3A_95 = arith.constant 0 : i32
      %dma_start3A_96 = tpu.memref_slice %arg16[%dma_start3A_94, %dma_start3A_95] : memref<640x16xf32, #tpu.memory_space<vmem>> -> memref<640x16xf32, #tpu.memory_space<vmem>>
      %dma_start3A_97 = arith.constant 0 : i32
      %dma_start3A_98 = tpu.memref_slice %arg4[%dma_start3A_93, %multiple_of3A, %dma_start3A_97] : memref<2x10000x16xf32, #tpu.memory_space<hbm>> -> memref<1x640x16xf32, #tpu.memory_space<hbm>>
      %dma_start3A_99 = tpu.memref_squeeze %dma_start3A_98 : memref<1x640x16xf32, #tpu.memory_space<hbm>> -> memref<640x16xf32, #tpu.memory_space<hbm>>
      %dma_start3A_100 = arith.constant 0 : i32
      %dma_start3A_101 = arith.constant 0 : i32
      %dma_start3A_102 = tpu.memref_slice %arg16[%dma_start3A_100, %dma_start3A_101] : memref<640x16xf32, #tpu.memory_space<vmem>> -> memref<640x16xf32, #tpu.memory_space<vmem>>
      %dma_start3A_103 = arith.constant 0 : i32
      %dma_start3A_104 = tpu.memref_slice %arg4[%dma_start3A_93, %multiple_of3A, %dma_start3A_103] : memref<2x10000x16xf32, #tpu.memory_space<hbm>> -> memref<1x640x16xf32, #tpu.memory_space<hbm>>
      %dma_start3A_105 = tpu.memref_squeeze %dma_start3A_104 : memref<1x640x16xf32, #tpu.memory_space<hbm>> -> memref<640x16xf32, #tpu.memory_space<hbm>>
      tpu.enqueue_dma source(%dma_start3A_105 : memref<640x16xf32, #tpu.memory_space<hbm>>) target(%dma_start3A_102 : memref<640x16xf32, #tpu.memory_space<vmem>>) target_semaphore(%arg14 : memref<!tpu.dma_semaphore, #tpu.memory_space<semaphore_mem>>)
      %dma_start3A_106 = arith.constant 1 : i32
      %dma_start3A_107 = arith.constant 0 : i32
      %dma_start3A_108 = arith.constant 0 : i32
      %dma_start3A_109 = tpu.memref_slice %arg17[%dma_start3A_107, %dma_start3A_108] : memref<640x16xf32, #tpu.memory_space<vmem>> -> memref<640x16xf32, #tpu.memory_space<vmem>>
      %dma_start3A_110 = arith.constant 0 : i32
      %dma_start3A_111 = tpu.memref_slice %arg4[%dma_start3A_106, %multiple_of3A, %dma_start3A_110] : memref<2x10000x16xf32, #tpu.memory_space<hbm>> -> memref<1x640x16xf32, #tpu.memory_space<hbm>>
      %dma_start3A_112 = tpu.memref_squeeze %dma_start3A_111 : memref<1x640x16xf32, #tpu.memory_space<hbm>> -> memref<640x16xf32, #tpu.memory_space<hbm>>
      %dma_start3A_113 = arith.constant 0 : i32
      %dma_start3A_114 = arith.constant 0 : i32
      %dma_start3A_115 = tpu.memref_slice %arg17[%dma_start3A_113, %dma_start3A_114] : memref<640x16xf32, #tpu.memory_space<vmem>> -> memref<640x16xf32, #tpu.memory_space<vmem>>
      %dma_start3A_116 = arith.constant 0 : i32
      %dma_start3A_117 = tpu.memref_slice %arg4[%dma_start3A_106, %multiple_of3A, %dma_start3A_116] : memref<2x10000x16xf32, #tpu.memory_space<hbm>> -> memref<1x640x16xf32, #tpu.memory_space<hbm>>
      %dma_start3A_118 = tpu.memref_squeeze %dma_start3A_117 : memref<1x640x16xf32, #tpu.memory_space<hbm>> -> memref<640x16xf32, #tpu.memory_space<hbm>>
      tpu.enqueue_dma source(%dma_start3A_118 : memref<640x16xf32, #tpu.memory_space<hbm>>) target(%dma_start3A_115 : memref<640x16xf32, #tpu.memory_space<vmem>>) target_semaphore(%arg14 : memref<!tpu.dma_semaphore, #tpu.memory_space<semaphore_mem>>)
      %dma_start3A_119 = arith.constant 0 : i32
      %dma_start3A_120 = arith.constant 0 : i32
      %dma_start3A_121 = tpu.memref_slice %arg18[%dma_start3A_119, %dma_start3A_120] : memref<640x32xf32, #tpu.memory_space<vmem>> -> memref<640x32xf32, #tpu.memory_space<vmem>>
      %dma_start3A_122 = arith.constant 0 : i32
      %dma_start3A_123 = tpu.memref_slice %arg5[%multiple_of3A, %dma_start3A_122] : memref<10000x32xf32, #tpu.memory_space<hbm>> -> memref<640x32xf32, #tpu.memory_space<hbm>>
      %dma_start3A_124 = arith.constant 0 : i32
      %dma_start3A_125 = arith.constant 0 : i32
      %dma_start3A_126 = tpu.memref_slice %arg18[%dma_start3A_124, %dma_start3A_125] : memref<640x32xf32, #tpu.memory_space<vmem>> -> memref<640x32xf32, #tpu.memory_space<vmem>>
      %dma_start3A_127 = arith.constant 0 : i32
      %dma_start3A_128 = tpu.memref_slice %arg5[%multiple_of3A, %dma_start3A_127] : memref<10000x32xf32, #tpu.memory_space<hbm>> -> memref<640x32xf32, #tpu.memory_space<hbm>>
      tpu.enqueue_dma source(%dma_start3A_128 : memref<640x32xf32, #tpu.memory_space<hbm>>) target(%dma_start3A_126 : memref<640x32xf32, #tpu.memory_space<vmem>>) target_semaphore(%arg14 : memref<!tpu.dma_semaphore, #tpu.memory_space<semaphore_mem>>)
      %dma_wait3A = arith.constant 0 : i32
      %dma_wait3A_129 = arith.constant 0 : i32
      %dma_wait3A_130 = arith.constant 0 : i32
      %dma_wait3A_131 = tpu.memref_slice %arg12[%dma_wait3A_129, %dma_wait3A_130] : memref<1000x32xf32, #tpu.memory_space<vmem>> -> memref<640x32xf32, #tpu.memory_space<vmem>>
      %dma_wait3A_132 = arith.constant 0 : i32
      %dma_wait3A_133 = tpu.memref_slice %arg3[%dma_wait3A, %multiple_of3A, %dma_wait3A_132] : memref<2x10000x32xf32, #tpu.memory_space<hbm>> -> memref<1x640x32xf32, #tpu.memory_space<hbm>>
      %dma_wait3A_134 = tpu.memref_squeeze %dma_wait3A_133 : memref<1x640x32xf32, #tpu.memory_space<hbm>> -> memref<640x32xf32, #tpu.memory_space<hbm>>
      %dma_wait3A_135 = arith.constant 0 : i32
      %dma_wait3A_136 = arith.constant 0 : i32
      %dma_wait3A_137 = tpu.memref_slice %arg12[%dma_wait3A_135, %dma_wait3A_136] : memref<1000x32xf32, #tpu.memory_space<vmem>> -> memref<640x32xf32, #tpu.memory_space<vmem>>
      %dma_wait3A_138 = arith.constant 0 : i32
      %dma_wait3A_139 = tpu.memref_slice %arg3[%dma_wait3A, %multiple_of3A, %dma_wait3A_138] : memref<2x10000x32xf32, #tpu.memory_space<hbm>> -> memref<1x640x32xf32, #tpu.memory_space<hbm>>
      %dma_wait3A_140 = tpu.memref_squeeze %dma_wait3A_139 : memref<1x640x32xf32, #tpu.memory_space<hbm>> -> memref<640x32xf32, #tpu.memory_space<hbm>>
      tpu.wait_dma2 semaphore(%arg14 : memref<!tpu.dma_semaphore, #tpu.memory_space<semaphore_mem>>) src(%dma_wait3A_140 : memref<640x32xf32, #tpu.memory_space<hbm>>) dst(%dma_wait3A_137 : memref<640x32xf32, #tpu.memory_space<vmem>>)
      %dma_wait3A_141 = arith.constant 1 : i32
      %dma_wait3A_142 = arith.constant 0 : i32
      %dma_wait3A_143 = arith.constant 0 : i32
      %dma_wait3A_144 = tpu.memref_slice %arg13[%dma_wait3A_142, %dma_wait3A_143] : memref<1000x32xf32, #tpu.memory_space<vmem>> -> memref<640x32xf32, #tpu.memory_space<vmem>>
      %dma_wait3A_145 = arith.constant 0 : i32
      %dma_wait3A_146 = tpu.memref_slice %arg3[%dma_wait3A_141, %multiple_of3A, %dma_wait3A_145] : memref<2x10000x32xf32, #tpu.memory_space<hbm>> -> memref<1x640x32xf32, #tpu.memory_space<hbm>>
      %dma_wait3A_147 = tpu.memref_squeeze %dma_wait3A_146 : memref<1x640x32xf32, #tpu.memory_space<hbm>> -> memref<640x32xf32, #tpu.memory_space<hbm>>
      %dma_wait3A_148 = arith.constant 0 : i32
      %dma_wait3A_149 = arith.constant 0 : i32
      %dma_wait3A_150 = tpu.memref_slice %arg13[%dma_wait3A_148, %dma_wait3A_149] : memref<1000x32xf32, #tpu.memory_space<vmem>> -> memref<640x32xf32, #tpu.memory_space<vmem>>
      %dma_wait3A_151 = arith.constant 0 : i32
      %dma_wait3A_152 = tpu.memref_slice %arg3[%dma_wait3A_141, %multiple_of3A, %dma_wait3A_151] : memref<2x10000x32xf32, #tpu.memory_space<hbm>> -> memref<1x640x32xf32, #tpu.memory_space<hbm>>
      %dma_wait3A_153 = tpu.memref_squeeze %dma_wait3A_152 : memref<1x640x32xf32, #tpu.memory_space<hbm>> -> memref<640x32xf32, #tpu.memory_space<hbm>>
      tpu.wait_dma2 semaphore(%arg14 : memref<!tpu.dma_semaphore, #tpu.memory_space<semaphore_mem>>) src(%dma_wait3A_153 : memref<640x32xf32, #tpu.memory_space<hbm>>) dst(%dma_wait3A_150 : memref<640x32xf32, #tpu.memory_space<vmem>>)
      %dma_wait3A_154 = arith.constant 0 : i32
      %dma_wait3A_155 = arith.constant 0 : i32
      %dma_wait3A_156 = arith.constant 0 : i32
      %dma_wait3A_157 = tpu.memref_slice %arg16[%dma_wait3A_155, %dma_wait3A_156] : memref<640x16xf32, #tpu.memory_space<vmem>> -> memref<640x16xf32, #tpu.memory_space<vmem>>
      %dma_wait3A_158 = arith.constant 0 : i32
      %dma_wait3A_159 = tpu.memref_slice %arg4[%dma_wait3A_154, %multiple_of3A, %dma_wait3A_158] : memref<2x10000x16xf32, #tpu.memory_space<hbm>> -> memref<1x640x16xf32, #tpu.memory_space<hbm>>
      %dma_wait3A_160 = tpu.memref_squeeze %dma_wait3A_159 : memref<1x640x16xf32, #tpu.memory_space<hbm>> -> memref<640x16xf32, #tpu.memory_space<hbm>>
      %dma_wait3A_161 = arith.constant 0 : i32
      %dma_wait3A_162 = arith.constant 0 : i32
      %dma_wait3A_163 = tpu.memref_slice %arg16[%dma_wait3A_161, %dma_wait3A_162] : memref<640x16xf32, #tpu.memory_space<vmem>> -> memref<640x16xf32, #tpu.memory_space<vmem>>
      %dma_wait3A_164 = arith.constant 0 : i32
      %dma_wait3A_165 = tpu.memref_slice %arg4[%dma_wait3A_154, %multiple_of3A, %dma_wait3A_164] : memref<2x10000x16xf32, #tpu.memory_space<hbm>> -> memref<1x640x16xf32, #tpu.memory_space<hbm>>
      %dma_wait3A_166 = tpu.memref_squeeze %dma_wait3A_165 : memref<1x640x16xf32, #tpu.memory_space<hbm>> -> memref<640x16xf32, #tpu.memory_space<hbm>>
      tpu.wait_dma2 semaphore(%arg14 : memref<!tpu.dma_semaphore, #tpu.memory_space<semaphore_mem>>) src(%dma_wait3A_166 : memref<640x16xf32, #tpu.memory_space<hbm>>) dst(%dma_wait3A_163 : memref<640x16xf32, #tpu.memory_space<vmem>>)
      %dma_wait3A_167 = arith.constant 1 : i32
      %dma_wait3A_168 = arith.constant 0 : i32
      %dma_wait3A_169 = arith.constant 0 : i32
      %dma_wait3A_170 = tpu.memref_slice %arg17[%dma_wait3A_168, %dma_wait3A_169] : memref<640x16xf32, #tpu.memory_space<vmem>> -> memref<640x16xf32, #tpu.memory_space<vmem>>
      %dma_wait3A_171 = arith.constant 0 : i32
      %dma_wait3A_172 = tpu.memref_slice %arg4[%dma_wait3A_167, %multiple_of3A, %dma_wait3A_171] : memref<2x10000x16xf32, #tpu.memory_space<hbm>> -> memref<1x640x16xf32, #tpu.memory_space<hbm>>
      %dma_wait3A_173 = tpu.memref_squeeze %dma_wait3A_172 : memref<1x640x16xf32, #tpu.memory_space<hbm>> -> memref<640x16xf32, #tpu.memory_space<hbm>>
      %dma_wait3A_174 = arith.constant 0 : i32
      %dma_wait3A_175 = arith.constant 0 : i32
      %dma_wait3A_176 = tpu.memref_slice %arg17[%dma_wait3A_174, %dma_wait3A_175] : memref<640x16xf32, #tpu.memory_space<vmem>> -> memref<640x16xf32, #tpu.memory_space<vmem>>
      %dma_wait3A_177 = arith.constant 0 : i32
      %dma_wait3A_178 = tpu.memref_slice %arg4[%dma_wait3A_167, %multiple_of3A, %dma_wait3A_177] : memref<2x10000x16xf32, #tpu.memory_space<hbm>> -> memref<1x640x16xf32, #tpu.memory_space<hbm>>
      %dma_wait3A_179 = tpu.memref_squeeze %dma_wait3A_178 : memref<1x640x16xf32, #tpu.memory_space<hbm>> -> memref<640x16xf32, #tpu.memory_space<hbm>>
      tpu.wait_dma2 semaphore(%arg14 : memref<!tpu.dma_semaphore, #tpu.memory_space<semaphore_mem>>) src(%dma_wait3A_179 : memref<640x16xf32, #tpu.memory_space<hbm>>) dst(%dma_wait3A_176 : memref<640x16xf32, #tpu.memory_space<vmem>>)
      %dma_wait3A_180 = arith.constant 0 : i32
      %dma_wait3A_181 = arith.constant 0 : i32
      %dma_wait3A_182 = tpu.memref_slice %arg18[%dma_wait3A_180, %dma_wait3A_181] : memref<640x32xf32, #tpu.memory_space<vmem>> -> memref<640x32xf32, #tpu.memory_space<vmem>>
      %dma_wait3A_183 = arith.constant 0 : i32
      %dma_wait3A_184 = tpu.memref_slice %arg5[%multiple_of3A, %dma_wait3A_183] : memref<10000x32xf32, #tpu.memory_space<hbm>> -> memref<640x32xf32, #tpu.memory_space<hbm>>
      %dma_wait3A_185 = arith.constant 0 : i32
      %dma_wait3A_186 = arith.constant 0 : i32
      %dma_wait3A_187 = tpu.memref_slice %arg18[%dma_wait3A_185, %dma_wait3A_186] : memref<640x32xf32, #tpu.memory_space<vmem>> -> memref<640x32xf32, #tpu.memory_space<vmem>>
      %dma_wait3A_188 = arith.constant 0 : i32
      %dma_wait3A_189 = tpu.memref_slice %arg5[%multiple_of3A, %dma_wait3A_188] : memref<10000x32xf32, #tpu.memory_space<hbm>> -> memref<640x32xf32, #tpu.memory_space<hbm>>
      tpu.wait_dma2 semaphore(%arg14 : memref<!tpu.dma_semaphore, #tpu.memory_space<semaphore_mem>>) src(%dma_wait3A_189 : memref<640x32xf32, #tpu.memory_space<hbm>>) dst(%dma_wait3A_187 : memref<640x32xf32, #tpu.memory_space<vmem>>)
    } else {
    }
    %not3A = arith.constant true
    %not3A_5 = arith.xori %eq3A_3, %not3A : i1
    %convert_element_type3A_6 = arith.extui %not3A_5 : i1 to i32
    %cond3A_7 = arith.constant 0 : i32
    %cond3A_8 = arith.cmpi ne, %convert_element_type3A_6, %cond3A_7 : i32
    scf.if %cond3A_8 {
      %dma_start3A_67 = arith.constant 0 : i32
      %dma_start3A_68 = arith.constant 0 : i32
      %dma_start3A_69 = arith.constant 0 : i32
      %dma_start3A_70 = tpu.memref_slice %arg12[%dma_start3A_68, %dma_start3A_69] : memref<1000x32xf32, #tpu.memory_space<vmem>> -> memref<624x32xf32, #tpu.memory_space<vmem>>
      %dma_start3A_71 = arith.constant 0 : i32
      %dma_start3A_72 = tpu.memref_slice %arg3[%dma_start3A_67, %multiple_of3A, %dma_start3A_71] : memref<2x10000x32xf32, #tpu.memory_space<hbm>> -> memref<1x624x32xf32, #tpu.memory_space<hbm>>
      %dma_start3A_73 = tpu.memref_squeeze %dma_start3A_72 : memref<1x624x32xf32, #tpu.memory_space<hbm>> -> memref<624x32xf32, #tpu.memory_space<hbm>>
      %dma_start3A_74 = arith.constant 0 : i32
      %dma_start3A_75 = arith.constant 0 : i32
      %dma_start3A_76 = tpu.memref_slice %arg12[%dma_start3A_74, %dma_start3A_75] : memref<1000x32xf32, #tpu.memory_space<vmem>> -> memref<624x32xf32, #tpu.memory_space<vmem>>
      %dma_start3A_77 = arith.constant 0 : i32
      %dma_start3A_78 = tpu.memref_slice %arg3[%dma_start3A_67, %multiple_of3A, %dma_start3A_77] : memref<2x10000x32xf32, #tpu.memory_space<hbm>> -> memref<1x624x32xf32, #tpu.memory_space<hbm>>
      %dma_start3A_79 = tpu.memref_squeeze %dma_start3A_78 : memref<1x624x32xf32, #tpu.memory_space<hbm>> -> memref<624x32xf32, #tpu.memory_space<hbm>>
      tpu.enqueue_dma source(%dma_start3A_79 : memref<624x32xf32, #tpu.memory_space<hbm>>) target(%dma_start3A_76 : memref<624x32xf32, #tpu.memory_space<vmem>>) target_semaphore(%arg14 : memref<!tpu.dma_semaphore, #tpu.memory_space<semaphore_mem>>)
      %dma_start3A_80 = arith.constant 1 : i32
      %dma_start3A_81 = arith.constant 0 : i32
      %dma_start3A_82 = arith.constant 0 : i32
      %dma_start3A_83 = tpu.memref_slice %arg13[%dma_start3A_81, %dma_start3A_82] : memref<1000x32xf32, #tpu.memory_space<vmem>> -> memref<624x32xf32, #tpu.memory_space<vmem>>
      %dma_start3A_84 = arith.constant 0 : i32
      %dma_start3A_85 = tpu.memref_slice %arg3[%dma_start3A_80, %multiple_of3A, %dma_start3A_84] : memref<2x10000x32xf32, #tpu.memory_space<hbm>> -> memref<1x624x32xf32, #tpu.memory_space<hbm>>
      %dma_start3A_86 = tpu.memref_squeeze %dma_start3A_85 : memref<1x624x32xf32, #tpu.memory_space<hbm>> -> memref<624x32xf32, #tpu.memory_space<hbm>>
      %dma_start3A_87 = arith.constant 0 : i32
      %dma_start3A_88 = arith.constant 0 : i32
      %dma_start3A_89 = tpu.memref_slice %arg13[%dma_start3A_87, %dma_start3A_88] : memref<1000x32xf32, #tpu.memory_space<vmem>> -> memref<624x32xf32, #tpu.memory_space<vmem>>
      %dma_start3A_90 = arith.constant 0 : i32
      %dma_start3A_91 = tpu.memref_slice %arg3[%dma_start3A_80, %multiple_of3A, %dma_start3A_90] : memref<2x10000x32xf32, #tpu.memory_space<hbm>> -> memref<1x624x32xf32, #tpu.memory_space<hbm>>
      %dma_start3A_92 = tpu.memref_squeeze %dma_start3A_91 : memref<1x624x32xf32, #tpu.memory_space<hbm>> -> memref<624x32xf32, #tpu.memory_space<hbm>>
      tpu.enqueue_dma source(%dma_start3A_92 : memref<624x32xf32, #tpu.memory_space<hbm>>) target(%dma_start3A_89 : memref<624x32xf32, #tpu.memory_space<vmem>>) target_semaphore(%arg14 : memref<!tpu.dma_semaphore, #tpu.memory_space<semaphore_mem>>)
      %dma_start3A_93 = arith.constant 0 : i32
      %dma_start3A_94 = arith.constant 0 : i32
      %dma_start3A_95 = arith.constant 0 : i32
      %dma_start3A_96 = tpu.memref_slice %arg16[%dma_start3A_94, %dma_start3A_95] : memref<640x16xf32, #tpu.memory_space<vmem>> -> memref<624x16xf32, #tpu.memory_space<vmem>>
      %dma_start3A_97 = arith.constant 0 : i32
      %dma_start3A_98 = tpu.memref_slice %arg4[%dma_start3A_93, %multiple_of3A, %dma_start3A_97] : memref<2x10000x16xf32, #tpu.memory_space<hbm>> -> memref<1x624x16xf32, #tpu.memory_space<hbm>>
      %dma_start3A_99 = tpu.memref_squeeze %dma_start3A_98 : memref<1x624x16xf32, #tpu.memory_space<hbm>> -> memref<624x16xf32, #tpu.memory_space<hbm>>
      %dma_start3A_100 = arith.constant 0 : i32
      %dma_start3A_101 = arith.constant 0 : i32
      %dma_start3A_102 = tpu.memref_slice %arg16[%dma_start3A_100, %dma_start3A_101] : memref<640x16xf32, #tpu.memory_space<vmem>> -> memref<624x16xf32, #tpu.memory_space<vmem>>
      %dma_start3A_103 = arith.constant 0 : i32
      %dma_start3A_104 = tpu.memref_slice %arg4[%dma_start3A_93, %multiple_of3A, %dma_start3A_103] : memref<2x10000x16xf32, #tpu.memory_space<hbm>> -> memref<1x624x16xf32, #tpu.memory_space<hbm>>
      %dma_start3A_105 = tpu.memref_squeeze %dma_start3A_104 : memref<1x624x16xf32, #tpu.memory_space<hbm>> -> memref<624x16xf32, #tpu.memory_space<hbm>>
      tpu.enqueue_dma source(%dma_start3A_105 : memref<624x16xf32, #tpu.memory_space<hbm>>) target(%dma_start3A_102 : memref<624x16xf32, #tpu.memory_space<vmem>>) target_semaphore(%arg14 : memref<!tpu.dma_semaphore, #tpu.memory_space<semaphore_mem>>)
      %dma_start3A_106 = arith.constant 1 : i32
      %dma_start3A_107 = arith.constant 0 : i32
      %dma_start3A_108 = arith.constant 0 : i32
      %dma_start3A_109 = tpu.memref_slice %arg17[%dma_start3A_107, %dma_start3A_108] : memref<640x16xf32, #tpu.memory_space<vmem>> -> memref<624x16xf32, #tpu.memory_space<vmem>>
      %dma_start3A_110 = arith.constant 0 : i32
      %dma_start3A_111 = tpu.memref_slice %arg4[%dma_start3A_106, %multiple_of3A, %dma_start3A_110] : memref<2x10000x16xf32, #tpu.memory_space<hbm>> -> memref<1x624x16xf32, #tpu.memory_space<hbm>>
      %dma_start3A_112 = tpu.memref_squeeze %dma_start3A_111 : memref<1x624x16xf32, #tpu.memory_space<hbm>> -> memref<624x16xf32, #tpu.memory_space<hbm>>
      %dma_start3A_113 = arith.constant 0 : i32
      %dma_start3A_114 = arith.constant 0 : i32
      %dma_start3A_115 = tpu.memref_slice %arg17[%dma_start3A_113, %dma_start3A_114] : memref<640x16xf32, #tpu.memory_space<vmem>> -> memref<624x16xf32, #tpu.memory_space<vmem>>
      %dma_start3A_116 = arith.constant 0 : i32
      %dma_start3A_117 = tpu.memref_slice %arg4[%dma_start3A_106, %multiple_of3A, %dma_start3A_116] : memref<2x10000x16xf32, #tpu.memory_space<hbm>> -> memref<1x624x16xf32, #tpu.memory_space<hbm>>
      %dma_start3A_118 = tpu.memref_squeeze %dma_start3A_117 : memref<1x624x16xf32, #tpu.memory_space<hbm>> -> memref<624x16xf32, #tpu.memory_space<hbm>>
      tpu.enqueue_dma source(%dma_start3A_118 : memref<624x16xf32, #tpu.memory_space<hbm>>) target(%dma_start3A_115 : memref<624x16xf32, #tpu.memory_space<vmem>>) target_semaphore(%arg14 : memref<!tpu.dma_semaphore, #tpu.memory_space<semaphore_mem>>)
      %dma_start3A_119 = arith.constant 0 : i32
      %dma_start3A_120 = arith.constant 0 : i32
      %dma_start3A_121 = tpu.memref_slice %arg18[%dma_start3A_119, %dma_start3A_120] : memref<640x32xf32, #tpu.memory_space<vmem>> -> memref<624x32xf32, #tpu.memory_space<vmem>>
      %dma_start3A_122 = arith.constant 0 : i32
      %dma_start3A_123 = tpu.memref_slice %arg5[%multiple_of3A, %dma_start3A_122] : memref<10000x32xf32, #tpu.memory_space<hbm>> -> memref<624x32xf32, #tpu.memory_space<hbm>>
      %dma_start3A_124 = arith.constant 0 : i32
      %dma_start3A_125 = arith.constant 0 : i32
      %dma_start3A_126 = tpu.memref_slice %arg18[%dma_start3A_124, %dma_start3A_125] : memref<640x32xf32, #tpu.memory_space<vmem>> -> memref<624x32xf32, #tpu.memory_space<vmem>>
      %dma_start3A_127 = arith.constant 0 : i32
      %dma_start3A_128 = tpu.memref_slice %arg5[%multiple_of3A, %dma_start3A_127] : memref<10000x32xf32, #tpu.memory_space<hbm>> -> memref<624x32xf32, #tpu.memory_space<hbm>>
      tpu.enqueue_dma source(%dma_start3A_128 : memref<624x32xf32, #tpu.memory_space<hbm>>) target(%dma_start3A_126 : memref<624x32xf32, #tpu.memory_space<vmem>>) target_semaphore(%arg14 : memref<!tpu.dma_semaphore, #tpu.memory_space<semaphore_mem>>)
      %dma_wait3A = arith.constant 0 : i32
      %dma_wait3A_129 = arith.constant 0 : i32
      %dma_wait3A_130 = arith.constant 0 : i32
      %dma_wait3A_131 = tpu.memref_slice %arg12[%dma_wait3A_129, %dma_wait3A_130] : memref<1000x32xf32, #tpu.memory_space<vmem>> -> memref<624x32xf32, #tpu.memory_space<vmem>>
      %dma_wait3A_132 = arith.constant 0 : i32
      %dma_wait3A_133 = tpu.memref_slice %arg3[%dma_wait3A, %multiple_of3A, %dma_wait3A_132] : memref<2x10000x32xf32, #tpu.memory_space<hbm>> -> memref<1x624x32xf32, #tpu.memory_space<hbm>>
      %dma_wait3A_134 = tpu.memref_squeeze %dma_wait3A_133 : memref<1x624x32xf32, #tpu.memory_space<hbm>> -> memref<624x32xf32, #tpu.memory_space<hbm>>
      %dma_wait3A_135 = arith.constant 0 : i32
      %dma_wait3A_136 = arith.constant 0 : i32
      %dma_wait3A_137 = tpu.memref_slice %arg12[%dma_wait3A_135, %dma_wait3A_136] : memref<1000x32xf32, #tpu.memory_space<vmem>> -> memref<624x32xf32, #tpu.memory_space<vmem>>
      %dma_wait3A_138 = arith.constant 0 : i32
      %dma_wait3A_139 = tpu.memref_slice %arg3[%dma_wait3A, %multiple_of3A, %dma_wait3A_138] : memref<2x10000x32xf32, #tpu.memory_space<hbm>> -> memref<1x624x32xf32, #tpu.memory_space<hbm>>
      %dma_wait3A_140 = tpu.memref_squeeze %dma_wait3A_139 : memref<1x624x32xf32, #tpu.memory_space<hbm>> -> memref<624x32xf32, #tpu.memory_space<hbm>>
      tpu.wait_dma2 semaphore(%arg14 : memref<!tpu.dma_semaphore, #tpu.memory_space<semaphore_mem>>) src(%dma_wait3A_140 : memref<624x32xf32, #tpu.memory_space<hbm>>) dst(%dma_wait3A_137 : memref<624x32xf32, #tpu.memory_space<vmem>>)
      %dma_wait3A_141 = arith.constant 1 : i32
      %dma_wait3A_142 = arith.constant 0 : i32
      %dma_wait3A_143 = arith.constant 0 : i32
      %dma_wait3A_144 = tpu.memref_slice %arg13[%dma_wait3A_142, %dma_wait3A_143] : memref<1000x32xf32, #tpu.memory_space<vmem>> -> memref<624x32xf32, #tpu.memory_space<vmem>>
      %dma_wait3A_145 = arith.constant 0 : i32
      %dma_wait3A_146 = tpu.memref_slice %arg3[%dma_wait3A_141, %multiple_of3A, %dma_wait3A_145] : memref<2x10000x32xf32, #tpu.memory_space<hbm>> -> memref<1x624x32xf32, #tpu.memory_space<hbm>>
      %dma_wait3A_147 = tpu.memref_squeeze %dma_wait3A_146 : memref<1x624x32xf32, #tpu.memory_space<hbm>> -> memref<624x32xf32, #tpu.memory_space<hbm>>
      %dma_wait3A_148 = arith.constant 0 : i32
      %dma_wait3A_149 = arith.constant 0 : i32
      %dma_wait3A_150 = tpu.memref_slice %arg13[%dma_wait3A_148, %dma_wait3A_149] : memref<1000x32xf32, #tpu.memory_space<vmem>> -> memref<624x32xf32, #tpu.memory_space<vmem>>
      %dma_wait3A_151 = arith.constant 0 : i32
      %dma_wait3A_152 = tpu.memref_slice %arg3[%dma_wait3A_141, %multiple_of3A, %dma_wait3A_151] : memref<2x10000x32xf32, #tpu.memory_space<hbm>> -> memref<1x624x32xf32, #tpu.memory_space<hbm>>
      %dma_wait3A_153 = tpu.memref_squeeze %dma_wait3A_152 : memref<1x624x32xf32, #tpu.memory_space<hbm>> -> memref<624x32xf32, #tpu.memory_space<hbm>>
      tpu.wait_dma2 semaphore(%arg14 : memref<!tpu.dma_semaphore, #tpu.memory_space<semaphore_mem>>) src(%dma_wait3A_153 : memref<624x32xf32, #tpu.memory_space<hbm>>) dst(%dma_wait3A_150 : memref<624x32xf32, #tpu.memory_space<vmem>>)
      %dma_wait3A_154 = arith.constant 0 : i32
      %dma_wait3A_155 = arith.constant 0 : i32
      %dma_wait3A_156 = arith.constant 0 : i32
      %dma_wait3A_157 = tpu.memref_slice %arg16[%dma_wait3A_155, %dma_wait3A_156] : memref<640x16xf32, #tpu.memory_space<vmem>> -> memref<624x16xf32, #tpu.memory_space<vmem>>
      %dma_wait3A_158 = arith.constant 0 : i32
      %dma_wait3A_159 = tpu.memref_slice %arg4[%dma_wait3A_154, %multiple_of3A, %dma_wait3A_158] : memref<2x10000x16xf32, #tpu.memory_space<hbm>> -> memref<1x624x16xf32, #tpu.memory_space<hbm>>
      %dma_wait3A_160 = tpu.memref_squeeze %dma_wait3A_159 : memref<1x624x16xf32, #tpu.memory_space<hbm>> -> memref<624x16xf32, #tpu.memory_space<hbm>>
      %dma_wait3A_161 = arith.constant 0 : i32
      %dma_wait3A_162 = arith.constant 0 : i32
      %dma_wait3A_163 = tpu.memref_slice %arg16[%dma_wait3A_161, %dma_wait3A_162] : memref<640x16xf32, #tpu.memory_space<vmem>> -> memref<624x16xf32, #tpu.memory_space<vmem>>
      %dma_wait3A_164 = arith.constant 0 : i32
      %dma_wait3A_165 = tpu.memref_slice %arg4[%dma_wait3A_154, %multiple_of3A, %dma_wait3A_164] : memref<2x10000x16xf32, #tpu.memory_space<hbm>> -> memref<1x624x16xf32, #tpu.memory_space<hbm>>
      %dma_wait3A_166 = tpu.memref_squeeze %dma_wait3A_165 : memref<1x624x16xf32, #tpu.memory_space<hbm>> -> memref<624x16xf32, #tpu.memory_space<hbm>>
      tpu.wait_dma2 semaphore(%arg14 : memref<!tpu.dma_semaphore, #tpu.memory_space<semaphore_mem>>) src(%dma_wait3A_166 : memref<624x16xf32, #tpu.memory_space<hbm>>) dst(%dma_wait3A_163 : memref<624x16xf32, #tpu.memory_space<vmem>>)
      %dma_wait3A_167 = arith.constant 1 : i32
      %dma_wait3A_168 = arith.constant 0 : i32
      %dma_wait3A_169 = arith.constant 0 : i32
      %dma_wait3A_170 = tpu.memref_slice %arg17[%dma_wait3A_168, %dma_wait3A_169] : memref<640x16xf32, #tpu.memory_space<vmem>> -> memref<624x16xf32, #tpu.memory_space<vmem>>
      %dma_wait3A_171 = arith.constant 0 : i32
      %dma_wait3A_172 = tpu.memref_slice %arg4[%dma_wait3A_167, %multiple_of3A, %dma_wait3A_171] : memref<2x10000x16xf32, #tpu.memory_space<hbm>> -> memref<1x624x16xf32, #tpu.memory_space<hbm>>
      %dma_wait3A_173 = tpu.memref_squeeze %dma_wait3A_172 : memref<1x624x16xf32, #tpu.memory_space<hbm>> -> memref<624x16xf32, #tpu.memory_space<hbm>>
      %dma_wait3A_174 = arith.constant 0 : i32
      %dma_wait3A_175 = arith.constant 0 : i32
      %dma_wait3A_176 = tpu.memref_slice %arg17[%dma_wait3A_174, %dma_wait3A_175] : memref<640x16xf32, #tpu.memory_space<vmem>> -> memref<624x16xf32, #tpu.memory_space<vmem>>
      %dma_wait3A_177 = arith.constant 0 : i32
      %dma_wait3A_178 = tpu.memref_slice %arg4[%dma_wait3A_167, %multiple_of3A, %dma_wait3A_177] : memref<2x10000x16xf32, #tpu.memory_space<hbm>> -> memref<1x624x16xf32, #tpu.memory_space<hbm>>
      %dma_wait3A_179 = tpu.memref_squeeze %dma_wait3A_178 : memref<1x624x16xf32, #tpu.memory_space<hbm>> -> memref<624x16xf32, #tpu.memory_space<hbm>>
      tpu.wait_dma2 semaphore(%arg14 : memref<!tpu.dma_semaphore, #tpu.memory_space<semaphore_mem>>) src(%dma_wait3A_179 : memref<624x16xf32, #tpu.memory_space<hbm>>) dst(%dma_wait3A_176 : memref<624x16xf32, #tpu.memory_space<vmem>>)
      %dma_wait3A_180 = arith.constant 0 : i32
      %dma_wait3A_181 = arith.constant 0 : i32
      %dma_wait3A_182 = tpu.memref_slice %arg18[%dma_wait3A_180, %dma_wait3A_181] : memref<640x32xf32, #tpu.memory_space<vmem>> -> memref<624x32xf32, #tpu.memory_space<vmem>>
      %dma_wait3A_183 = arith.constant 0 : i32
      %dma_wait3A_184 = tpu.memref_slice %arg5[%multiple_of3A, %dma_wait3A_183] : memref<10000x32xf32, #tpu.memory_space<hbm>> -> memref<624x32xf32, #tpu.memory_space<hbm>>
      %dma_wait3A_185 = arith.constant 0 : i32
      %dma_wait3A_186 = arith.constant 0 : i32
      %dma_wait3A_187 = tpu.memref_slice %arg18[%dma_wait3A_185, %dma_wait3A_186] : memref<640x32xf32, #tpu.memory_space<vmem>> -> memref<624x32xf32, #tpu.memory_space<vmem>>
      %dma_wait3A_188 = arith.constant 0 : i32
      %dma_wait3A_189 = tpu.memref_slice %arg5[%multiple_of3A, %dma_wait3A_188] : memref<10000x32xf32, #tpu.memory_space<hbm>> -> memref<624x32xf32, #tpu.memory_space<hbm>>
      tpu.wait_dma2 semaphore(%arg14 : memref<!tpu.dma_semaphore, #tpu.memory_space<semaphore_mem>>) src(%dma_wait3A_189 : memref<624x32xf32, #tpu.memory_space<hbm>>) dst(%dma_wait3A_187 : memref<624x32xf32, #tpu.memory_space<vmem>>)
    } else {
    }
    %convert_element_type3A_9 = arith.extui %eq3A_3 : i1 to i32
    %cond3A_10 = arith.constant 0 : i32
    %cond3A_11 = arith.cmpi ne, %convert_element_type3A_9, %cond3A_10 : i32
    scf.if %cond3A_11 {
      %scan3A_67 = arith.constant 0 : i32
      %scan3A_68 = arith.constant 0 : i32
      %scan3A_69 = arith.constant 640 : i32
      %scan3A_70 = arith.addi %scan3A_68, %scan3A_69 : i32
      %scan3A_71 = arith.constant 1 : i32
      %scan3A_72 = scf.for %scan3A_74 = %scan3A_68 to %scan3A_70 step %scan3A_71 iter_args(%scan3A_75 = %scan3A_67) -> (i32)  : i32 {
        %get3A = arith.index_cast %scan3A_74 : i32 to index
        %get3A_76 = arith.constant 0 : index
        %get3A_77 = tpu.vector_load %arg16[%get3A, %get3A_76] {strides = array<i32>} : memref<640x16xf32, #tpu.memory_space<vmem>>, vector<1x16xf32>,
        %get3A_78 = vector.shape_cast %get3A_77 : vector<1x16xf32> to vector<16xf32>
        %get3A_79 = arith.index_cast %scan3A_74 : i32 to index
        %get3A_80 = arith.constant 0 : index
        %get3A_81 = tpu.vector_load %arg17[%get3A_79, %get3A_80] {strides = array<i32>} : memref<640x16xf32, #tpu.memory_space<vmem>>, vector<1x16xf32>,
        %get3A_82 = vector.shape_cast %get3A_81 : vector<1x16xf32> to vector<16xf32>
        %add3A_83 = arith.addf %get3A_78, %get3A_82 : vector<16xf32>
        %max3A = arith.constant 1.000000e+00 : f32
        %max3A_84 = vector.broadcast %max3A : f32 to vector<16xf32>
        %max3A_85 = arith.maximumf %add3A_83, %max3A_84 : vector<16xf32>
        %div3A = arith.constant 1.000000e+00 : f32
        %div3A_86 = vector.broadcast %div3A : f32 to vector<16xf32>
        %div3A_87 = arith.divf %div3A_86, %max3A_85 : vector<16xf32>
        %get3A_88 = arith.index_cast %scan3A_74 : i32 to index
        %get3A_89 = arith.constant 0 : index
        %get3A_90 = tpu.vector_load %arg12[%get3A_88, %get3A_89] {strides = array<i32>} : memref<1000x32xf32, #tpu.memory_space<vmem>>, vector<1x16xf32>,
        %get3A_91 = vector.shape_cast %get3A_90 : vector<1x16xf32> to vector<16xf32>
        %get3A_92 = arith.index_cast %scan3A_74 : i32 to index
        %get3A_93 = arith.constant 0 : index
        %get3A_94 = tpu.vector_load %arg13[%get3A_92, %get3A_93] {strides = array<i32>} : memref<1000x32xf32, #tpu.memory_space<vmem>>, vector<1x16xf32>,
        %get3A_95 = vector.shape_cast %get3A_94 : vector<1x16xf32> to vector<16xf32>
        %add3A_96 = arith.addf %get3A_91, %get3A_95 : vector<16xf32>
        %mul3A_97 = arith.mulf %add3A_96, %div3A_87 : vector<16xf32>
        %get3A_98 = arith.index_cast %scan3A_74 : i32 to index
        %get3A_99 = arith.constant 0 : index
        %get3A_100 = tpu.vector_load %arg18[%get3A_98, %get3A_99] {strides = array<i32>} : memref<640x32xf32, #tpu.memory_space<vmem>>, vector<1x16xf32>,
        %get3A_101 = vector.shape_cast %get3A_100 : vector<1x16xf32> to vector<16xf32>
        %add3A_102 = arith.addf %mul3A_97, %get3A_101 : vector<16xf32>
        %max3A_103 = arith.constant 0.000000e+00 : f32
        %max3A_104 = vector.broadcast %max3A_103 : f32 to vector<16xf32>
        %max3A_105 = arith.maximumf %add3A_102, %max3A_104 : vector<16xf32>
        %swap3A = arith.index_cast %scan3A_74 : i32 to index
        %swap3A_106 = arith.constant 0 : index
        %swap3A_107 = tpu.vector_load %arg18[%swap3A, %swap3A_106] {strides = array<i32>} : memref<640x32xf32, #tpu.memory_space<vmem>>, vector<1x16xf32>,
        %swap3A_108 = vector.shape_cast %swap3A_107 : vector<1x16xf32> to vector<16xf32>
        %swap3A_109 = vector.shape_cast %max3A_105 : vector<16xf32> to vector<1x16xf32>
        tpu.vector_store %arg18[%swap3A, %swap3A_106], %swap3A_109 {strides = array<i32>} : memref<640x32xf32, #tpu.memory_space<vmem>>, vector<1x16xf32>,
        %get3A_110 = arith.index_cast %scan3A_74 : i32 to index
        %get3A_111 = arith.constant 16 : index
        %get3A_112 = tpu.vector_load %arg12[%get3A_110, %get3A_111] {strides = array<i32>} : memref<1000x32xf32, #tpu.memory_space<vmem>>, vector<1x16xf32>,
        %get3A_113 = vector.shape_cast %get3A_112 : vector<1x16xf32> to vector<16xf32>
        %get3A_114 = arith.index_cast %scan3A_74 : i32 to index
        %get3A_115 = arith.constant 16 : index
        %get3A_116 = tpu.vector_load %arg13[%get3A_114, %get3A_115] {strides = array<i32>} : memref<1000x32xf32, #tpu.memory_space<vmem>>, vector<1x16xf32>,
        %get3A_117 = vector.shape_cast %get3A_116 : vector<1x16xf32> to vector<16xf32>
        %add3A_118 = arith.addf %get3A_113, %get3A_117 : vector<16xf32>
        %mul3A_119 = arith.mulf %add3A_118, %div3A_87 : vector<16xf32>
        %get3A_120 = arith.index_cast %scan3A_74 : i32 to index
        %get3A_121 = arith.constant 16 : index
        %get3A_122 = tpu.vector_load %arg18[%get3A_120, %get3A_121] {strides = array<i32>} : memref<640x32xf32, #tpu.memory_space<vmem>>, vector<1x16xf32>,
        %get3A_123 = vector.shape_cast %get3A_122 : vector<1x16xf32> to vector<16xf32>
        %add3A_124 = arith.addf %mul3A_119, %get3A_123 : vector<16xf32>
        %max3A_125 = arith.constant 0.000000e+00 : f32
        %max3A_126 = vector.broadcast %max3A_125 : f32 to vector<16xf32>
        %max3A_127 = arith.maximumf %add3A_124, %max3A_126 : vector<16xf32>
        %swap3A_128 = arith.index_cast %scan3A_74 : i32 to index
        %swap3A_129 = arith.constant 16 : index
        %swap3A_130 = tpu.vector_load %arg18[%swap3A_128, %swap3A_129] {strides = array<i32>} : memref<640x32xf32, #tpu.memory_space<vmem>>, vector<1x16xf32>,
        %swap3A_131 = vector.shape_cast %swap3A_130 : vector<1x16xf32> to vector<16xf32>
        %swap3A_132 = vector.shape_cast %max3A_127 : vector<16xf32> to vector<1x16xf32>
        tpu.vector_store %arg18[%swap3A_128, %swap3A_129], %swap3A_132 {strides = array<i32>} : memref<640x32xf32, #tpu.memory_space<vmem>>, vector<1x16xf32>,
        %scan3A_133 = arith.constant 0 : i32
        scf.yield %scan3A_133 : i32
      }
      %scan3A_73 = arith.constant 640 : i32
    } else {
    }
    %not3A_12 = arith.constant true
    %not3A_13 = arith.xori %eq3A_3, %not3A_12 : i1
    %convert_element_type3A_14 = arith.extui %not3A_13 : i1 to i32
    %cond3A_15 = arith.constant 0 : i32
    %cond3A_16 = arith.cmpi ne, %convert_element_type3A_14, %cond3A_15 : i32
    scf.if %cond3A_16 {
      %scan3A_67 = arith.constant 0 : i32
      %scan3A_68 = arith.constant 0 : i32
      %scan3A_69 = arith.constant 624 : i32
      %scan3A_70 = arith.addi %scan3A_68, %scan3A_69 : i32
      %scan3A_71 = arith.constant 1 : i32
      %scan3A_72 = scf.for %scan3A_74 = %scan3A_68 to %scan3A_70 step %scan3A_71 iter_args(%scan3A_75 = %scan3A_67) -> (i32)  : i32 {
        %get3A = arith.index_cast %scan3A_74 : i32 to index
        %get3A_76 = arith.constant 0 : index
        %get3A_77 = tpu.vector_load %arg16[%get3A, %get3A_76] {strides = array<i32>} : memref<640x16xf32, #tpu.memory_space<vmem>>, vector<1x16xf32>,
        %get3A_78 = vector.shape_cast %get3A_77 : vector<1x16xf32> to vector<16xf32>
        %get3A_79 = arith.index_cast %scan3A_74 : i32 to index
        %get3A_80 = arith.constant 0 : index
        %get3A_81 = tpu.vector_load %arg17[%get3A_79, %get3A_80] {strides = array<i32>} : memref<640x16xf32, #tpu.memory_space<vmem>>, vector<1x16xf32>,
        %get3A_82 = vector.shape_cast %get3A_81 : vector<1x16xf32> to vector<16xf32>
        %add3A_83 = arith.addf %get3A_78, %get3A_82 : vector<16xf32>
        %max3A = arith.constant 1.000000e+00 : f32
        %max3A_84 = vector.broadcast %max3A : f32 to vector<16xf32>
        %max3A_85 = arith.maximumf %add3A_83, %max3A_84 : vector<16xf32>
        %div3A = arith.constant 1.000000e+00 : f32
        %div3A_86 = vector.broadcast %div3A : f32 to vector<16xf32>
        %div3A_87 = arith.divf %div3A_86, %max3A_85 : vector<16xf32>
        %get3A_88 = arith.index_cast %scan3A_74 : i32 to index
        %get3A_89 = arith.constant 0 : index
        %get3A_90 = tpu.vector_load %arg12[%get3A_88, %get3A_89] {strides = array<i32>} : memref<1000x32xf32, #tpu.memory_space<vmem>>, vector<1x16xf32>,
        %get3A_91 = vector.shape_cast %get3A_90 : vector<1x16xf32> to vector<16xf32>
        %get3A_92 = arith.index_cast %scan3A_74 : i32 to index
        %get3A_93 = arith.constant 0 : index
        %get3A_94 = tpu.vector_load %arg13[%get3A_92, %get3A_93] {strides = array<i32>} : memref<1000x32xf32, #tpu.memory_space<vmem>>, vector<1x16xf32>,
        %get3A_95 = vector.shape_cast %get3A_94 : vector<1x16xf32> to vector<16xf32>
        %add3A_96 = arith.addf %get3A_91, %get3A_95 : vector<16xf32>
        %mul3A_97 = arith.mulf %add3A_96, %div3A_87 : vector<16xf32>
        %get3A_98 = arith.index_cast %scan3A_74 : i32 to index
        %get3A_99 = arith.constant 0 : index
        %get3A_100 = tpu.vector_load %arg18[%get3A_98, %get3A_99] {strides = array<i32>} : memref<640x32xf32, #tpu.memory_space<vmem>>, vector<1x16xf32>,
        %get3A_101 = vector.shape_cast %get3A_100 : vector<1x16xf32> to vector<16xf32>
        %add3A_102 = arith.addf %mul3A_97, %get3A_101 : vector<16xf32>
        %max3A_103 = arith.constant 0.000000e+00 : f32
        %max3A_104 = vector.broadcast %max3A_103 : f32 to vector<16xf32>
        %max3A_105 = arith.maximumf %add3A_102, %max3A_104 : vector<16xf32>
        %swap3A = arith.index_cast %scan3A_74 : i32 to index
        %swap3A_106 = arith.constant 0 : index
        %swap3A_107 = tpu.vector_load %arg18[%swap3A, %swap3A_106] {strides = array<i32>} : memref<640x32xf32, #tpu.memory_space<vmem>>, vector<1x16xf32>,
        %swap3A_108 = vector.shape_cast %swap3A_107 : vector<1x16xf32> to vector<16xf32>
        %swap3A_109 = vector.shape_cast %max3A_105 : vector<16xf32> to vector<1x16xf32>
        tpu.vector_store %arg18[%swap3A, %swap3A_106], %swap3A_109 {strides = array<i32>} : memref<640x32xf32, #tpu.memory_space<vmem>>, vector<1x16xf32>,
        %get3A_110 = arith.index_cast %scan3A_74 : i32 to index
        %get3A_111 = arith.constant 16 : index
        %get3A_112 = tpu.vector_load %arg12[%get3A_110, %get3A_111] {strides = array<i32>} : memref<1000x32xf32, #tpu.memory_space<vmem>>, vector<1x16xf32>,
        %get3A_113 = vector.shape_cast %get3A_112 : vector<1x16xf32> to vector<16xf32>
        %get3A_114 = arith.index_cast %scan3A_74 : i32 to index
        %get3A_115 = arith.constant 16 : index
        %get3A_116 = tpu.vector_load %arg13[%get3A_114, %get3A_115] {strides = array<i32>} : memref<1000x32xf32, #tpu.memory_space<vmem>>, vector<1x16xf32>,
        %get3A_117 = vector.shape_cast %get3A_116 : vector<1x16xf32> to vector<16xf32>
        %add3A_118 = arith.addf %get3A_113, %get3A_117 : vector<16xf32>
        %mul3A_119 = arith.mulf %add3A_118, %div3A_87 : vector<16xf32>
        %get3A_120 = arith.index_cast %scan3A_74 : i32 to index
        %get3A_121 = arith.constant 16 : index
        %get3A_122 = tpu.vector_load %arg18[%get3A_120, %get3A_121] {strides = array<i32>} : memref<640x32xf32, #tpu.memory_space<vmem>>, vector<1x16xf32>,
        %get3A_123 = vector.shape_cast %get3A_122 : vector<1x16xf32> to vector<16xf32>
        %add3A_124 = arith.addf %mul3A_119, %get3A_123 : vector<16xf32>
        %max3A_125 = arith.constant 0.000000e+00 : f32
        %max3A_126 = vector.broadcast %max3A_125 : f32 to vector<16xf32>
        %max3A_127 = arith.maximumf %add3A_124, %max3A_126 : vector<16xf32>
        %swap3A_128 = arith.index_cast %scan3A_74 : i32 to index
        %swap3A_129 = arith.constant 16 : index
        %swap3A_130 = tpu.vector_load %arg18[%swap3A_128, %swap3A_129] {strides = array<i32>} : memref<640x32xf32, #tpu.memory_space<vmem>>, vector<1x16xf32>,
        %swap3A_131 = vector.shape_cast %swap3A_130 : vector<1x16xf32> to vector<16xf32>
        %swap3A_132 = vector.shape_cast %max3A_127 : vector<16xf32> to vector<1x16xf32>
        tpu.vector_store %arg18[%swap3A_128, %swap3A_129], %swap3A_132 {strides = array<i32>} : memref<640x32xf32, #tpu.memory_space<vmem>>, vector<1x16xf32>,
        %scan3A_133 = arith.constant 0 : i32
        scf.yield %scan3A_133 : i32
      }
      %scan3A_73 = arith.constant 624 : i32
    } else {
    }
    %convert_element_type3A_17 = arith.extui %eq3A_3 : i1 to i32
    %cond3A_18 = arith.constant 0 : i32
    %cond3A_19 = arith.cmpi ne, %convert_element_type3A_17, %cond3A_18 : i32
    scf.if %cond3A_19 {
      "tpu.region"() ({
        %run_scoped3A_67 = tpu.sem_alloc : memref<!tpu.dma_semaphore, #tpu.memory_space<semaphore_mem>>
        %dma_start3A_68 = arith.constant 0 : i32
        %dma_start3A_69 = arith.constant 0 : i32
        %dma_start3A_70 = tpu.memref_slice %arg18[%dma_start3A_68, %dma_start3A_69] : memref<640x32xf32, #tpu.memory_space<vmem>> -> memref<640x32xf32, #tpu.memory_space<vmem>>
        %dma_start3A_71 = arith.constant 0 : i32
        %dma_start3A_72 = tpu.memref_slice %arg7[%arg0, %multiple_of3A, %dma_start3A_71] : memref<2x10000x32xf32, #tpu.memory_space<hbm>> -> memref<1x640x32xf32, #tpu.memory_space<hbm>>
        %dma_start3A_73 = tpu.memref_squeeze %dma_start3A_72 : memref<1x640x32xf32, #tpu.memory_space<hbm>> -> memref<640x32xf32, #tpu.memory_space<hbm>>
        %dma_start3A_74 = arith.constant 0 : i32
        %dma_start3A_75 = tpu.memref_slice %arg7[%arg0, %multiple_of3A, %dma_start3A_74] : memref<2x10000x32xf32, #tpu.memory_space<hbm>> -> memref<1x640x32xf32, #tpu.memory_space<hbm>>
        %dma_start3A_76 = tpu.memref_squeeze %dma_start3A_75 : memref<1x640x32xf32, #tpu.memory_space<hbm>> -> memref<640x32xf32, #tpu.memory_space<hbm>>
        %dma_start3A_77 = arith.constant 0 : i32
        %dma_start3A_78 = arith.constant 0 : i32
        %dma_start3A_79 = tpu.memref_slice %arg18[%dma_start3A_77, %dma_start3A_78] : memref<640x32xf32, #tpu.memory_space<vmem>> -> memref<640x32xf32, #tpu.memory_space<vmem>>
        tpu.enqueue_dma source(%dma_start3A_79 : memref<640x32xf32, #tpu.memory_space<vmem>>) target(%dma_start3A_76 : memref<640x32xf32, #tpu.memory_space<hbm>>) target_semaphore(%run_scoped3A_67 : memref<!tpu.dma_semaphore, #tpu.memory_space<semaphore_mem>>)
        %dma_wait3A = arith.constant 0 : i32
        %dma_wait3A_80 = arith.constant 0 : i32
        %dma_wait3A_81 = tpu.memref_slice %arg18[%dma_wait3A, %dma_wait3A_80] : memref<640x32xf32, #tpu.memory_space<vmem>> -> memref<640x32xf32, #tpu.memory_space<vmem>>
        %dma_wait3A_82 = arith.constant 0 : i32
        %dma_wait3A_83 = tpu.memref_slice %arg7[%arg0, %multiple_of3A, %dma_wait3A_82] : memref<2x10000x32xf32, #tpu.memory_space<hbm>> -> memref<1x640x32xf32, #tpu.memory_space<hbm>>
        %dma_wait3A_84 = tpu.memref_squeeze %dma_wait3A_83 : memref<1x640x32xf32, #tpu.memory_space<hbm>> -> memref<640x32xf32, #tpu.memory_space<hbm>>
        %dma_wait3A_85 = arith.constant 0 : i32
        %dma_wait3A_86 = tpu.memref_slice %arg7[%arg0, %multiple_of3A, %dma_wait3A_85] : memref<2x10000x32xf32, #tpu.memory_space<hbm>> -> memref<1x640x32xf32, #tpu.memory_space<hbm>>
        %dma_wait3A_87 = tpu.memref_squeeze %dma_wait3A_86 : memref<1x640x32xf32, #tpu.memory_space<hbm>> -> memref<640x32xf32, #tpu.memory_space<hbm>>
        %dma_wait3A_88 = arith.constant 0 : i32
        %dma_wait3A_89 = arith.constant 0 : i32
        %dma_wait3A_90 = tpu.memref_slice %arg18[%dma_wait3A_88, %dma_wait3A_89] : memref<640x32xf32, #tpu.memory_space<vmem>> -> memref<640x32xf32, #tpu.memory_space<vmem>>
        tpu.wait_dma2 semaphore(%run_scoped3A_67 : memref<!tpu.dma_semaphore, #tpu.memory_space<semaphore_mem>>) src(%dma_wait3A_90 : memref<640x32xf32, #tpu.memory_space<vmem>>) dst(%dma_wait3A_87 : memref<640x32xf32, #tpu.memory_space<hbm>>)
        tpu.yield
      }) : () -> ()
    } else {
    }
    %not3A_20 = arith.constant true
    %not3A_21 = arith.xori %eq3A_3, %not3A_20 : i1
    %convert_element_type3A_22 = arith.extui %not3A_21 : i1 to i32
    %cond3A_23 = arith.constant 0 : i32
    %cond3A_24 = arith.cmpi ne, %convert_element_type3A_22, %cond3A_23 : i32
    scf.if %cond3A_24 {
      "tpu.region"() ({
        %run_scoped3A_67 = tpu.sem_alloc : memref<!tpu.dma_semaphore, #tpu.memory_space<semaphore_mem>>
        %dma_start3A_68 = arith.constant 0 : i32
        %dma_start3A_69 = arith.constant 0 : i32
        %dma_start3A_70 = tpu.memref_slice %arg18[%dma_start3A_68, %dma_start3A_69] : memref<640x32xf32, #tpu.memory_space<vmem>> -> memref<624x32xf32, #tpu.memory_space<vmem>>
        %dma_start3A_71 = arith.constant 0 : i32
        %dma_start3A_72 = tpu.memref_slice %arg7[%arg0, %multiple_of3A, %dma_start3A_71] : memref<2x10000x32xf32, #tpu.memory_space<hbm>> -> memref<1x624x32xf32, #tpu.memory_space<hbm>>
        %dma_start3A_73 = tpu.memref_squeeze %dma_start3A_72 : memref<1x624x32xf32, #tpu.memory_space<hbm>> -> memref<624x32xf32, #tpu.memory_space<hbm>>
        %dma_start3A_74 = arith.constant 0 : i32
        %dma_start3A_75 = tpu.memref_slice %arg7[%arg0, %multiple_of3A, %dma_start3A_74] : memref<2x10000x32xf32, #tpu.memory_space<hbm>> -> memref<1x624x32xf32, #tpu.memory_space<hbm>>
        %dma_start3A_76 = tpu.memref_squeeze %dma_start3A_75 : memref<1x624x32xf32, #tpu.memory_space<hbm>> -> memref<624x32xf32, #tpu.memory_space<hbm>>
        %dma_start3A_77 = arith.constant 0 : i32
        %dma_start3A_78 = arith.constant 0 : i32
        %dma_start3A_79 = tpu.memref_slice %arg18[%dma_start3A_77, %dma_start3A_78] : memref<640x32xf32, #tpu.memory_space<vmem>> -> memref<624x32xf32, #tpu.memory_space<vmem>>
        tpu.enqueue_dma source(%dma_start3A_79 : memref<624x32xf32, #tpu.memory_space<vmem>>) target(%dma_start3A_76 : memref<624x32xf32, #tpu.memory_space<hbm>>) target_semaphore(%run_scoped3A_67 : memref<!tpu.dma_semaphore, #tpu.memory_space<semaphore_mem>>)
        %dma_wait3A = arith.constant 0 : i32
        %dma_wait3A_80 = arith.constant 0 : i32
        %dma_wait3A_81 = tpu.memref_slice %arg18[%dma_wait3A, %dma_wait3A_80] : memref<640x32xf32, #tpu.memory_space<vmem>> -> memref<624x32xf32, #tpu.memory_space<vmem>>
        %dma_wait3A_82 = arith.constant 0 : i32
        %dma_wait3A_83 = tpu.memref_slice %arg7[%arg0, %multiple_of3A, %dma_wait3A_82] : memref<2x10000x32xf32, #tpu.memory_space<hbm>> -> memref<1x624x32xf32, #tpu.memory_space<hbm>>
        %dma_wait3A_84 = tpu.memref_squeeze %dma_wait3A_83 : memref<1x624x32xf32, #tpu.memory_space<hbm>> -> memref<624x32xf32, #tpu.memory_space<hbm>>
        %dma_wait3A_85 = arith.constant 0 : i32
        %dma_wait3A_86 = tpu.memref_slice %arg7[%arg0, %multiple_of3A, %dma_wait3A_85] : memref<2x10000x32xf32, #tpu.memory_space<hbm>> -> memref<1x624x32xf32, #tpu.memory_space<hbm>>
        %dma_wait3A_87 = tpu.memref_squeeze %dma_wait3A_86 : memref<1x624x32xf32, #tpu.memory_space<hbm>> -> memref<624x32xf32, #tpu.memory_space<hbm>>
        %dma_wait3A_88 = arith.constant 0 : i32
        %dma_wait3A_89 = arith.constant 0 : i32
        %dma_wait3A_90 = tpu.memref_slice %arg18[%dma_wait3A_88, %dma_wait3A_89] : memref<640x32xf32, #tpu.memory_space<vmem>> -> memref<624x32xf32, #tpu.memory_space<vmem>>
        tpu.wait_dma2 semaphore(%run_scoped3A_67 : memref<!tpu.dma_semaphore, #tpu.memory_space<semaphore_mem>>) src(%dma_wait3A_90 : memref<624x32xf32, #tpu.memory_space<vmem>>) dst(%dma_wait3A_87 : memref<624x32xf32, #tpu.memory_space<hbm>>)
        tpu.yield
      }) : () -> ()
    } else {
    }
    %scan3A = arith.constant 0 : i32
    %scan3A_25 = arith.constant 0 : i32
    %scan3A_26 = arith.constant 640 : i32
    %scan3A_27 = arith.addi %scan3A_25, %scan3A_26 : i32
    %scan3A_28 = arith.constant 1 : i32
    %scan3A_29 = scf.for %scan3A_67 = %scan3A_25 to %scan3A_27 step %scan3A_28 iter_args(%scan3A_68 = %scan3A) -> (i32)  : i32 {
      %broadcast_in_dim3A = arith.constant 0.000000e+00 : f32
      %broadcast_in_dim3A_69 = vector.broadcast %broadcast_in_dim3A : f32 to vector<16xf32>
      %swap3A = arith.index_cast %scan3A_67 : i32 to index
      %swap3A_70 = arith.constant 0 : index
      %swap3A_71 = tpu.vector_load %arg12[%swap3A, %swap3A_70] {strides = array<i32>} : memref<1000x32xf32, #tpu.memory_space<vmem>>, vector<1x16xf32>,
      %swap3A_72 = vector.shape_cast %swap3A_71 : vector<1x16xf32> to vector<16xf32>
      %swap3A_73 = vector.shape_cast %broadcast_in_dim3A_69 : vector<16xf32> to vector<1x16xf32>
      tpu.vector_store %arg12[%swap3A, %swap3A_70], %swap3A_73 {strides = array<i32>} : memref<1000x32xf32, #tpu.memory_space<vmem>>, vector<1x16xf32>,
      %broadcast_in_dim3A_74 = arith.constant 0.000000e+00 : f32
      %broadcast_in_dim3A_75 = vector.broadcast %broadcast_in_dim3A_74 : f32 to vector<16xf32>
      %swap3A_76 = arith.index_cast %scan3A_67 : i32 to index
      %swap3A_77 = arith.constant 16 : index
      %swap3A_78 = tpu.vector_load %arg12[%swap3A_76, %swap3A_77] {strides = array<i32>} : memref<1000x32xf32, #tpu.memory_space<vmem>>, vector<1x16xf32>,
      %swap3A_79 = vector.shape_cast %swap3A_78 : vector<1x16xf32> to vector<16xf32>
      %swap3A_80 = vector.shape_cast %broadcast_in_dim3A_75 : vector<16xf32> to vector<1x16xf32>
      tpu.vector_store %arg12[%swap3A_76, %swap3A_77], %swap3A_80 {strides = array<i32>} : memref<1000x32xf32, #tpu.memory_space<vmem>>, vector<1x16xf32>,
      %scan3A_81 = arith.constant 0 : i32
      scf.yield %scan3A_81 : i32
    }
    %scan3A_30 = arith.constant 640 : i32
    %convert_element_type3A_31 = arith.extui %eq3A_3 : i1 to i32
    %cond3A_32 = arith.constant 0 : i32
    %cond3A_33 = arith.cmpi ne, %convert_element_type3A_31, %cond3A_32 : i32
    scf.if %cond3A_33 {
      "tpu.region"() ({
        %run_scoped3A_67 = tpu.sem_alloc : memref<!tpu.dma_semaphore, #tpu.memory_space<semaphore_mem>>
        %dma_start3A_68 = arith.constant 0 : i32
        %dma_start3A_69 = arith.constant 0 : i32
        %dma_start3A_70 = tpu.memref_slice %arg12[%dma_start3A_68, %dma_start3A_69] : memref<1000x32xf32, #tpu.memory_space<vmem>> -> memref<640x32xf32, #tpu.memory_space<vmem>>
        %dma_start3A_71 = arith.constant 0 : i32
        %dma_start3A_72 = tpu.memref_slice %arg19[%multiple_of3A, %dma_start3A_71] : memref<10000x32xf32, #tpu.memory_space<vmem_shared>> -> memref<640x32xf32, #tpu.memory_space<vmem_shared>>
        %dma_start3A_73 = arith.constant 0 : i32
        %dma_start3A_74 = tpu.memref_slice %arg19[%multiple_of3A, %dma_start3A_73] : memref<10000x32xf32, #tpu.memory_space<vmem_shared>> -> memref<640x32xf32, #tpu.memory_space<vmem_shared>>
        %dma_start3A_75 = arith.constant 0 : i32
        %dma_start3A_76 = arith.constant 0 : i32
        %dma_start3A_77 = tpu.memref_slice %arg12[%dma_start3A_75, %dma_start3A_76] : memref<1000x32xf32, #tpu.memory_space<vmem>> -> memref<640x32xf32, #tpu.memory_space<vmem>>
        tpu.enqueue_dma source(%dma_start3A_77 : memref<640x32xf32, #tpu.memory_space<vmem>>) target(%dma_start3A_74 : memref<640x32xf32, #tpu.memory_space<vmem_shared>>) target_semaphore(%run_scoped3A_67 : memref<!tpu.dma_semaphore, #tpu.memory_space<semaphore_mem>>)
        %dma_wait3A = arith.constant 0 : i32
        %dma_wait3A_78 = arith.constant 0 : i32
        %dma_wait3A_79 = tpu.memref_slice %arg12[%dma_wait3A, %dma_wait3A_78] : memref<1000x32xf32, #tpu.memory_space<vmem>> -> memref<640x32xf32, #tpu.memory_space<vmem>>
        %dma_wait3A_80 = arith.constant 0 : i32
        %dma_wait3A_81 = tpu.memref_slice %arg19[%multiple_of3A, %dma_wait3A_80] : memref<10000x32xf32, #tpu.memory_space<vmem_shared>> -> memref<640x32xf32, #tpu.memory_space<vmem_shared>>
        %dma_wait3A_82 = arith.constant 0 : i32
        %dma_wait3A_83 = tpu.memref_slice %arg19[%multiple_of3A, %dma_wait3A_82] : memref<10000x32xf32, #tpu.memory_space<vmem_shared>> -> memref<640x32xf32, #tpu.memory_space<vmem_shared>>
        %dma_wait3A_84 = arith.constant 0 : i32
        %dma_wait3A_85 = arith.constant 0 : i32
        %dma_wait3A_86 = tpu.memref_slice %arg12[%dma_wait3A_84, %dma_wait3A_85] : memref<1000x32xf32, #tpu.memory_space<vmem>> -> memref<640x32xf32, #tpu.memory_space<vmem>>
        tpu.wait_dma2 semaphore(%run_scoped3A_67 : memref<!tpu.dma_semaphore, #tpu.memory_space<semaphore_mem>>) src(%dma_wait3A_86 : memref<640x32xf32, #tpu.memory_space<vmem>>) dst(%dma_wait3A_83 : memref<640x32xf32, #tpu.memory_space<vmem_shared>>)
        tpu.yield
      }) : () -> ()
    } else {
    }
    %not3A_34 = arith.constant true
    %not3A_35 = arith.xori %eq3A_3, %not3A_34 : i1
    %convert_element_type3A_36 = arith.extui %not3A_35 : i1 to i32
    %cond3A_37 = arith.constant 0 : i32
    %cond3A_38 = arith.cmpi ne, %convert_element_type3A_36, %cond3A_37 : i32
    scf.if %cond3A_38 {
      "tpu.region"() ({
        %run_scoped3A_67 = tpu.sem_alloc : memref<!tpu.dma_semaphore, #tpu.memory_space<semaphore_mem>>
        %dma_start3A_68 = arith.constant 0 : i32
        %dma_start3A_69 = arith.constant 0 : i32
        %dma_start3A_70 = tpu.memref_slice %arg12[%dma_start3A_68, %dma_start3A_69] : memref<1000x32xf32, #tpu.memory_space<vmem>> -> memref<624x32xf32, #tpu.memory_space<vmem>>
        %dma_start3A_71 = arith.constant 0 : i32
        %dma_start3A_72 = tpu.memref_slice %arg19[%multiple_of3A, %dma_start3A_71] : memref<10000x32xf32, #tpu.memory_space<vmem_shared>> -> memref<624x32xf32, #tpu.memory_space<vmem_shared>>
        %dma_start3A_73 = arith.constant 0 : i32
        %dma_start3A_74 = tpu.memref_slice %arg19[%multiple_of3A, %dma_start3A_73] : memref<10000x32xf32, #tpu.memory_space<vmem_shared>> -> memref<624x32xf32, #tpu.memory_space<vmem_shared>>
        %dma_start3A_75 = arith.constant 0 : i32
        %dma_start3A_76 = arith.constant 0 : i32
        %dma_start3A_77 = tpu.memref_slice %arg12[%dma_start3A_75, %dma_start3A_76] : memref<1000x32xf32, #tpu.memory_space<vmem>> -> memref<624x32xf32, #tpu.memory_space<vmem>>
        tpu.enqueue_dma source(%dma_start3A_77 : memref<624x32xf32, #tpu.memory_space<vmem>>) target(%dma_start3A_74 : memref<624x32xf32, #tpu.memory_space<vmem_shared>>) target_semaphore(%run_scoped3A_67 : memref<!tpu.dma_semaphore, #tpu.memory_space<semaphore_mem>>)
        %dma_wait3A = arith.constant 0 : i32
        %dma_wait3A_78 = arith.constant 0 : i32
        %dma_wait3A_79 = tpu.memref_slice %arg12[%dma_wait3A, %dma_wait3A_78] : memref<1000x32xf32, #tpu.memory_space<vmem>> -> memref<624x32xf32, #tpu.memory_space<vmem>>
        %dma_wait3A_80 = arith.constant 0 : i32
        %dma_wait3A_81 = tpu.memref_slice %arg19[%multiple_of3A, %dma_wait3A_80] : memref<10000x32xf32, #tpu.memory_space<vmem_shared>> -> memref<624x32xf32, #tpu.memory_space<vmem_shared>>
        %dma_wait3A_82 = arith.constant 0 : i32
        %dma_wait3A_83 = tpu.memref_slice %arg19[%multiple_of3A, %dma_wait3A_82] : memref<10000x32xf32, #tpu.memory_space<vmem_shared>> -> memref<624x32xf32, #tpu.memory_space<vmem_shared>>
        %dma_wait3A_84 = arith.constant 0 : i32
        %dma_wait3A_85 = arith.constant 0 : i32
        %dma_wait3A_86 = tpu.memref_slice %arg12[%dma_wait3A_84, %dma_wait3A_85] : memref<1000x32xf32, #tpu.memory_space<vmem>> -> memref<624x32xf32, #tpu.memory_space<vmem>>
        tpu.wait_dma2 semaphore(%run_scoped3A_67 : memref<!tpu.dma_semaphore, #tpu.memory_space<semaphore_mem>>) src(%dma_wait3A_86 : memref<624x32xf32, #tpu.memory_space<vmem>>) dst(%dma_wait3A_83 : memref<624x32xf32, #tpu.memory_space<vmem_shared>>)
        tpu.yield
      }) : () -> ()
    } else {
    }
    %barrier3A = arith.constant 0 : index
    tpu.barrier barrier_id(%barrier3A)
    %mul3A_39 = arith.constant 10000 : i32
    %mul3A_40 = arith.muli %add3A, %mul3A_39 : i32
    %add3A_41 = arith.constant 0 : i32
    %add3A_42 = arith.addi %mul3A_40, %add3A_41 : i32
    %multiple_of3A_43 = tpu.assume_multiple %add3A_42, 8 : i32
    %run_scoped3A = arith.constant 0 : i32
    "tpu.region"() ({
      %run_scoped3A_67 = tpu.sem_alloc : memref<!tpu.dma_semaphore, #tpu.memory_space<semaphore_mem>>
      %dma_start3A_68 = tpu.memref_slice %arg2[%run_scoped3A, %multiple_of3A_43] : memref<2x320000xi32, #tpu.memory_space<hbm>> -> memref<1x1000xi32, #tpu.memory_space<hbm>>
      %dma_start3A_69 = tpu.memref_squeeze %dma_start3A_68 : memref<1x1000xi32, #tpu.memory_space<hbm>> -> memref<1000xi32, #tpu.memory_space<hbm>>
      %dma_start3A_70 = tpu.memref_slice %arg2[%run_scoped3A, %multiple_of3A_43] : memref<2x320000xi32, #tpu.memory_space<hbm>> -> memref<1x1000xi32, #tpu.memory_space<hbm>>
      %dma_start3A_71 = tpu.memref_squeeze %dma_start3A_70 : memref<1x1000xi32, #tpu.memory_space<hbm>> -> memref<1000xi32, #tpu.memory_space<hbm>>
      tpu.enqueue_dma source(%dma_start3A_71 : memref<1000xi32, #tpu.memory_space<hbm>>) target(%arg8 : memref<1000xi32, #tpu.memory_space<vmem>>) target_semaphore(%run_scoped3A_67 : memref<!tpu.dma_semaphore, #tpu.memory_space<semaphore_mem>>)
      %dma_wait3A = tpu.memref_slice %arg2[%run_scoped3A, %multiple_of3A_43] : memref<2x320000xi32, #tpu.memory_space<hbm>> -> memref<1x1000xi32, #tpu.memory_space<hbm>>
      %dma_wait3A_72 = tpu.memref_squeeze %dma_wait3A : memref<1x1000xi32, #tpu.memory_space<hbm>> -> memref<1000xi32, #tpu.memory_space<hbm>>
      %dma_wait3A_73 = tpu.memref_slice %arg2[%run_scoped3A, %multiple_of3A_43] : memref<2x320000xi32, #tpu.memory_space<hbm>> -> memref<1x1000xi32, #tpu.memory_space<hbm>>
      %dma_wait3A_74 = tpu.memref_squeeze %dma_wait3A_73 : memref<1x1000xi32, #tpu.memory_space<hbm>> -> memref<1000xi32, #tpu.memory_space<hbm>>
      tpu.wait_dma2 semaphore(%run_scoped3A_67 : memref<!tpu.dma_semaphore, #tpu.memory_space<semaphore_mem>>) src(%dma_wait3A_74 : memref<1000xi32, #tpu.memory_space<hbm>>) dst(%arg8 : memref<1000xi32, #tpu.memory_space<vmem>>)
      tpu.yield
    }) : () -> ()
    %run_scoped3A_44 = arith.constant 1 : i32
    "tpu.region"() ({
      %run_scoped3A_67 = tpu.sem_alloc : memref<!tpu.dma_semaphore, #tpu.memory_space<semaphore_mem>>
      %dma_start3A_68 = tpu.memref_slice %arg2[%run_scoped3A_44, %multiple_of3A_43] : memref<2x320000xi32, #tpu.memory_space<hbm>> -> memref<1x1000xi32, #tpu.memory_space<hbm>>
      %dma_start3A_69 = tpu.memref_squeeze %dma_start3A_68 : memref<1x1000xi32, #tpu.memory_space<hbm>> -> memref<1000xi32, #tpu.memory_space<hbm>>
      %dma_start3A_70 = tpu.memref_slice %arg2[%run_scoped3A_44, %multiple_of3A_43] : memref<2x320000xi32, #tpu.memory_space<hbm>> -> memref<1x1000xi32, #tpu.memory_space<hbm>>
      %dma_start3A_71 = tpu.memref_squeeze %dma_start3A_70 : memref<1x1000xi32, #tpu.memory_space<hbm>> -> memref<1000xi32, #tpu.memory_space<hbm>>
      tpu.enqueue_dma source(%dma_start3A_71 : memref<1000xi32, #tpu.memory_space<hbm>>) target(%arg10 : memref<1000xi32, #tpu.memory_space<vmem>>) target_semaphore(%run_scoped3A_67 : memref<!tpu.dma_semaphore, #tpu.memory_space<semaphore_mem>>)
      %dma_wait3A = tpu.memref_slice %arg2[%run_scoped3A_44, %multiple_of3A_43] : memref<2x320000xi32, #tpu.memory_space<hbm>> -> memref<1x1000xi32, #tpu.memory_space<hbm>>
      %dma_wait3A_72 = tpu.memref_squeeze %dma_wait3A : memref<1x1000xi32, #tpu.memory_space<hbm>> -> memref<1000xi32, #tpu.memory_space<hbm>>
      %dma_wait3A_73 = tpu.memref_slice %arg2[%run_scoped3A_44, %multiple_of3A_43] : memref<2x320000xi32, #tpu.memory_space<hbm>> -> memref<1x1000xi32, #tpu.memory_space<hbm>>
      %dma_wait3A_74 = tpu.memref_squeeze %dma_wait3A_73 : memref<1x1000xi32, #tpu.memory_space<hbm>> -> memref<1000xi32, #tpu.memory_space<hbm>>
      tpu.wait_dma2 semaphore(%run_scoped3A_67 : memref<!tpu.dma_semaphore, #tpu.memory_space<semaphore_mem>>) src(%dma_wait3A_74 : memref<1000xi32, #tpu.memory_space<hbm>>) dst(%arg10 : memref<1000xi32, #tpu.memory_space<vmem>>)
      tpu.yield
    }) : () -> ()
    %dma_start3A = arith.constant 0 : i32
    %dma_start3A_45 = arith.constant 0 : i32
    %dma_start3A_46 = tpu.memref_slice %arg7[%arg0, %dma_start3A, %dma_start3A_45] : memref<2x10000x32xf32, #tpu.memory_space<hbm>> -> memref<1x10000x32xf32, #tpu.memory_space<hbm>>
    %dma_start3A_47 = tpu.memref_squeeze %dma_start3A_46 : memref<1x10000x32xf32, #tpu.memory_space<hbm>> -> memref<10000x32xf32, #tpu.memory_space<hbm>>
    %dma_start3A_48 = arith.constant 0 : i32
    %dma_start3A_49 = arith.constant 0 : i32
    %dma_start3A_50 = tpu.memref_slice %dma_start3A_47[%dma_start3A_48, %dma_start3A_49] : memref<10000x32xf32, #tpu.memory_space<hbm>> -> memref<10000x32xf32, #tpu.memory_space<hbm>>
    tpu.enqueue_indirect_dma source(%dma_start3A_50 : memref<10000x32xf32, #tpu.memory_space<hbm>>) target(%arg12 : memref<1000x32xf32, #tpu.memory_space<vmem>>) offsets(%arg8 : memref<1000xi32, #tpu.memory_space<vmem>>) semaphore(%arg14 : memref<!tpu.dma_semaphore, #tpu.memory_space<semaphore_mem>>)
    %scan3A_51 = arith.constant 0 : i32
    %scan3A_52 = arith.constant 0 : i32
    %scan3A_53 = arith.constant 5 : i32
    %scan3A_54 = arith.addi %scan3A_52, %scan3A_53 : i32
    %scan3A_55 = arith.constant 1 : i32
    %scan3A_56 = scf.for %scan3A_67 = %scan3A_52 to %scan3A_54 step %scan3A_55 iter_args(%scan3A_68 = %scan3A_51) -> (i32)  : i32 {
      %mul3A_69 = arith.constant 2 : i32
      %mul3A_70 = arith.muli %mul3A_69, %scan3A_67 : i32
      %add3A_71 = arith.constant 0 : i32
      %add3A_72 = arith.addi %mul3A_70, %add3A_71 : i32
      %add3A_73 = arith.constant 1 : i32
      %add3A_74 = arith.addi %add3A_72, %add3A_73 : i32
      %mul3A_75 = arith.constant 10000 : i32
      %mul3A_76 = arith.muli %add3A, %mul3A_75 : i32
      %mul3A_77 = arith.constant 1000 : i32
      %mul3A_78 = arith.muli %add3A_74, %mul3A_77 : i32
      %add3A_79 = arith.addi %mul3A_76, %mul3A_78 : i32
      %multiple_of3A_80 = tpu.assume_multiple %add3A_79, 8 : i32
      %run_scoped3A_81 = arith.constant 0 : i32
      "tpu.region"() ({
        %run_scoped3A_112 = tpu.sem_alloc : memref<!tpu.dma_semaphore, #tpu.memory_space<semaphore_mem>>
        %dma_start3A_113 = tpu.memref_slice %arg2[%run_scoped3A_81, %multiple_of3A_80] : memref<2x320000xi32, #tpu.memory_space<hbm>> -> memref<1x1000xi32, #tpu.memory_space<hbm>>
        %dma_start3A_114 = tpu.memref_squeeze %dma_start3A_113 : memref<1x1000xi32, #tpu.memory_space<hbm>> -> memref<1000xi32, #tpu.memory_space<hbm>>
        %dma_start3A_115 = tpu.memref_slice %arg2[%run_scoped3A_81, %multiple_of3A_80] : memref<2x320000xi32, #tpu.memory_space<hbm>> -> memref<1x1000xi32, #tpu.memory_space<hbm>>
        %dma_start3A_116 = tpu.memref_squeeze %dma_start3A_115 : memref<1x1000xi32, #tpu.memory_space<hbm>> -> memref<1000xi32, #tpu.memory_space<hbm>>
        tpu.enqueue_dma source(%dma_start3A_116 : memref<1000xi32, #tpu.memory_space<hbm>>) target(%arg9 : memref<1000xi32, #tpu.memory_space<vmem>>) target_semaphore(%run_scoped3A_112 : memref<!tpu.dma_semaphore, #tpu.memory_space<semaphore_mem>>)
        %dma_wait3A_117 = tpu.memref_slice %arg2[%run_scoped3A_81, %multiple_of3A_80] : memref<2x320000xi32, #tpu.memory_space<hbm>> -> memref<1x1000xi32, #tpu.memory_space<hbm>>
        %dma_wait3A_118 = tpu.memref_squeeze %dma_wait3A_117 : memref<1x1000xi32, #tpu.memory_space<hbm>> -> memref<1000xi32, #tpu.memory_space<hbm>>
        %dma_wait3A_119 = tpu.memref_slice %arg2[%run_scoped3A_81, %multiple_of3A_80] : memref<2x320000xi32, #tpu.memory_space<hbm>> -> memref<1x1000xi32, #tpu.memory_space<hbm>>
        %dma_wait3A_120 = tpu.memref_squeeze %dma_wait3A_119 : memref<1x1000xi32, #tpu.memory_space<hbm>> -> memref<1000xi32, #tpu.memory_space<hbm>>
        tpu.wait_dma2 semaphore(%run_scoped3A_112 : memref<!tpu.dma_semaphore, #tpu.memory_space<semaphore_mem>>) src(%dma_wait3A_120 : memref<1000xi32, #tpu.memory_space<hbm>>) dst(%arg9 : memref<1000xi32, #tpu.memory_space<vmem>>)
        tpu.yield
      }) : () -> ()
      %run_scoped3A_82 = arith.constant 1 : i32
      "tpu.region"() ({
        %run_scoped3A_112 = tpu.sem_alloc : memref<!tpu.dma_semaphore, #tpu.memory_space<semaphore_mem>>
        %dma_start3A_113 = tpu.memref_slice %arg2[%run_scoped3A_82, %multiple_of3A_80] : memref<2x320000xi32, #tpu.memory_space<hbm>> -> memref<1x1000xi32, #tpu.memory_space<hbm>>
        %dma_start3A_114 = tpu.memref_squeeze %dma_start3A_113 : memref<1x1000xi32, #tpu.memory_space<hbm>> -> memref<1000xi32, #tpu.memory_space<hbm>>
        %dma_start3A_115 = tpu.memref_slice %arg2[%run_scoped3A_82, %multiple_of3A_80] : memref<2x320000xi32, #tpu.memory_space<hbm>> -> memref<1x1000xi32, #tpu.memory_space<hbm>>
        %dma_start3A_116 = tpu.memref_squeeze %dma_start3A_115 : memref<1x1000xi32, #tpu.memory_space<hbm>> -> memref<1000xi32, #tpu.memory_space<hbm>>
        tpu.enqueue_dma source(%dma_start3A_116 : memref<1000xi32, #tpu.memory_space<hbm>>) target(%arg11 : memref<1000xi32, #tpu.memory_space<vmem>>) target_semaphore(%run_scoped3A_112 : memref<!tpu.dma_semaphore, #tpu.memory_space<semaphore_mem>>)
        %dma_wait3A_117 = tpu.memref_slice %arg2[%run_scoped3A_82, %multiple_of3A_80] : memref<2x320000xi32, #tpu.memory_space<hbm>> -> memref<1x1000xi32, #tpu.memory_space<hbm>>
        %dma_wait3A_118 = tpu.memref_squeeze %dma_wait3A_117 : memref<1x1000xi32, #tpu.memory_space<hbm>> -> memref<1000xi32, #tpu.memory_space<hbm>>
        %dma_wait3A_119 = tpu.memref_slice %arg2[%run_scoped3A_82, %multiple_of3A_80] : memref<2x320000xi32, #tpu.memory_space<hbm>> -> memref<1x1000xi32, #tpu.memory_space<hbm>>
        %dma_wait3A_120 = tpu.memref_squeeze %dma_wait3A_119 : memref<1x1000xi32, #tpu.memory_space<hbm>> -> memref<1000xi32, #tpu.memory_space<hbm>>
        tpu.wait_dma2 semaphore(%run_scoped3A_112 : memref<!tpu.dma_semaphore, #tpu.memory_space<semaphore_mem>>) src(%dma_wait3A_120 : memref<1000xi32, #tpu.memory_space<hbm>>) dst(%arg11 : memref<1000xi32, #tpu.memory_space<vmem>>)
        tpu.yield
      }) : () -> ()
      %dma_start3A_83 = arith.constant 0 : i32
      %dma_start3A_84 = arith.constant 0 : i32
      %dma_start3A_85 = tpu.memref_slice %arg7[%arg0, %dma_start3A_83, %dma_start3A_84] : memref<2x10000x32xf32, #tpu.memory_space<hbm>> -> memref<1x10000x32xf32, #tpu.memory_space<hbm>>
      %dma_start3A_86 = tpu.memref_squeeze %dma_start3A_85 : memref<1x10000x32xf32, #tpu.memory_space<hbm>> -> memref<10000x32xf32, #tpu.memory_space<hbm>>
      %dma_start3A_87 = arith.constant 0 : i32
      %dma_start3A_88 = arith.constant 0 : i32
      %dma_start3A_89 = tpu.memref_slice %dma_start3A_86[%dma_start3A_87, %dma_start3A_88] : memref<10000x32xf32, #tpu.memory_space<hbm>> -> memref<10000x32xf32, #tpu.memory_space<hbm>>
      tpu.enqueue_indirect_dma source(%dma_start3A_89 : memref<10000x32xf32, #tpu.memory_space<hbm>>) target(%arg13 : memref<1000x32xf32, #tpu.memory_space<vmem>>) offsets(%arg9 : memref<1000xi32, #tpu.memory_space<vmem>>) semaphore(%arg15 : memref<!tpu.dma_semaphore, #tpu.memory_space<semaphore_mem>>)
      %dma_wait3A = arith.constant 0 : i32
      %dma_wait3A_90 = arith.constant 0 : i32
      %dma_wait3A_91 = tpu.memref_slice %arg7[%arg0, %dma_wait3A, %dma_wait3A_90] : memref<2x10000x32xf32, #tpu.memory_space<hbm>> -> memref<1x10000x32xf32, #tpu.memory_space<hbm>>
      %dma_wait3A_92 = tpu.memref_squeeze %dma_wait3A_91 : memref<1x10000x32xf32, #tpu.memory_space<hbm>> -> memref<10000x32xf32, #tpu.memory_space<hbm>>
      %dma_wait3A_93 = arith.constant 0 : i32
      %dma_wait3A_94 = arith.constant 0 : i32
      %dma_wait3A_95 = tpu.memref_slice %dma_wait3A_92[%dma_wait3A_93, %dma_wait3A_94] : memref<10000x32xf32, #tpu.memory_space<hbm>> -> memref<10000x32xf32, #tpu.memory_space<hbm>>
      tpu.wait_indirect_dma semaphore(%arg14 : memref<!tpu.dma_semaphore, #tpu.memory_space<semaphore_mem>>) src(%dma_wait3A_95 : memref<10000x32xf32, #tpu.memory_space<hbm>>) dst(%arg12 : memref<1000x32xf32, #tpu.memory_space<vmem>>)
      "tpu.region"() ({
        %run_scoped3A_112 = tpu.sem_alloc : memref<!tpu.dma_semaphore, #tpu.memory_space<semaphore_mem>>
        %dma_start3A_113 = arith.constant 0 : i32
        %dma_start3A_114 = arith.constant 0 : i32
        %dma_start3A_115 = tpu.memref_slice %arg19[%dma_start3A_113, %dma_start3A_114] : memref<10000x32xf32, #tpu.memory_space<vmem_shared>> -> memref<10000x32xf32, #tpu.memory_space<vmem_shared>>
        tpu.enqueue_indirect_dma source(%arg12 : memref<1000x32xf32, #tpu.memory_space<vmem>>) target(%dma_start3A_115 : memref<10000x32xf32, #tpu.memory_space<vmem_shared>>) offsets(%arg10 : memref<1000xi32, #tpu.memory_space<vmem>>) semaphore(%run_scoped3A_112 : memref<!tpu.dma_semaphore, #tpu.memory_space<semaphore_mem>>) {add = true}
        %dma_wait3A_116 = arith.constant 0 : i32
        %dma_wait3A_117 = arith.constant 0 : i32
        %dma_wait3A_118 = tpu.memref_slice %arg19[%dma_wait3A_116, %dma_wait3A_117] : memref<10000x32xf32, #tpu.memory_space<vmem_shared>> -> memref<10000x32xf32, #tpu.memory_space<vmem_shared>>
        tpu.wait_indirect_dma semaphore(%run_scoped3A_112 : memref<!tpu.dma_semaphore, #tpu.memory_space<semaphore_mem>>) src(%arg12 : memref<1000x32xf32, #tpu.memory_space<vmem>>) dst(%dma_wait3A_118 : memref<10000x32xf32, #tpu.memory_space<vmem_shared>>)
        tpu.yield
      }) : () -> ()
      %mul3A_96 = arith.constant 2 : i32
      %mul3A_97 = arith.muli %mul3A_96, %scan3A_67 : i32
      %add3A_98 = arith.constant 1 : i32
      %add3A_99 = arith.addi %mul3A_97, %add3A_98 : i32
      %lt3A = arith.constant 4 : i32
      %lt3A_100 = arith.cmpi slt, %scan3A_67, %lt3A : i32
      %convert_element_type3A_101 = arith.extui %lt3A_100 : i1 to i32
      %cond3A_102 = arith.constant 0 : i32
      %cond3A_103 = arith.cmpi ne, %convert_element_type3A_101, %cond3A_102 : i32
      scf.if %cond3A_103 {
        %add3A_112 = arith.constant 1 : i32
        %add3A_113 = arith.addi %add3A_99, %add3A_112 : i32
        %mul3A_114 = arith.constant 10000 : i32
        %mul3A_115 = arith.muli %add3A, %mul3A_114 : i32
        %mul3A_116 = arith.constant 1000 : i32
        %mul3A_117 = arith.muli %add3A_113, %mul3A_116 : i32
        %add3A_118 = arith.addi %mul3A_115, %mul3A_117 : i32
        %multiple_of3A_119 = tpu.assume_multiple %add3A_118, 8 : i32
        %run_scoped3A_120 = arith.constant 0 : i32
        "tpu.region"() ({
          %run_scoped3A_129 = tpu.sem_alloc : memref<!tpu.dma_semaphore, #tpu.memory_space<semaphore_mem>>
          %dma_start3A_130 = tpu.memref_slice %arg2[%run_scoped3A_120, %multiple_of3A_119] : memref<2x320000xi32, #tpu.memory_space<hbm>> -> memref<1x1000xi32, #tpu.memory_space<hbm>>
          %dma_start3A_131 = tpu.memref_squeeze %dma_start3A_130 : memref<1x1000xi32, #tpu.memory_space<hbm>> -> memref<1000xi32, #tpu.memory_space<hbm>>
          %dma_start3A_132 = tpu.memref_slice %arg2[%run_scoped3A_120, %multiple_of3A_119] : memref<2x320000xi32, #tpu.memory_space<hbm>> -> memref<1x1000xi32, #tpu.memory_space<hbm>>
          %dma_start3A_133 = tpu.memref_squeeze %dma_start3A_132 : memref<1x1000xi32, #tpu.memory_space<hbm>> -> memref<1000xi32, #tpu.memory_space<hbm>>
          tpu.enqueue_dma source(%dma_start3A_133 : memref<1000xi32, #tpu.memory_space<hbm>>) target(%arg8 : memref<1000xi32, #tpu.memory_space<vmem>>) target_semaphore(%run_scoped3A_129 : memref<!tpu.dma_semaphore, #tpu.memory_space<semaphore_mem>>)
          %dma_wait3A_134 = tpu.memref_slice %arg2[%run_scoped3A_120, %multiple_of3A_119] : memref<2x320000xi32, #tpu.memory_space<hbm>> -> memref<1x1000xi32, #tpu.memory_space<hbm>>
          %dma_wait3A_135 = tpu.memref_squeeze %dma_wait3A_134 : memref<1x1000xi32, #tpu.memory_space<hbm>> -> memref<1000xi32, #tpu.memory_space<hbm>>
          %dma_wait3A_136 = tpu.memref_slice %arg2[%run_scoped3A_120, %multiple_of3A_119] : memref<2x320000xi32, #tpu.memory_space<hbm>> -> memref<1x1000xi32, #tpu.memory_space<hbm>>
          %dma_wait3A_137 = tpu.memref_squeeze %dma_wait3A_136 : memref<1x1000xi32, #tpu.memory_space<hbm>> -> memref<1000xi32, #tpu.memory_space<hbm>>
          tpu.wait_dma2 semaphore(%run_scoped3A_129 : memref<!tpu.dma_semaphore, #tpu.memory_space<semaphore_mem>>) src(%dma_wait3A_137 : memref<1000xi32, #tpu.memory_space<hbm>>) dst(%arg8 : memref<1000xi32, #tpu.memory_space<vmem>>)
          tpu.yield
        }) : () -> ()
        %run_scoped3A_121 = arith.constant 1 : i32
        "tpu.region"() ({
          %run_scoped3A_129 = tpu.sem_alloc : memref<!tpu.dma_semaphore, #tpu.memory_space<semaphore_mem>>
          %dma_start3A_130 = tpu.memref_slice %arg2[%run_scoped3A_121, %multiple_of3A_119] : memref<2x320000xi32, #tpu.memory_space<hbm>> -> memref<1x1000xi32, #tpu.memory_space<hbm>>
          %dma_start3A_131 = tpu.memref_squeeze %dma_start3A_130 : memref<1x1000xi32, #tpu.memory_space<hbm>> -> memref<1000xi32, #tpu.memory_space<hbm>>
          %dma_start3A_132 = tpu.memref_slice %arg2[%run_scoped3A_121, %multiple_of3A_119] : memref<2x320000xi32, #tpu.memory_space<hbm>> -> memref<1x1000xi32, #tpu.memory_space<hbm>>
          %dma_start3A_133 = tpu.memref_squeeze %dma_start3A_132 : memref<1x1000xi32, #tpu.memory_space<hbm>> -> memref<1000xi32, #tpu.memory_space<hbm>>
          tpu.enqueue_dma source(%dma_start3A_133 : memref<1000xi32, #tpu.memory_space<hbm>>) target(%arg10 : memref<1000xi32, #tpu.memory_space<vmem>>) target_semaphore(%run_scoped3A_129 : memref<!tpu.dma_semaphore, #tpu.memory_space<semaphore_mem>>)
          %dma_wait3A_134 = tpu.memref_slice %arg2[%run_scoped3A_121, %multiple_of3A_119] : memref<2x320000xi32, #tpu.memory_space<hbm>> -> memref<1x1000xi32, #tpu.memory_space<hbm>>
          %dma_wait3A_135 = tpu.memref_squeeze %dma_wait3A_134 : memref<1x1000xi32, #tpu.memory_space<hbm>> -> memref<1000xi32, #tpu.memory_space<hbm>>
          %dma_wait3A_136 = tpu.memref_slice %arg2[%run_scoped3A_121, %multiple_of3A_119] : memref<2x320000xi32, #tpu.memory_space<hbm>> -> memref<1x1000xi32, #tpu.memory_space<hbm>>
          %dma_wait3A_137 = tpu.memref_squeeze %dma_wait3A_136 : memref<1x1000xi32, #tpu.memory_space<hbm>> -> memref<1000xi32, #tpu.memory_space<hbm>>
          tpu.wait_dma2 semaphore(%run_scoped3A_129 : memref<!tpu.dma_semaphore, #tpu.memory_space<semaphore_mem>>) src(%dma_wait3A_137 : memref<1000xi32, #tpu.memory_space<hbm>>) dst(%arg10 : memref<1000xi32, #tpu.memory_space<vmem>>)
          tpu.yield
        }) : () -> ()
        %dma_start3A_122 = arith.constant 0 : i32
        %dma_start3A_123 = arith.constant 0 : i32
        %dma_start3A_124 = tpu.memref_slice %arg7[%arg0, %dma_start3A_122, %dma_start3A_123] : memref<2x10000x32xf32, #tpu.memory_space<hbm>> -> memref<1x10000x32xf32, #tpu.memory_space<hbm>>
        %dma_start3A_125 = tpu.memref_squeeze %dma_start3A_124 : memref<1x10000x32xf32, #tpu.memory_space<hbm>> -> memref<10000x32xf32, #tpu.memory_space<hbm>>
        %dma_start3A_126 = arith.constant 0 : i32
        %dma_start3A_127 = arith.constant 0 : i32
        %dma_start3A_128 = tpu.memref_slice %dma_start3A_125[%dma_start3A_126, %dma_start3A_127] : memref<10000x32xf32, #tpu.memory_space<hbm>> -> memref<10000x32xf32, #tpu.memory_space<hbm>>
        tpu.enqueue_indirect_dma source(%dma_start3A_128 : memref<10000x32xf32, #tpu.memory_space<hbm>>) target(%arg12 : memref<1000x32xf32, #tpu.memory_space<vmem>>) offsets(%arg8 : memref<1000xi32, #tpu.memory_space<vmem>>) semaphore(%arg14 : memref<!tpu.dma_semaphore, #tpu.memory_space<semaphore_mem>>)
      } else {
      }
      %dma_wait3A_104 = arith.constant 0 : i32
      %dma_wait3A_105 = arith.constant 0 : i32
      %dma_wait3A_106 = tpu.memref_slice %arg7[%arg0, %dma_wait3A_104, %dma_wait3A_105] : memref<2x10000x32xf32, #tpu.memory_space<hbm>> -> memref<1x10000x32xf32, #tpu.memory_space<hbm>>
      %dma_wait3A_107 = tpu.memref_squeeze %dma_wait3A_106 : memref<1x10000x32xf32, #tpu.memory_space<hbm>> -> memref<10000x32xf32, #tpu.memory_space<hbm>>
      %dma_wait3A_108 = arith.constant 0 : i32
      %dma_wait3A_109 = arith.constant 0 : i32
      %dma_wait3A_110 = tpu.memref_slice %dma_wait3A_107[%dma_wait3A_108, %dma_wait3A_109] : memref<10000x32xf32, #tpu.memory_space<hbm>> -> memref<10000x32xf32, #tpu.memory_space<hbm>>
      tpu.wait_indirect_dma semaphore(%arg15 : memref<!tpu.dma_semaphore, #tpu.memory_space<semaphore_mem>>) src(%dma_wait3A_110 : memref<10000x32xf32, #tpu.memory_space<hbm>>) dst(%arg13 : memref<1000x32xf32, #tpu.memory_space<vmem>>)
      "tpu.region"() ({
        %run_scoped3A_112 = tpu.sem_alloc : memref<!tpu.dma_semaphore, #tpu.memory_space<semaphore_mem>>
        %dma_start3A_113 = arith.constant 0 : i32
        %dma_start3A_114 = arith.constant 0 : i32
        %dma_start3A_115 = tpu.memref_slice %arg19[%dma_start3A_113, %dma_start3A_114] : memref<10000x32xf32, #tpu.memory_space<vmem_shared>> -> memref<10000x32xf32, #tpu.memory_space<vmem_shared>>
        tpu.enqueue_indirect_dma source(%arg13 : memref<1000x32xf32, #tpu.memory_space<vmem>>) target(%dma_start3A_115 : memref<10000x32xf32, #tpu.memory_space<vmem_shared>>) offsets(%arg11 : memref<1000xi32, #tpu.memory_space<vmem>>) semaphore(%run_scoped3A_112 : memref<!tpu.dma_semaphore, #tpu.memory_space<semaphore_mem>>) {add = true}
        %dma_wait3A_116 = arith.constant 0 : i32
        %dma_wait3A_117 = arith.constant 0 : i32
        %dma_wait3A_118 = tpu.memref_slice %arg19[%dma_wait3A_116, %dma_wait3A_117] : memref<10000x32xf32, #tpu.memory_space<vmem_shared>> -> memref<10000x32xf32, #tpu.memory_space<vmem_shared>>
        tpu.wait_indirect_dma semaphore(%run_scoped3A_112 : memref<!tpu.dma_semaphore, #tpu.memory_space<semaphore_mem>>) src(%arg13 : memref<1000x32xf32, #tpu.memory_space<vmem>>) dst(%dma_wait3A_118 : memref<10000x32xf32, #tpu.memory_space<vmem_shared>>)
        tpu.yield
      }) : () -> ()
      %scan3A_111 = arith.constant 0 : i32
      scf.yield %scan3A_111 : i32
    }
    %scan3A_57 = arith.constant 5 : i32
    %barrier3A_58 = arith.constant 0 : index
    tpu.barrier barrier_id(%barrier3A_58)
    %convert_element_type3A_59 = arith.extui %eq3A_3 : i1 to i32
    %cond3A_60 = arith.constant 0 : i32
    %cond3A_61 = arith.cmpi ne, %convert_element_type3A_59, %cond3A_60 : i32
    scf.if %cond3A_61 {
      "tpu.region"() ({
        %run_scoped3A_74 = tpu.sem_alloc : memref<!tpu.dma_semaphore, #tpu.memory_space<semaphore_mem>>
        %dma_start3A_75 = arith.constant 0 : i32
        %dma_start3A_76 = arith.constant 0 : i32
        %dma_start3A_77 = tpu.memref_slice %arg12[%dma_start3A_75, %dma_start3A_76] : memref<1000x32xf32, #tpu.memory_space<vmem>> -> memref<640x32xf32, #tpu.memory_space<vmem>>
        %dma_start3A_78 = arith.constant 0 : i32
        %dma_start3A_79 = tpu.memref_slice %arg19[%multiple_of3A, %dma_start3A_78] : memref<10000x32xf32, #tpu.memory_space<vmem_shared>> -> memref<640x32xf32, #tpu.memory_space<vmem_shared>>
        %dma_start3A_80 = arith.constant 0 : i32
        %dma_start3A_81 = arith.constant 0 : i32
        %dma_start3A_82 = tpu.memref_slice %arg12[%dma_start3A_80, %dma_start3A_81] : memref<1000x32xf32, #tpu.memory_space<vmem>> -> memref<640x32xf32, #tpu.memory_space<vmem>>
        %dma_start3A_83 = arith.constant 0 : i32
        %dma_start3A_84 = tpu.memref_slice %arg19[%multiple_of3A, %dma_start3A_83] : memref<10000x32xf32, #tpu.memory_space<vmem_shared>> -> memref<640x32xf32, #tpu.memory_space<vmem_shared>>
        tpu.enqueue_dma source(%dma_start3A_84 : memref<640x32xf32, #tpu.memory_space<vmem_shared>>) target(%dma_start3A_82 : memref<640x32xf32, #tpu.memory_space<vmem>>) target_semaphore(%run_scoped3A_74 : memref<!tpu.dma_semaphore, #tpu.memory_space<semaphore_mem>>)
        %dma_wait3A = arith.constant 0 : i32
        %dma_wait3A_85 = arith.constant 0 : i32
        %dma_wait3A_86 = tpu.memref_slice %arg12[%dma_wait3A, %dma_wait3A_85] : memref<1000x32xf32, #tpu.memory_space<vmem>> -> memref<640x32xf32, #tpu.memory_space<vmem>>
        %dma_wait3A_87 = arith.constant 0 : i32
        %dma_wait3A_88 = tpu.memref_slice %arg19[%multiple_of3A, %dma_wait3A_87] : memref<10000x32xf32, #tpu.memory_space<vmem_shared>> -> memref<640x32xf32, #tpu.memory_space<vmem_shared>>
        %dma_wait3A_89 = arith.constant 0 : i32
        %dma_wait3A_90 = arith.constant 0 : i32
        %dma_wait3A_91 = tpu.memref_slice %arg12[%dma_wait3A_89, %dma_wait3A_90] : memref<1000x32xf32, #tpu.memory_space<vmem>> -> memref<640x32xf32, #tpu.memory_space<vmem>>
        %dma_wait3A_92 = arith.constant 0 : i32
        %dma_wait3A_93 = tpu.memref_slice %arg19[%multiple_of3A, %dma_wait3A_92] : memref<10000x32xf32, #tpu.memory_space<vmem_shared>> -> memref<640x32xf32, #tpu.memory_space<vmem_shared>>
        tpu.wait_dma2 semaphore(%run_scoped3A_74 : memref<!tpu.dma_semaphore, #tpu.memory_space<semaphore_mem>>) src(%dma_wait3A_93 : memref<640x32xf32, #tpu.memory_space<vmem_shared>>) dst(%dma_wait3A_91 : memref<640x32xf32, #tpu.memory_space<vmem>>)
        tpu.yield
      }) : () -> ()
      %scan3A_67 = arith.constant 0 : i32
      %scan3A_68 = arith.constant 0 : i32
      %scan3A_69 = arith.constant 640 : i32
      %scan3A_70 = arith.addi %scan3A_68, %scan3A_69 : i32
      %scan3A_71 = arith.constant 1 : i32
      %scan3A_72 = scf.for %scan3A_74 = %scan3A_68 to %scan3A_70 step %scan3A_71 iter_args(%scan3A_75 = %scan3A_67) -> (i32)  : i32 {
        %get3A = arith.index_cast %scan3A_74 : i32 to index
        %get3A_76 = arith.constant 0 : index
        %get3A_77 = tpu.vector_load %arg16[%get3A, %get3A_76] {strides = array<i32>} : memref<640x16xf32, #tpu.memory_space<vmem>>, vector<1x16xf32>,
        %get3A_78 = vector.shape_cast %get3A_77 : vector<1x16xf32> to vector<16xf32>
        %get3A_79 = arith.index_cast %scan3A_74 : i32 to index
        %get3A_80 = arith.constant 0 : index
        %get3A_81 = tpu.vector_load %arg17[%get3A_79, %get3A_80] {strides = array<i32>} : memref<640x16xf32, #tpu.memory_space<vmem>>, vector<1x16xf32>,
        %get3A_82 = vector.shape_cast %get3A_81 : vector<1x16xf32> to vector<16xf32>
        %add3A_83 = arith.addf %get3A_78, %get3A_82 : vector<16xf32>
        %max3A = arith.constant 1.000000e+00 : f32
        %max3A_84 = vector.broadcast %max3A : f32 to vector<16xf32>
        %max3A_85 = arith.maximumf %add3A_83, %max3A_84 : vector<16xf32>
        %div3A = arith.constant 1.000000e+00 : f32
        %div3A_86 = vector.broadcast %div3A : f32 to vector<16xf32>
        %div3A_87 = arith.divf %div3A_86, %max3A_85 : vector<16xf32>
        %get3A_88 = arith.index_cast %scan3A_74 : i32 to index
        %get3A_89 = arith.constant 0 : index
        %get3A_90 = tpu.vector_load %arg12[%get3A_88, %get3A_89] {strides = array<i32>} : memref<1000x32xf32, #tpu.memory_space<vmem>>, vector<1x16xf32>,
        %get3A_91 = vector.shape_cast %get3A_90 : vector<1x16xf32> to vector<16xf32>
        %mul3A_92 = arith.mulf %get3A_91, %div3A_87 : vector<16xf32>
        %swap3A = arith.index_cast %scan3A_74 : i32 to index
        %swap3A_93 = arith.constant 0 : index
        %swap3A_94 = tpu.vector_load %arg12[%swap3A, %swap3A_93] {strides = array<i32>} : memref<1000x32xf32, #tpu.memory_space<vmem>>, vector<1x16xf32>,
        %swap3A_95 = vector.shape_cast %swap3A_94 : vector<1x16xf32> to vector<16xf32>
        %swap3A_96 = vector.shape_cast %mul3A_92 : vector<16xf32> to vector<1x16xf32>
        tpu.vector_store %arg12[%swap3A, %swap3A_93], %swap3A_96 {strides = array<i32>} : memref<1000x32xf32, #tpu.memory_space<vmem>>, vector<1x16xf32>,
        %get3A_97 = arith.index_cast %scan3A_74 : i32 to index
        %get3A_98 = arith.constant 16 : index
        %get3A_99 = tpu.vector_load %arg12[%get3A_97, %get3A_98] {strides = array<i32>} : memref<1000x32xf32, #tpu.memory_space<vmem>>, vector<1x16xf32>,
        %get3A_100 = vector.shape_cast %get3A_99 : vector<1x16xf32> to vector<16xf32>
        %mul3A_101 = arith.mulf %get3A_100, %div3A_87 : vector<16xf32>
        %swap3A_102 = arith.index_cast %scan3A_74 : i32 to index
        %swap3A_103 = arith.constant 16 : index
        %swap3A_104 = tpu.vector_load %arg12[%swap3A_102, %swap3A_103] {strides = array<i32>} : memref<1000x32xf32, #tpu.memory_space<vmem>>, vector<1x16xf32>,
        %swap3A_105 = vector.shape_cast %swap3A_104 : vector<1x16xf32> to vector<16xf32>
        %swap3A_106 = vector.shape_cast %mul3A_101 : vector<16xf32> to vector<1x16xf32>
        tpu.vector_store %arg12[%swap3A_102, %swap3A_103], %swap3A_106 {strides = array<i32>} : memref<1000x32xf32, #tpu.memory_space<vmem>>, vector<1x16xf32>,
        %scan3A_107 = arith.constant 0 : i32
        scf.yield %scan3A_107 : i32
      }
      %scan3A_73 = arith.constant 640 : i32
      "tpu.region"() ({
        %run_scoped3A_74 = tpu.sem_alloc : memref<!tpu.dma_semaphore, #tpu.memory_space<semaphore_mem>>
        %dma_start3A_75 = arith.constant 0 : i32
        %dma_start3A_76 = arith.constant 0 : i32
        %dma_start3A_77 = tpu.memref_slice %arg12[%dma_start3A_75, %dma_start3A_76] : memref<1000x32xf32, #tpu.memory_space<vmem>> -> memref<640x32xf32, #tpu.memory_space<vmem>>
        %dma_start3A_78 = arith.constant 0 : i32
        %dma_start3A_79 = tpu.memref_slice %arg6[%arg0, %multiple_of3A, %dma_start3A_78] : memref<2x10000x32xf32, #tpu.memory_space<hbm>> -> memref<1x640x32xf32, #tpu.memory_space<hbm>>
        %dma_start3A_80 = tpu.memref_squeeze %dma_start3A_79 : memref<1x640x32xf32, #tpu.memory_space<hbm>> -> memref<640x32xf32, #tpu.memory_space<hbm>>
        %dma_start3A_81 = arith.constant 0 : i32
        %dma_start3A_82 = tpu.memref_slice %arg6[%arg0, %multiple_of3A, %dma_start3A_81] : memref<2x10000x32xf32, #tpu.memory_space<hbm>> -> memref<1x640x32xf32, #tpu.memory_space<hbm>>
        %dma_start3A_83 = tpu.memref_squeeze %dma_start3A_82 : memref<1x640x32xf32, #tpu.memory_space<hbm>> -> memref<640x32xf32, #tpu.memory_space<hbm>>
        %dma_start3A_84 = arith.constant 0 : i32
        %dma_start3A_85 = arith.constant 0 : i32
        %dma_start3A_86 = tpu.memref_slice %arg12[%dma_start3A_84, %dma_start3A_85] : memref<1000x32xf32, #tpu.memory_space<vmem>> -> memref<640x32xf32, #tpu.memory_space<vmem>>
        tpu.enqueue_dma source(%dma_start3A_86 : memref<640x32xf32, #tpu.memory_space<vmem>>) target(%dma_start3A_83 : memref<640x32xf32, #tpu.memory_space<hbm>>) target_semaphore(%run_scoped3A_74 : memref<!tpu.dma_semaphore, #tpu.memory_space<semaphore_mem>>)
        %dma_wait3A = arith.constant 0 : i32
        %dma_wait3A_87 = arith.constant 0 : i32
        %dma_wait3A_88 = tpu.memref_slice %arg12[%dma_wait3A, %dma_wait3A_87] : memref<1000x32xf32, #tpu.memory_space<vmem>> -> memref<640x32xf32, #tpu.memory_space<vmem>>
        %dma_wait3A_89 = arith.constant 0 : i32
        %dma_wait3A_90 = tpu.memref_slice %arg6[%arg0, %multiple_of3A, %dma_wait3A_89] : memref<2x10000x32xf32, #tpu.memory_space<hbm>> -> memref<1x640x32xf32, #tpu.memory_space<hbm>>
        %dma_wait3A_91 = tpu.memref_squeeze %dma_wait3A_90 : memref<1x640x32xf32, #tpu.memory_space<hbm>> -> memref<640x32xf32, #tpu.memory_space<hbm>>
        %dma_wait3A_92 = arith.constant 0 : i32
        %dma_wait3A_93 = tpu.memref_slice %arg6[%arg0, %multiple_of3A, %dma_wait3A_92] : memref<2x10000x32xf32, #tpu.memory_space<hbm>> -> memref<1x640x32xf32, #tpu.memory_space<hbm>>
        %dma_wait3A_94 = tpu.memref_squeeze %dma_wait3A_93 : memref<1x640x32xf32, #tpu.memory_space<hbm>> -> memref<640x32xf32, #tpu.memory_space<hbm>>
        %dma_wait3A_95 = arith.constant 0 : i32
        %dma_wait3A_96 = arith.constant 0 : i32
        %dma_wait3A_97 = tpu.memref_slice %arg12[%dma_wait3A_95, %dma_wait3A_96] : memref<1000x32xf32, #tpu.memory_space<vmem>> -> memref<640x32xf32, #tpu.memory_space<vmem>>
        tpu.wait_dma2 semaphore(%run_scoped3A_74 : memref<!tpu.dma_semaphore, #tpu.memory_space<semaphore_mem>>) src(%dma_wait3A_97 : memref<640x32xf32, #tpu.memory_space<vmem>>) dst(%dma_wait3A_94 : memref<640x32xf32, #tpu.memory_space<hbm>>)
        tpu.yield
      }) : () -> ()
    } else {
    }
    %not3A_62 = arith.constant true
    %not3A_63 = arith.xori %eq3A_3, %not3A_62 : i1
    %convert_element_type3A_64 = arith.extui %not3A_63 : i1 to i32
    %cond3A_65 = arith.constant 0 : i32
    %cond3A_66 = arith.cmpi ne, %convert_element_type3A_64, %cond3A_65 : i32
    scf.if %cond3A_66 {
      "tpu.region"() ({
        %run_scoped3A_74 = tpu.sem_alloc : memref<!tpu.dma_semaphore, #tpu.memory_space<semaphore_mem>>
        %dma_start3A_75 = arith.constant 0 : i32
        %dma_start3A_76 = arith.constant 0 : i32
        %dma_start3A_77 = tpu.memref_slice %arg12[%dma_start3A_75, %dma_start3A_76] : memref<1000x32xf32, #tpu.memory_space<vmem>> -> memref<624x32xf32, #tpu.memory_space<vmem>>
        %dma_start3A_78 = arith.constant 0 : i32
        %dma_start3A_79 = tpu.memref_slice %arg19[%multiple_of3A, %dma_start3A_78] : memref<10000x32xf32, #tpu.memory_space<vmem_shared>> -> memref<624x32xf32, #tpu.memory_space<vmem_shared>>
        %dma_start3A_80 = arith.constant 0 : i32
        %dma_start3A_81 = arith.constant 0 : i32
        %dma_start3A_82 = tpu.memref_slice %arg12[%dma_start3A_80, %dma_start3A_81] : memref<1000x32xf32, #tpu.memory_space<vmem>> -> memref<624x32xf32, #tpu.memory_space<vmem>>
        %dma_start3A_83 = arith.constant 0 : i32
        %dma_start3A_84 = tpu.memref_slice %arg19[%multiple_of3A, %dma_start3A_83] : memref<10000x32xf32, #tpu.memory_space<vmem_shared>> -> memref<624x32xf32, #tpu.memory_space<vmem_shared>>
        tpu.enqueue_dma source(%dma_start3A_84 : memref<624x32xf32, #tpu.memory_space<vmem_shared>>) target(%dma_start3A_82 : memref<624x32xf32, #tpu.memory_space<vmem>>) target_semaphore(%run_scoped3A_74 : memref<!tpu.dma_semaphore, #tpu.memory_space<semaphore_mem>>)
        %dma_wait3A = arith.constant 0 : i32
        %dma_wait3A_85 = arith.constant 0 : i32
        %dma_wait3A_86 = tpu.memref_slice %arg12[%dma_wait3A, %dma_wait3A_85] : memref<1000x32xf32, #tpu.memory_space<vmem>> -> memref<624x32xf32, #tpu.memory_space<vmem>>
        %dma_wait3A_87 = arith.constant 0 : i32
        %dma_wait3A_88 = tpu.memref_slice %arg19[%multiple_of3A, %dma_wait3A_87] : memref<10000x32xf32, #tpu.memory_space<vmem_shared>> -> memref<624x32xf32, #tpu.memory_space<vmem_shared>>
        %dma_wait3A_89 = arith.constant 0 : i32
        %dma_wait3A_90 = arith.constant 0 : i32
        %dma_wait3A_91 = tpu.memref_slice %arg12[%dma_wait3A_89, %dma_wait3A_90] : memref<1000x32xf32, #tpu.memory_space<vmem>> -> memref<624x32xf32, #tpu.memory_space<vmem>>
        %dma_wait3A_92 = arith.constant 0 : i32
        %dma_wait3A_93 = tpu.memref_slice %arg19[%multiple_of3A, %dma_wait3A_92] : memref<10000x32xf32, #tpu.memory_space<vmem_shared>> -> memref<624x32xf32, #tpu.memory_space<vmem_shared>>
        tpu.wait_dma2 semaphore(%run_scoped3A_74 : memref<!tpu.dma_semaphore, #tpu.memory_space<semaphore_mem>>) src(%dma_wait3A_93 : memref<624x32xf32, #tpu.memory_space<vmem_shared>>) dst(%dma_wait3A_91 : memref<624x32xf32, #tpu.memory_space<vmem>>)
        tpu.yield
      }) : () -> ()
      %scan3A_67 = arith.constant 0 : i32
      %scan3A_68 = arith.constant 0 : i32
      %scan3A_69 = arith.constant 624 : i32
      %scan3A_70 = arith.addi %scan3A_68, %scan3A_69 : i32
      %scan3A_71 = arith.constant 1 : i32
      %scan3A_72 = scf.for %scan3A_74 = %scan3A_68 to %scan3A_70 step %scan3A_71 iter_args(%scan3A_75 = %scan3A_67) -> (i32)  : i32 {
        %get3A = arith.index_cast %scan3A_74 : i32 to index
        %get3A_76 = arith.constant 0 : index
        %get3A_77 = tpu.vector_load %arg16[%get3A, %get3A_76] {strides = array<i32>} : memref<640x16xf32, #tpu.memory_space<vmem>>, vector<1x16xf32>,
        %get3A_78 = vector.shape_cast %get3A_77 : vector<1x16xf32> to vector<16xf32>
        %get3A_79 = arith.index_cast %scan3A_74 : i32 to index
        %get3A_80 = arith.constant 0 : index
        %get3A_81 = tpu.vector_load %arg17[%get3A_79, %get3A_80] {strides = array<i32>} : memref<640x16xf32, #tpu.memory_space<vmem>>, vector<1x16xf32>,
        %get3A_82 = vector.shape_cast %get3A_81 : vector<1x16xf32> to vector<16xf32>
        %add3A_83 = arith.addf %get3A_78, %get3A_82 : vector<16xf32>
        %max3A = arith.constant 1.000000e+00 : f32
        %max3A_84 = vector.broadcast %max3A : f32 to vector<16xf32>
        %max3A_85 = arith.maximumf %add3A_83, %max3A_84 : vector<16xf32>
        %div3A = arith.constant 1.000000e+00 : f32
        %div3A_86 = vector.broadcast %div3A : f32 to vector<16xf32>
        %div3A_87 = arith.divf %div3A_86, %max3A_85 : vector<16xf32>
        %get3A_88 = arith.index_cast %scan3A_74 : i32 to index
        %get3A_89 = arith.constant 0 : index
        %get3A_90 = tpu.vector_load %arg12[%get3A_88, %get3A_89] {strides = array<i32>} : memref<1000x32xf32, #tpu.memory_space<vmem>>, vector<1x16xf32>,
        %get3A_91 = vector.shape_cast %get3A_90 : vector<1x16xf32> to vector<16xf32>
        %mul3A_92 = arith.mulf %get3A_91, %div3A_87 : vector<16xf32>
        %swap3A = arith.index_cast %scan3A_74 : i32 to index
        %swap3A_93 = arith.constant 0 : index
        %swap3A_94 = tpu.vector_load %arg12[%swap3A, %swap3A_93] {strides = array<i32>} : memref<1000x32xf32, #tpu.memory_space<vmem>>, vector<1x16xf32>,
        %swap3A_95 = vector.shape_cast %swap3A_94 : vector<1x16xf32> to vector<16xf32>
        %swap3A_96 = vector.shape_cast %mul3A_92 : vector<16xf32> to vector<1x16xf32>
        tpu.vector_store %arg12[%swap3A, %swap3A_93], %swap3A_96 {strides = array<i32>} : memref<1000x32xf32, #tpu.memory_space<vmem>>, vector<1x16xf32>,
        %get3A_97 = arith.index_cast %scan3A_74 : i32 to index
        %get3A_98 = arith.constant 16 : index
        %get3A_99 = tpu.vector_load %arg12[%get3A_97, %get3A_98] {strides = array<i32>} : memref<1000x32xf32, #tpu.memory_space<vmem>>, vector<1x16xf32>,
        %get3A_100 = vector.shape_cast %get3A_99 : vector<1x16xf32> to vector<16xf32>
        %mul3A_101 = arith.mulf %get3A_100, %div3A_87 : vector<16xf32>
        %swap3A_102 = arith.index_cast %scan3A_74 : i32 to index
        %swap3A_103 = arith.constant 16 : index
        %swap3A_104 = tpu.vector_load %arg12[%swap3A_102, %swap3A_103] {strides = array<i32>} : memref<1000x32xf32, #tpu.memory_space<vmem>>, vector<1x16xf32>,
        %swap3A_105 = vector.shape_cast %swap3A_104 : vector<1x16xf32> to vector<16xf32>
        %swap3A_106 = vector.shape_cast %mul3A_101 : vector<16xf32> to vector<1x16xf32>
        tpu.vector_store %arg12[%swap3A_102, %swap3A_103], %swap3A_106 {strides = array<i32>} : memref<1000x32xf32, #tpu.memory_space<vmem>>, vector<1x16xf32>,
        %scan3A_107 = arith.constant 0 : i32
        scf.yield %scan3A_107 : i32
      }
      %scan3A_73 = arith.constant 624 : i32
      "tpu.region"() ({
        %run_scoped3A_74 = tpu.sem_alloc : memref<!tpu.dma_semaphore, #tpu.memory_space<semaphore_mem>>
        %dma_start3A_75 = arith.constant 0 : i32
        %dma_start3A_76 = arith.constant 0 : i32
        %dma_start3A_77 = tpu.memref_slice %arg12[%dma_start3A_75, %dma_start3A_76] : memref<1000x32xf32, #tpu.memory_space<vmem>> -> memref<624x32xf32, #tpu.memory_space<vmem>>
        %dma_start3A_78 = arith.constant 0 : i32
        %dma_start3A_79 = tpu.memref_slice %arg6[%arg0, %multiple_of3A, %dma_start3A_78] : memref<2x10000x32xf32, #tpu.memory_space<hbm>> -> memref<1x624x32xf32, #tpu.memory_space<hbm>>
        %dma_start3A_80 = tpu.memref_squeeze %dma_start3A_79 : memref<1x624x32xf32, #tpu.memory_space<hbm>> -> memref<624x32xf32, #tpu.memory_space<hbm>>
        %dma_start3A_81 = arith.constant 0 : i32
        %dma_start3A_82 = tpu.memref_slice %arg6[%arg0, %multiple_of3A, %dma_start3A_81] : memref<2x10000x32xf32, #tpu.memory_space<hbm>> -> memref<1x624x32xf32, #tpu.memory_space<hbm>>
        %dma_start3A_83 = tpu.memref_squeeze %dma_start3A_82 : memref<1x624x32xf32, #tpu.memory_space<hbm>> -> memref<624x32xf32, #tpu.memory_space<hbm>>
        %dma_start3A_84 = arith.constant 0 : i32
        %dma_start3A_85 = arith.constant 0 : i32
        %dma_start3A_86 = tpu.memref_slice %arg12[%dma_start3A_84, %dma_start3A_85] : memref<1000x32xf32, #tpu.memory_space<vmem>> -> memref<624x32xf32, #tpu.memory_space<vmem>>
        tpu.enqueue_dma source(%dma_start3A_86 : memref<624x32xf32, #tpu.memory_space<vmem>>) target(%dma_start3A_83 : memref<624x32xf32, #tpu.memory_space<hbm>>) target_semaphore(%run_scoped3A_74 : memref<!tpu.dma_semaphore, #tpu.memory_space<semaphore_mem>>)
        %dma_wait3A = arith.constant 0 : i32
        %dma_wait3A_87 = arith.constant 0 : i32
        %dma_wait3A_88 = tpu.memref_slice %arg12[%dma_wait3A, %dma_wait3A_87] : memref<1000x32xf32, #tpu.memory_space<vmem>> -> memref<624x32xf32, #tpu.memory_space<vmem>>
        %dma_wait3A_89 = arith.constant 0 : i32
        %dma_wait3A_90 = tpu.memref_slice %arg6[%arg0, %multiple_of3A, %dma_wait3A_89] : memref<2x10000x32xf32, #tpu.memory_space<hbm>> -> memref<1x624x32xf32, #tpu.memory_space<hbm>>
        %dma_wait3A_91 = tpu.memref_squeeze %dma_wait3A_90 : memref<1x624x32xf32, #tpu.memory_space<hbm>> -> memref<624x32xf32, #tpu.memory_space<hbm>>
        %dma_wait3A_92 = arith.constant 0 : i32
        %dma_wait3A_93 = tpu.memref_slice %arg6[%arg0, %multiple_of3A, %dma_wait3A_92] : memref<2x10000x32xf32, #tpu.memory_space<hbm>> -> memref<1x624x32xf32, #tpu.memory_space<hbm>>
        %dma_wait3A_94 = tpu.memref_squeeze %dma_wait3A_93 : memref<1x624x32xf32, #tpu.memory_space<hbm>> -> memref<624x32xf32, #tpu.memory_space<hbm>>
        %dma_wait3A_95 = arith.constant 0 : i32
        %dma_wait3A_96 = arith.constant 0 : i32
        %dma_wait3A_97 = tpu.memref_slice %arg12[%dma_wait3A_95, %dma_wait3A_96] : memref<1000x32xf32, #tpu.memory_space<vmem>> -> memref<624x32xf32, #tpu.memory_space<vmem>>
        tpu.wait_dma2 semaphore(%run_scoped3A_74 : memref<!tpu.dma_semaphore, #tpu.memory_space<semaphore_mem>>) src(%dma_wait3A_97 : memref<624x32xf32, #tpu.memory_space<vmem>>) dst(%dma_wait3A_94 : memref<624x32xf32, #tpu.memory_space<hbm>>)
        tpu.yield
      }) : () -> ()
    } else {
    }
    return
  }
}

#map = affine_map<(d0, d1) -> (0, 0)>
#map1 = affine_map<(d0, d1) -> (0, 0, 0)>
module attributes {stable_mosaic.version = 14 : i64} {
  func.func @sage_sc_pass1(%arg0: i32, %arg1: i32, %arg2: memref<2x320000xi32, #tpu.memory_space<hbm>>, %arg3: memref<10000x32xf32, #tpu.memory_space<hbm>>, %arg4: memref<2x10000x32xf32, #tpu.memory_space<hbm>>, %arg5: memref<2x10000x16xf32, #tpu.memory_space<hbm>>, %arg6: memref<1000xi32, #tpu.memory_space<vmem>>, %arg7: memref<1000xi32, #tpu.memory_space<vmem>>, %arg8: memref<1000xi32, #tpu.memory_space<vmem>>, %arg9: memref<1000xi32, #tpu.memory_space<vmem>>, %arg10: memref<1000x32xf32, #tpu.memory_space<vmem>>, %arg11: memref<1000x32xf32, #tpu.memory_space<vmem>>, %arg12: memref<!tpu.dma_semaphore, #tpu.memory_space<semaphore_mem>>, %arg13: memref<!tpu.dma_semaphore, #tpu.memory_space<semaphore_mem>>, %arg14: memref<1000x16xf32, #tpu.memory_space<vmem>>, %arg15: memref<10000x32xf32, #tpu.memory_space<vmem_shared>>, %arg16: memref<10000x16xf32, #tpu.memory_space<vmem_shared>>) attributes {dimension_semantics = [#tpu.dimension_semantics<core_parallel>, #tpu.dimension_semantics<subcore_parallel>], iteration_bounds = array<i64: 2, 16>, scalar_prefetch = 0 : i64, scratch_operands = 11 : i64, tpu.core_type = #tpu.core_type<sc_vector_subcore>, window_params = [{transform_indices = #map}, {transform_indices = #map}, {transform_indices = #map1}, {transform_indices = #map1}]} {
    %mul3A = arith.constant 2 : i32
    %mul3A_0 = arith.muli %arg1, %mul3A : i32
    %add3A = arith.addi %mul3A_0, %arg0 : i32
    %mul3A_1 = arith.constant 624 : i32
    %mul3A_2 = arith.muli %arg1, %mul3A_1 : i32
    %multiple_of3A = tpu.assume_multiple %mul3A_2, 8 : i32
    %eq3A = arith.constant 15 : i32
    %eq3A_3 = arith.cmpi eq, %arg1, %eq3A : i32
    %scan3A = arith.constant 0 : i32
    %scan3A_4 = arith.constant 0 : i32
    %scan3A_5 = arith.constant 640 : i32
    %scan3A_6 = arith.addi %scan3A_4, %scan3A_5 : i32
    %scan3A_7 = arith.constant 1 : i32
    %scan3A_8 = scf.for %scan3A_62 = %scan3A_4 to %scan3A_6 step %scan3A_7 iter_args(%scan3A_63 = %scan3A) -> (i32)  : i32 {
      %broadcast_in_dim3A = arith.constant 0.000000e+00 : f32
      %broadcast_in_dim3A_64 = vector.broadcast %broadcast_in_dim3A : f32 to vector<16xf32>
      %swap3A = arith.index_cast %scan3A_62 : i32 to index
      %swap3A_65 = arith.constant 0 : index
      %swap3A_66 = tpu.vector_load %arg10[%swap3A, %swap3A_65] {strides = array<i32>} : memref<1000x32xf32, #tpu.memory_space<vmem>>, vector<1x16xf32>,
      %swap3A_67 = vector.shape_cast %swap3A_66 : vector<1x16xf32> to vector<16xf32>
      %swap3A_68 = vector.shape_cast %broadcast_in_dim3A_64 : vector<16xf32> to vector<1x16xf32>
      tpu.vector_store %arg10[%swap3A, %swap3A_65], %swap3A_68 {strides = array<i32>} : memref<1000x32xf32, #tpu.memory_space<vmem>>, vector<1x16xf32>,
      %broadcast_in_dim3A_69 = arith.constant 0.000000e+00 : f32
      %broadcast_in_dim3A_70 = vector.broadcast %broadcast_in_dim3A_69 : f32 to vector<16xf32>
      %swap3A_71 = arith.index_cast %scan3A_62 : i32 to index
      %swap3A_72 = arith.constant 16 : index
      %swap3A_73 = tpu.vector_load %arg10[%swap3A_71, %swap3A_72] {strides = array<i32>} : memref<1000x32xf32, #tpu.memory_space<vmem>>, vector<1x16xf32>,
      %swap3A_74 = vector.shape_cast %swap3A_73 : vector<1x16xf32> to vector<16xf32>
      %swap3A_75 = vector.shape_cast %broadcast_in_dim3A_70 : vector<16xf32> to vector<1x16xf32>
      tpu.vector_store %arg10[%swap3A_71, %swap3A_72], %swap3A_75 {strides = array<i32>} : memref<1000x32xf32, #tpu.memory_space<vmem>>, vector<1x16xf32>,
      %broadcast_in_dim3A_76 = arith.constant 0.000000e+00 : f32
      %broadcast_in_dim3A_77 = vector.broadcast %broadcast_in_dim3A_76 : f32 to vector<16xf32>
      %swap3A_78 = arith.index_cast %scan3A_62 : i32 to index
      %swap3A_79 = arith.constant 0 : index
      %swap3A_80 = tpu.vector_load %arg14[%swap3A_78, %swap3A_79] {strides = array<i32>} : memref<1000x16xf32, #tpu.memory_space<vmem>>, vector<1x16xf32>,
      %swap3A_81 = vector.shape_cast %swap3A_80 : vector<1x16xf32> to vector<16xf32>
      %swap3A_82 = vector.shape_cast %broadcast_in_dim3A_77 : vector<16xf32> to vector<1x16xf32>
      tpu.vector_store %arg14[%swap3A_78, %swap3A_79], %swap3A_82 {strides = array<i32>} : memref<1000x16xf32, #tpu.memory_space<vmem>>, vector<1x16xf32>,
      %scan3A_83 = arith.constant 0 : i32
      scf.yield %scan3A_83 : i32
    }
    %scan3A_9 = arith.constant 640 : i32
    %convert_element_type3A = arith.extui %eq3A_3 : i1 to i32
    %cond3A = arith.constant 0 : i32
    %cond3A_10 = arith.cmpi ne, %convert_element_type3A, %cond3A : i32
    scf.if %cond3A_10 {
      "tpu.region"() ({
        %run_scoped3A_62 = tpu.sem_alloc : memref<!tpu.dma_semaphore, #tpu.memory_space<semaphore_mem>>
        %dma_start3A_63 = arith.constant 0 : i32
        %dma_start3A_64 = arith.constant 0 : i32
        %dma_start3A_65 = tpu.memref_slice %arg10[%dma_start3A_63, %dma_start3A_64] : memref<1000x32xf32, #tpu.memory_space<vmem>> -> memref<640x32xf32, #tpu.memory_space<vmem>>
        %dma_start3A_66 = arith.constant 0 : i32
        %dma_start3A_67 = tpu.memref_slice %arg15[%multiple_of3A, %dma_start3A_66] : memref<10000x32xf32, #tpu.memory_space<vmem_shared>> -> memref<640x32xf32, #tpu.memory_space<vmem_shared>>
        %dma_start3A_68 = arith.constant 0 : i32
        %dma_start3A_69 = tpu.memref_slice %arg15[%multiple_of3A, %dma_start3A_68] : memref<10000x32xf32, #tpu.memory_space<vmem_shared>> -> memref<640x32xf32, #tpu.memory_space<vmem_shared>>
        %dma_start3A_70 = arith.constant 0 : i32
        %dma_start3A_71 = arith.constant 0 : i32
        %dma_start3A_72 = tpu.memref_slice %arg10[%dma_start3A_70, %dma_start3A_71] : memref<1000x32xf32, #tpu.memory_space<vmem>> -> memref<640x32xf32, #tpu.memory_space<vmem>>
        tpu.enqueue_dma source(%dma_start3A_72 : memref<640x32xf32, #tpu.memory_space<vmem>>) target(%dma_start3A_69 : memref<640x32xf32, #tpu.memory_space<vmem_shared>>) target_semaphore(%run_scoped3A_62 : memref<!tpu.dma_semaphore, #tpu.memory_space<semaphore_mem>>)
        %dma_wait3A = arith.constant 0 : i32
        %dma_wait3A_73 = arith.constant 0 : i32
        %dma_wait3A_74 = tpu.memref_slice %arg10[%dma_wait3A, %dma_wait3A_73] : memref<1000x32xf32, #tpu.memory_space<vmem>> -> memref<640x32xf32, #tpu.memory_space<vmem>>
        %dma_wait3A_75 = arith.constant 0 : i32
        %dma_wait3A_76 = tpu.memref_slice %arg15[%multiple_of3A, %dma_wait3A_75] : memref<10000x32xf32, #tpu.memory_space<vmem_shared>> -> memref<640x32xf32, #tpu.memory_space<vmem_shared>>
        %dma_wait3A_77 = arith.constant 0 : i32
        %dma_wait3A_78 = tpu.memref_slice %arg15[%multiple_of3A, %dma_wait3A_77] : memref<10000x32xf32, #tpu.memory_space<vmem_shared>> -> memref<640x32xf32, #tpu.memory_space<vmem_shared>>
        %dma_wait3A_79 = arith.constant 0 : i32
        %dma_wait3A_80 = arith.constant 0 : i32
        %dma_wait3A_81 = tpu.memref_slice %arg10[%dma_wait3A_79, %dma_wait3A_80] : memref<1000x32xf32, #tpu.memory_space<vmem>> -> memref<640x32xf32, #tpu.memory_space<vmem>>
        tpu.wait_dma2 semaphore(%run_scoped3A_62 : memref<!tpu.dma_semaphore, #tpu.memory_space<semaphore_mem>>) src(%dma_wait3A_81 : memref<640x32xf32, #tpu.memory_space<vmem>>) dst(%dma_wait3A_78 : memref<640x32xf32, #tpu.memory_space<vmem_shared>>)
        tpu.yield
      }) : () -> ()
    } else {
    }
    %not3A = arith.constant true
    %not3A_11 = arith.xori %eq3A_3, %not3A : i1
    %convert_element_type3A_12 = arith.extui %not3A_11 : i1 to i32
    %cond3A_13 = arith.constant 0 : i32
    %cond3A_14 = arith.cmpi ne, %convert_element_type3A_12, %cond3A_13 : i32
    scf.if %cond3A_14 {
      "tpu.region"() ({
        %run_scoped3A_62 = tpu.sem_alloc : memref<!tpu.dma_semaphore, #tpu.memory_space<semaphore_mem>>
        %dma_start3A_63 = arith.constant 0 : i32
        %dma_start3A_64 = arith.constant 0 : i32
        %dma_start3A_65 = tpu.memref_slice %arg10[%dma_start3A_63, %dma_start3A_64] : memref<1000x32xf32, #tpu.memory_space<vmem>> -> memref<624x32xf32, #tpu.memory_space<vmem>>
        %dma_start3A_66 = arith.constant 0 : i32
        %dma_start3A_67 = tpu.memref_slice %arg15[%multiple_of3A, %dma_start3A_66] : memref<10000x32xf32, #tpu.memory_space<vmem_shared>> -> memref<624x32xf32, #tpu.memory_space<vmem_shared>>
        %dma_start3A_68 = arith.constant 0 : i32
        %dma_start3A_69 = tpu.memref_slice %arg15[%multiple_of3A, %dma_start3A_68] : memref<10000x32xf32, #tpu.memory_space<vmem_shared>> -> memref<624x32xf32, #tpu.memory_space<vmem_shared>>
        %dma_start3A_70 = arith.constant 0 : i32
        %dma_start3A_71 = arith.constant 0 : i32
        %dma_start3A_72 = tpu.memref_slice %arg10[%dma_start3A_70, %dma_start3A_71] : memref<1000x32xf32, #tpu.memory_space<vmem>> -> memref<624x32xf32, #tpu.memory_space<vmem>>
        tpu.enqueue_dma source(%dma_start3A_72 : memref<624x32xf32, #tpu.memory_space<vmem>>) target(%dma_start3A_69 : memref<624x32xf32, #tpu.memory_space<vmem_shared>>) target_semaphore(%run_scoped3A_62 : memref<!tpu.dma_semaphore, #tpu.memory_space<semaphore_mem>>)
        %dma_wait3A = arith.constant 0 : i32
        %dma_wait3A_73 = arith.constant 0 : i32
        %dma_wait3A_74 = tpu.memref_slice %arg10[%dma_wait3A, %dma_wait3A_73] : memref<1000x32xf32, #tpu.memory_space<vmem>> -> memref<624x32xf32, #tpu.memory_space<vmem>>
        %dma_wait3A_75 = arith.constant 0 : i32
        %dma_wait3A_76 = tpu.memref_slice %arg15[%multiple_of3A, %dma_wait3A_75] : memref<10000x32xf32, #tpu.memory_space<vmem_shared>> -> memref<624x32xf32, #tpu.memory_space<vmem_shared>>
        %dma_wait3A_77 = arith.constant 0 : i32
        %dma_wait3A_78 = tpu.memref_slice %arg15[%multiple_of3A, %dma_wait3A_77] : memref<10000x32xf32, #tpu.memory_space<vmem_shared>> -> memref<624x32xf32, #tpu.memory_space<vmem_shared>>
        %dma_wait3A_79 = arith.constant 0 : i32
        %dma_wait3A_80 = arith.constant 0 : i32
        %dma_wait3A_81 = tpu.memref_slice %arg10[%dma_wait3A_79, %dma_wait3A_80] : memref<1000x32xf32, #tpu.memory_space<vmem>> -> memref<624x32xf32, #tpu.memory_space<vmem>>
        tpu.wait_dma2 semaphore(%run_scoped3A_62 : memref<!tpu.dma_semaphore, #tpu.memory_space<semaphore_mem>>) src(%dma_wait3A_81 : memref<624x32xf32, #tpu.memory_space<vmem>>) dst(%dma_wait3A_78 : memref<624x32xf32, #tpu.memory_space<vmem_shared>>)
        tpu.yield
      }) : () -> ()
    } else {
    }
    %convert_element_type3A_15 = arith.extui %eq3A_3 : i1 to i32
    %cond3A_16 = arith.constant 0 : i32
    %cond3A_17 = arith.cmpi ne, %convert_element_type3A_15, %cond3A_16 : i32
    scf.if %cond3A_17 {
      "tpu.region"() ({
        %run_scoped3A_62 = tpu.sem_alloc : memref<!tpu.dma_semaphore, #tpu.memory_space<semaphore_mem>>
        %dma_start3A_63 = arith.constant 0 : i32
        %dma_start3A_64 = arith.constant 0 : i32
        %dma_start3A_65 = tpu.memref_slice %arg14[%dma_start3A_63, %dma_start3A_64] : memref<1000x16xf32, #tpu.memory_space<vmem>> -> memref<640x16xf32, #tpu.memory_space<vmem>>
        %dma_start3A_66 = arith.constant 0 : i32
        %dma_start3A_67 = tpu.memref_slice %arg16[%multiple_of3A, %dma_start3A_66] : memref<10000x16xf32, #tpu.memory_space<vmem_shared>> -> memref<640x16xf32, #tpu.memory_space<vmem_shared>>
        %dma_start3A_68 = arith.constant 0 : i32
        %dma_start3A_69 = tpu.memref_slice %arg16[%multiple_of3A, %dma_start3A_68] : memref<10000x16xf32, #tpu.memory_space<vmem_shared>> -> memref<640x16xf32, #tpu.memory_space<vmem_shared>>
        %dma_start3A_70 = arith.constant 0 : i32
        %dma_start3A_71 = arith.constant 0 : i32
        %dma_start3A_72 = tpu.memref_slice %arg14[%dma_start3A_70, %dma_start3A_71] : memref<1000x16xf32, #tpu.memory_space<vmem>> -> memref<640x16xf32, #tpu.memory_space<vmem>>
        tpu.enqueue_dma source(%dma_start3A_72 : memref<640x16xf32, #tpu.memory_space<vmem>>) target(%dma_start3A_69 : memref<640x16xf32, #tpu.memory_space<vmem_shared>>) target_semaphore(%run_scoped3A_62 : memref<!tpu.dma_semaphore, #tpu.memory_space<semaphore_mem>>)
        %dma_wait3A = arith.constant 0 : i32
        %dma_wait3A_73 = arith.constant 0 : i32
        %dma_wait3A_74 = tpu.memref_slice %arg14[%dma_wait3A, %dma_wait3A_73] : memref<1000x16xf32, #tpu.memory_space<vmem>> -> memref<640x16xf32, #tpu.memory_space<vmem>>
        %dma_wait3A_75 = arith.constant 0 : i32
        %dma_wait3A_76 = tpu.memref_slice %arg16[%multiple_of3A, %dma_wait3A_75] : memref<10000x16xf32, #tpu.memory_space<vmem_shared>> -> memref<640x16xf32, #tpu.memory_space<vmem_shared>>
        %dma_wait3A_77 = arith.constant 0 : i32
        %dma_wait3A_78 = tpu.memref_slice %arg16[%multiple_of3A, %dma_wait3A_77] : memref<10000x16xf32, #tpu.memory_space<vmem_shared>> -> memref<640x16xf32, #tpu.memory_space<vmem_shared>>
        %dma_wait3A_79 = arith.constant 0 : i32
        %dma_wait3A_80 = arith.constant 0 : i32
        %dma_wait3A_81 = tpu.memref_slice %arg14[%dma_wait3A_79, %dma_wait3A_80] : memref<1000x16xf32, #tpu.memory_space<vmem>> -> memref<640x16xf32, #tpu.memory_space<vmem>>
        tpu.wait_dma2 semaphore(%run_scoped3A_62 : memref<!tpu.dma_semaphore, #tpu.memory_space<semaphore_mem>>) src(%dma_wait3A_81 : memref<640x16xf32, #tpu.memory_space<vmem>>) dst(%dma_wait3A_78 : memref<640x16xf32, #tpu.memory_space<vmem_shared>>)
        tpu.yield
      }) : () -> ()
    } else {
    }
    %not3A_18 = arith.constant true
    %not3A_19 = arith.xori %eq3A_3, %not3A_18 : i1
    %convert_element_type3A_20 = arith.extui %not3A_19 : i1 to i32
    %cond3A_21 = arith.constant 0 : i32
    %cond3A_22 = arith.cmpi ne, %convert_element_type3A_20, %cond3A_21 : i32
    scf.if %cond3A_22 {
      "tpu.region"() ({
        %run_scoped3A_62 = tpu.sem_alloc : memref<!tpu.dma_semaphore, #tpu.memory_space<semaphore_mem>>
        %dma_start3A_63 = arith.constant 0 : i32
        %dma_start3A_64 = arith.constant 0 : i32
        %dma_start3A_65 = tpu.memref_slice %arg14[%dma_start3A_63, %dma_start3A_64] : memref<1000x16xf32, #tpu.memory_space<vmem>> -> memref<624x16xf32, #tpu.memory_space<vmem>>
        %dma_start3A_66 = arith.constant 0 : i32
        %dma_start3A_67 = tpu.memref_slice %arg16[%multiple_of3A, %dma_start3A_66] : memref<10000x16xf32, #tpu.memory_space<vmem_shared>> -> memref<624x16xf32, #tpu.memory_space<vmem_shared>>
        %dma_start3A_68 = arith.constant 0 : i32
        %dma_start3A_69 = tpu.memref_slice %arg16[%multiple_of3A, %dma_start3A_68] : memref<10000x16xf32, #tpu.memory_space<vmem_shared>> -> memref<624x16xf32, #tpu.memory_space<vmem_shared>>
        %dma_start3A_70 = arith.constant 0 : i32
        %dma_start3A_71 = arith.constant 0 : i32
        %dma_start3A_72 = tpu.memref_slice %arg14[%dma_start3A_70, %dma_start3A_71] : memref<1000x16xf32, #tpu.memory_space<vmem>> -> memref<624x16xf32, #tpu.memory_space<vmem>>
        tpu.enqueue_dma source(%dma_start3A_72 : memref<624x16xf32, #tpu.memory_space<vmem>>) target(%dma_start3A_69 : memref<624x16xf32, #tpu.memory_space<vmem_shared>>) target_semaphore(%run_scoped3A_62 : memref<!tpu.dma_semaphore, #tpu.memory_space<semaphore_mem>>)
        %dma_wait3A = arith.constant 0 : i32
        %dma_wait3A_73 = arith.constant 0 : i32
        %dma_wait3A_74 = tpu.memref_slice %arg14[%dma_wait3A, %dma_wait3A_73] : memref<1000x16xf32, #tpu.memory_space<vmem>> -> memref<624x16xf32, #tpu.memory_space<vmem>>
        %dma_wait3A_75 = arith.constant 0 : i32
        %dma_wait3A_76 = tpu.memref_slice %arg16[%multiple_of3A, %dma_wait3A_75] : memref<10000x16xf32, #tpu.memory_space<vmem_shared>> -> memref<624x16xf32, #tpu.memory_space<vmem_shared>>
        %dma_wait3A_77 = arith.constant 0 : i32
        %dma_wait3A_78 = tpu.memref_slice %arg16[%multiple_of3A, %dma_wait3A_77] : memref<10000x16xf32, #tpu.memory_space<vmem_shared>> -> memref<624x16xf32, #tpu.memory_space<vmem_shared>>
        %dma_wait3A_79 = arith.constant 0 : i32
        %dma_wait3A_80 = arith.constant 0 : i32
        %dma_wait3A_81 = tpu.memref_slice %arg14[%dma_wait3A_79, %dma_wait3A_80] : memref<1000x16xf32, #tpu.memory_space<vmem>> -> memref<624x16xf32, #tpu.memory_space<vmem>>
        tpu.wait_dma2 semaphore(%run_scoped3A_62 : memref<!tpu.dma_semaphore, #tpu.memory_space<semaphore_mem>>) src(%dma_wait3A_81 : memref<624x16xf32, #tpu.memory_space<vmem>>) dst(%dma_wait3A_78 : memref<624x16xf32, #tpu.memory_space<vmem_shared>>)
        tpu.yield
      }) : () -> ()
    } else {
    }
    %scan3A_23 = arith.constant 0 : i32
    %scan3A_24 = arith.constant 0 : i32
    %scan3A_25 = arith.constant 1000 : i32
    %scan3A_26 = arith.addi %scan3A_24, %scan3A_25 : i32
    %scan3A_27 = arith.constant 1 : i32
    %scan3A_28 = scf.for %scan3A_62 = %scan3A_24 to %scan3A_26 step %scan3A_27 iter_args(%scan3A_63 = %scan3A_23) -> (i32)  : i32 {
      %broadcast_in_dim3A = arith.constant 1.000000e+00 : f32
      %broadcast_in_dim3A_64 = vector.broadcast %broadcast_in_dim3A : f32 to vector<16xf32>
      %swap3A = arith.index_cast %scan3A_62 : i32 to index
      %swap3A_65 = arith.constant 0 : index
      %swap3A_66 = tpu.vector_load %arg14[%swap3A, %swap3A_65] {strides = array<i32>} : memref<1000x16xf32, #tpu.memory_space<vmem>>, vector<1x16xf32>,
      %swap3A_67 = vector.shape_cast %swap3A_66 : vector<1x16xf32> to vector<16xf32>
      %swap3A_68 = vector.shape_cast %broadcast_in_dim3A_64 : vector<16xf32> to vector<1x16xf32>
      tpu.vector_store %arg14[%swap3A, %swap3A_65], %swap3A_68 {strides = array<i32>} : memref<1000x16xf32, #tpu.memory_space<vmem>>, vector<1x16xf32>,
      %scan3A_69 = arith.constant 0 : i32
      scf.yield %scan3A_69 : i32
    }
    %scan3A_29 = arith.constant 1000 : i32
    %barrier3A = arith.constant 0 : index
    tpu.barrier barrier_id(%barrier3A)
    %mul3A_30 = arith.constant 10000 : i32
    %mul3A_31 = arith.muli %add3A, %mul3A_30 : i32
    %add3A_32 = arith.constant 0 : i32
    %add3A_33 = arith.addi %mul3A_31, %add3A_32 : i32
    %multiple_of3A_34 = tpu.assume_multiple %add3A_33, 8 : i32
    %run_scoped3A = arith.constant 0 : i32
    "tpu.region"() ({
      %run_scoped3A_62 = tpu.sem_alloc : memref<!tpu.dma_semaphore, #tpu.memory_space<semaphore_mem>>
      %dma_start3A_63 = tpu.memref_slice %arg2[%run_scoped3A, %multiple_of3A_34] : memref<2x320000xi32, #tpu.memory_space<hbm>> -> memref<1x1000xi32, #tpu.memory_space<hbm>>
      %dma_start3A_64 = tpu.memref_squeeze %dma_start3A_63 : memref<1x1000xi32, #tpu.memory_space<hbm>> -> memref<1000xi32, #tpu.memory_space<hbm>>
      %dma_start3A_65 = tpu.memref_slice %arg2[%run_scoped3A, %multiple_of3A_34] : memref<2x320000xi32, #tpu.memory_space<hbm>> -> memref<1x1000xi32, #tpu.memory_space<hbm>>
      %dma_start3A_66 = tpu.memref_squeeze %dma_start3A_65 : memref<1x1000xi32, #tpu.memory_space<hbm>> -> memref<1000xi32, #tpu.memory_space<hbm>>
      tpu.enqueue_dma source(%dma_start3A_66 : memref<1000xi32, #tpu.memory_space<hbm>>) target(%arg6 : memref<1000xi32, #tpu.memory_space<vmem>>) target_semaphore(%run_scoped3A_62 : memref<!tpu.dma_semaphore, #tpu.memory_space<semaphore_mem>>)
      %dma_wait3A = tpu.memref_slice %arg2[%run_scoped3A, %multiple_of3A_34] : memref<2x320000xi32, #tpu.memory_space<hbm>> -> memref<1x1000xi32, #tpu.memory_space<hbm>>
      %dma_wait3A_67 = tpu.memref_squeeze %dma_wait3A : memref<1x1000xi32, #tpu.memory_space<hbm>> -> memref<1000xi32, #tpu.memory_space<hbm>>
      %dma_wait3A_68 = tpu.memref_slice %arg2[%run_scoped3A, %multiple_of3A_34] : memref<2x320000xi32, #tpu.memory_space<hbm>> -> memref<1x1000xi32, #tpu.memory_space<hbm>>
      %dma_wait3A_69 = tpu.memref_squeeze %dma_wait3A_68 : memref<1x1000xi32, #tpu.memory_space<hbm>> -> memref<1000xi32, #tpu.memory_space<hbm>>
      tpu.wait_dma2 semaphore(%run_scoped3A_62 : memref<!tpu.dma_semaphore, #tpu.memory_space<semaphore_mem>>) src(%dma_wait3A_69 : memref<1000xi32, #tpu.memory_space<hbm>>) dst(%arg6 : memref<1000xi32, #tpu.memory_space<vmem>>)
      tpu.yield
    }) : () -> ()
    %run_scoped3A_35 = arith.constant 1 : i32
    "tpu.region"() ({
      %run_scoped3A_62 = tpu.sem_alloc : memref<!tpu.dma_semaphore, #tpu.memory_space<semaphore_mem>>
      %dma_start3A_63 = tpu.memref_slice %arg2[%run_scoped3A_35, %multiple_of3A_34] : memref<2x320000xi32, #tpu.memory_space<hbm>> -> memref<1x1000xi32, #tpu.memory_space<hbm>>
      %dma_start3A_64 = tpu.memref_squeeze %dma_start3A_63 : memref<1x1000xi32, #tpu.memory_space<hbm>> -> memref<1000xi32, #tpu.memory_space<hbm>>
      %dma_start3A_65 = tpu.memref_slice %arg2[%run_scoped3A_35, %multiple_of3A_34] : memref<2x320000xi32, #tpu.memory_space<hbm>> -> memref<1x1000xi32, #tpu.memory_space<hbm>>
      %dma_start3A_66 = tpu.memref_squeeze %dma_start3A_65 : memref<1x1000xi32, #tpu.memory_space<hbm>> -> memref<1000xi32, #tpu.memory_space<hbm>>
      tpu.enqueue_dma source(%dma_start3A_66 : memref<1000xi32, #tpu.memory_space<hbm>>) target(%arg8 : memref<1000xi32, #tpu.memory_space<vmem>>) target_semaphore(%run_scoped3A_62 : memref<!tpu.dma_semaphore, #tpu.memory_space<semaphore_mem>>)
      %dma_wait3A = tpu.memref_slice %arg2[%run_scoped3A_35, %multiple_of3A_34] : memref<2x320000xi32, #tpu.memory_space<hbm>> -> memref<1x1000xi32, #tpu.memory_space<hbm>>
      %dma_wait3A_67 = tpu.memref_squeeze %dma_wait3A : memref<1x1000xi32, #tpu.memory_space<hbm>> -> memref<1000xi32, #tpu.memory_space<hbm>>
      %dma_wait3A_68 = tpu.memref_slice %arg2[%run_scoped3A_35, %multiple_of3A_34] : memref<2x320000xi32, #tpu.memory_space<hbm>> -> memref<1x1000xi32, #tpu.memory_space<hbm>>
      %dma_wait3A_69 = tpu.memref_squeeze %dma_wait3A_68 : memref<1x1000xi32, #tpu.memory_space<hbm>> -> memref<1000xi32, #tpu.memory_space<hbm>>
      tpu.wait_dma2 semaphore(%run_scoped3A_62 : memref<!tpu.dma_semaphore, #tpu.memory_space<semaphore_mem>>) src(%dma_wait3A_69 : memref<1000xi32, #tpu.memory_space<hbm>>) dst(%arg8 : memref<1000xi32, #tpu.memory_space<vmem>>)
      tpu.yield
    }) : () -> ()
    %dma_start3A = arith.constant 0 : i32
    %dma_start3A_36 = arith.constant 0 : i32
    %dma_start3A_37 = tpu.memref_slice %arg3[%dma_start3A, %dma_start3A_36] : memref<10000x32xf32, #tpu.memory_space<hbm>> -> memref<10000x32xf32, #tpu.memory_space<hbm>>
    tpu.enqueue_indirect_dma source(%dma_start3A_37 : memref<10000x32xf32, #tpu.memory_space<hbm>>) target(%arg10 : memref<1000x32xf32, #tpu.memory_space<vmem>>) offsets(%arg6 : memref<1000xi32, #tpu.memory_space<vmem>>) semaphore(%arg12 : memref<!tpu.dma_semaphore, #tpu.memory_space<semaphore_mem>>)
    %scan3A_38 = arith.constant 0 : i32
    %scan3A_39 = arith.constant 0 : i32
    %scan3A_40 = arith.constant 5 : i32
    %scan3A_41 = arith.addi %scan3A_39, %scan3A_40 : i32
    %scan3A_42 = arith.constant 1 : i32
    %scan3A_43 = scf.for %scan3A_62 = %scan3A_39 to %scan3A_41 step %scan3A_42 iter_args(%scan3A_63 = %scan3A_38) -> (i32)  : i32 {
      %mul3A_64 = arith.constant 2 : i32
      %mul3A_65 = arith.muli %mul3A_64, %scan3A_62 : i32
      %add3A_66 = arith.constant 0 : i32
      %add3A_67 = arith.addi %mul3A_65, %add3A_66 : i32
      %add3A_68 = arith.constant 1 : i32
      %add3A_69 = arith.addi %add3A_67, %add3A_68 : i32
      %mul3A_70 = arith.constant 10000 : i32
      %mul3A_71 = arith.muli %add3A, %mul3A_70 : i32
      %mul3A_72 = arith.constant 1000 : i32
      %mul3A_73 = arith.muli %add3A_69, %mul3A_72 : i32
      %add3A_74 = arith.addi %mul3A_71, %mul3A_73 : i32
      %multiple_of3A_75 = tpu.assume_multiple %add3A_74, 8 : i32
      %run_scoped3A_76 = arith.constant 0 : i32
      "tpu.region"() ({
        %run_scoped3A_95 = tpu.sem_alloc : memref<!tpu.dma_semaphore, #tpu.memory_space<semaphore_mem>>
        %dma_start3A_96 = tpu.memref_slice %arg2[%run_scoped3A_76, %multiple_of3A_75] : memref<2x320000xi32, #tpu.memory_space<hbm>> -> memref<1x1000xi32, #tpu.memory_space<hbm>>
        %dma_start3A_97 = tpu.memref_squeeze %dma_start3A_96 : memref<1x1000xi32, #tpu.memory_space<hbm>> -> memref<1000xi32, #tpu.memory_space<hbm>>
        %dma_start3A_98 = tpu.memref_slice %arg2[%run_scoped3A_76, %multiple_of3A_75] : memref<2x320000xi32, #tpu.memory_space<hbm>> -> memref<1x1000xi32, #tpu.memory_space<hbm>>
        %dma_start3A_99 = tpu.memref_squeeze %dma_start3A_98 : memref<1x1000xi32, #tpu.memory_space<hbm>> -> memref<1000xi32, #tpu.memory_space<hbm>>
        tpu.enqueue_dma source(%dma_start3A_99 : memref<1000xi32, #tpu.memory_space<hbm>>) target(%arg7 : memref<1000xi32, #tpu.memory_space<vmem>>) target_semaphore(%run_scoped3A_95 : memref<!tpu.dma_semaphore, #tpu.memory_space<semaphore_mem>>)
        %dma_wait3A_100 = tpu.memref_slice %arg2[%run_scoped3A_76, %multiple_of3A_75] : memref<2x320000xi32, #tpu.memory_space<hbm>> -> memref<1x1000xi32, #tpu.memory_space<hbm>>
        %dma_wait3A_101 = tpu.memref_squeeze %dma_wait3A_100 : memref<1x1000xi32, #tpu.memory_space<hbm>> -> memref<1000xi32, #tpu.memory_space<hbm>>
        %dma_wait3A_102 = tpu.memref_slice %arg2[%run_scoped3A_76, %multiple_of3A_75] : memref<2x320000xi32, #tpu.memory_space<hbm>> -> memref<1x1000xi32, #tpu.memory_space<hbm>>
        %dma_wait3A_103 = tpu.memref_squeeze %dma_wait3A_102 : memref<1x1000xi32, #tpu.memory_space<hbm>> -> memref<1000xi32, #tpu.memory_space<hbm>>
        tpu.wait_dma2 semaphore(%run_scoped3A_95 : memref<!tpu.dma_semaphore, #tpu.memory_space<semaphore_mem>>) src(%dma_wait3A_103 : memref<1000xi32, #tpu.memory_space<hbm>>) dst(%arg7 : memref<1000xi32, #tpu.memory_space<vmem>>)
        tpu.yield
      }) : () -> ()
      %run_scoped3A_77 = arith.constant 1 : i32
      "tpu.region"() ({
        %run_scoped3A_95 = tpu.sem_alloc : memref<!tpu.dma_semaphore, #tpu.memory_space<semaphore_mem>>
        %dma_start3A_96 = tpu.memref_slice %arg2[%run_scoped3A_77, %multiple_of3A_75] : memref<2x320000xi32, #tpu.memory_space<hbm>> -> memref<1x1000xi32, #tpu.memory_space<hbm>>
        %dma_start3A_97 = tpu.memref_squeeze %dma_start3A_96 : memref<1x1000xi32, #tpu.memory_space<hbm>> -> memref<1000xi32, #tpu.memory_space<hbm>>
        %dma_start3A_98 = tpu.memref_slice %arg2[%run_scoped3A_77, %multiple_of3A_75] : memref<2x320000xi32, #tpu.memory_space<hbm>> -> memref<1x1000xi32, #tpu.memory_space<hbm>>
        %dma_start3A_99 = tpu.memref_squeeze %dma_start3A_98 : memref<1x1000xi32, #tpu.memory_space<hbm>> -> memref<1000xi32, #tpu.memory_space<hbm>>
        tpu.enqueue_dma source(%dma_start3A_99 : memref<1000xi32, #tpu.memory_space<hbm>>) target(%arg9 : memref<1000xi32, #tpu.memory_space<vmem>>) target_semaphore(%run_scoped3A_95 : memref<!tpu.dma_semaphore, #tpu.memory_space<semaphore_mem>>)
        %dma_wait3A_100 = tpu.memref_slice %arg2[%run_scoped3A_77, %multiple_of3A_75] : memref<2x320000xi32, #tpu.memory_space<hbm>> -> memref<1x1000xi32, #tpu.memory_space<hbm>>
        %dma_wait3A_101 = tpu.memref_squeeze %dma_wait3A_100 : memref<1x1000xi32, #tpu.memory_space<hbm>> -> memref<1000xi32, #tpu.memory_space<hbm>>
        %dma_wait3A_102 = tpu.memref_slice %arg2[%run_scoped3A_77, %multiple_of3A_75] : memref<2x320000xi32, #tpu.memory_space<hbm>> -> memref<1x1000xi32, #tpu.memory_space<hbm>>
        %dma_wait3A_103 = tpu.memref_squeeze %dma_wait3A_102 : memref<1x1000xi32, #tpu.memory_space<hbm>> -> memref<1000xi32, #tpu.memory_space<hbm>>
        tpu.wait_dma2 semaphore(%run_scoped3A_95 : memref<!tpu.dma_semaphore, #tpu.memory_space<semaphore_mem>>) src(%dma_wait3A_103 : memref<1000xi32, #tpu.memory_space<hbm>>) dst(%arg9 : memref<1000xi32, #tpu.memory_space<vmem>>)
        tpu.yield
      }) : () -> ()
      %dma_start3A_78 = arith.constant 0 : i32
      %dma_start3A_79 = arith.constant 0 : i32
      %dma_start3A_80 = tpu.memref_slice %arg3[%dma_start3A_78, %dma_start3A_79] : memref<10000x32xf32, #tpu.memory_space<hbm>> -> memref<10000x32xf32, #tpu.memory_space<hbm>>
      tpu.enqueue_indirect_dma source(%dma_start3A_80 : memref<10000x32xf32, #tpu.memory_space<hbm>>) target(%arg11 : memref<1000x32xf32, #tpu.memory_space<vmem>>) offsets(%arg7 : memref<1000xi32, #tpu.memory_space<vmem>>) semaphore(%arg13 : memref<!tpu.dma_semaphore, #tpu.memory_space<semaphore_mem>>)
      %dma_wait3A = arith.constant 0 : i32
      %dma_wait3A_81 = arith.constant 0 : i32
      %dma_wait3A_82 = tpu.memref_slice %arg3[%dma_wait3A, %dma_wait3A_81] : memref<10000x32xf32, #tpu.memory_space<hbm>> -> memref<10000x32xf32, #tpu.memory_space<hbm>>
      tpu.wait_indirect_dma semaphore(%arg12 : memref<!tpu.dma_semaphore, #tpu.memory_space<semaphore_mem>>) src(%dma_wait3A_82 : memref<10000x32xf32, #tpu.memory_space<hbm>>) dst(%arg10 : memref<1000x32xf32, #tpu.memory_space<vmem>>)
      "tpu.region"() ({
        %run_scoped3A_95 = tpu.sem_alloc : memref<!tpu.dma_semaphore, #tpu.memory_space<semaphore_mem>>
        %dma_start3A_96 = arith.constant 0 : i32
        %dma_start3A_97 = arith.constant 0 : i32
        %dma_start3A_98 = tpu.memref_slice %arg15[%dma_start3A_96, %dma_start3A_97] : memref<10000x32xf32, #tpu.memory_space<vmem_shared>> -> memref<10000x32xf32, #tpu.memory_space<vmem_shared>>
        tpu.enqueue_indirect_dma source(%arg10 : memref<1000x32xf32, #tpu.memory_space<vmem>>) target(%dma_start3A_98 : memref<10000x32xf32, #tpu.memory_space<vmem_shared>>) offsets(%arg8 : memref<1000xi32, #tpu.memory_space<vmem>>) semaphore(%run_scoped3A_95 : memref<!tpu.dma_semaphore, #tpu.memory_space<semaphore_mem>>) {add = true}
        %dma_wait3A_99 = arith.constant 0 : i32
        %dma_wait3A_100 = arith.constant 0 : i32
        %dma_wait3A_101 = tpu.memref_slice %arg15[%dma_wait3A_99, %dma_wait3A_100] : memref<10000x32xf32, #tpu.memory_space<vmem_shared>> -> memref<10000x32xf32, #tpu.memory_space<vmem_shared>>
        tpu.wait_indirect_dma semaphore(%run_scoped3A_95 : memref<!tpu.dma_semaphore, #tpu.memory_space<semaphore_mem>>) src(%arg10 : memref<1000x32xf32, #tpu.memory_space<vmem>>) dst(%dma_wait3A_101 : memref<10000x32xf32, #tpu.memory_space<vmem_shared>>)
        tpu.yield
      }) : () -> ()
      "tpu.region"() ({
        %run_scoped3A_95 = tpu.sem_alloc : memref<!tpu.dma_semaphore, #tpu.memory_space<semaphore_mem>>
        %dma_start3A_96 = arith.constant 0 : i32
        %dma_start3A_97 = arith.constant 0 : i32
        %dma_start3A_98 = tpu.memref_slice %arg16[%dma_start3A_96, %dma_start3A_97] : memref<10000x16xf32, #tpu.memory_space<vmem_shared>> -> memref<10000x16xf32, #tpu.memory_space<vmem_shared>>
        tpu.enqueue_indirect_dma source(%arg14 : memref<1000x16xf32, #tpu.memory_space<vmem>>) target(%dma_start3A_98 : memref<10000x16xf32, #tpu.memory_space<vmem_shared>>) offsets(%arg8 : memref<1000xi32, #tpu.memory_space<vmem>>) semaphore(%run_scoped3A_95 : memref<!tpu.dma_semaphore, #tpu.memory_space<semaphore_mem>>) {add = true}
        %dma_wait3A_99 = arith.constant 0 : i32
        %dma_wait3A_100 = arith.constant 0 : i32
        %dma_wait3A_101 = tpu.memref_slice %arg16[%dma_wait3A_99, %dma_wait3A_100] : memref<10000x16xf32, #tpu.memory_space<vmem_shared>> -> memref<10000x16xf32, #tpu.memory_space<vmem_shared>>
        tpu.wait_indirect_dma semaphore(%run_scoped3A_95 : memref<!tpu.dma_semaphore, #tpu.memory_space<semaphore_mem>>) src(%arg14 : memref<1000x16xf32, #tpu.memory_space<vmem>>) dst(%dma_wait3A_101 : memref<10000x16xf32, #tpu.memory_space<vmem_shared>>)
        tpu.yield
      }) : () -> ()
      %mul3A_83 = arith.constant 2 : i32
      %mul3A_84 = arith.muli %mul3A_83, %scan3A_62 : i32
      %add3A_85 = arith.constant 1 : i32
      %add3A_86 = arith.addi %mul3A_84, %add3A_85 : i32
      %lt3A = arith.constant 4 : i32
      %lt3A_87 = arith.cmpi slt, %scan3A_62, %lt3A : i32
      %convert_element_type3A_88 = arith.extui %lt3A_87 : i1 to i32
      %cond3A_89 = arith.constant 0 : i32
      %cond3A_90 = arith.cmpi ne, %convert_element_type3A_88, %cond3A_89 : i32
      scf.if %cond3A_90 {
        %add3A_95 = arith.constant 1 : i32
        %add3A_96 = arith.addi %add3A_86, %add3A_95 : i32
        %mul3A_97 = arith.constant 10000 : i32
        %mul3A_98 = arith.muli %add3A, %mul3A_97 : i32
        %mul3A_99 = arith.constant 1000 : i32
        %mul3A_100 = arith.muli %add3A_96, %mul3A_99 : i32
        %add3A_101 = arith.addi %mul3A_98, %mul3A_100 : i32
        %multiple_of3A_102 = tpu.assume_multiple %add3A_101, 8 : i32
        %run_scoped3A_103 = arith.constant 0 : i32
        "tpu.region"() ({
          %run_scoped3A_108 = tpu.sem_alloc : memref<!tpu.dma_semaphore, #tpu.memory_space<semaphore_mem>>
          %dma_start3A_109 = tpu.memref_slice %arg2[%run_scoped3A_103, %multiple_of3A_102] : memref<2x320000xi32, #tpu.memory_space<hbm>> -> memref<1x1000xi32, #tpu.memory_space<hbm>>
          %dma_start3A_110 = tpu.memref_squeeze %dma_start3A_109 : memref<1x1000xi32, #tpu.memory_space<hbm>> -> memref<1000xi32, #tpu.memory_space<hbm>>
          %dma_start3A_111 = tpu.memref_slice %arg2[%run_scoped3A_103, %multiple_of3A_102] : memref<2x320000xi32, #tpu.memory_space<hbm>> -> memref<1x1000xi32, #tpu.memory_space<hbm>>
          %dma_start3A_112 = tpu.memref_squeeze %dma_start3A_111 : memref<1x1000xi32, #tpu.memory_space<hbm>> -> memref<1000xi32, #tpu.memory_space<hbm>>
          tpu.enqueue_dma source(%dma_start3A_112 : memref<1000xi32, #tpu.memory_space<hbm>>) target(%arg6 : memref<1000xi32, #tpu.memory_space<vmem>>) target_semaphore(%run_scoped3A_108 : memref<!tpu.dma_semaphore, #tpu.memory_space<semaphore_mem>>)
          %dma_wait3A_113 = tpu.memref_slice %arg2[%run_scoped3A_103, %multiple_of3A_102] : memref<2x320000xi32, #tpu.memory_space<hbm>> -> memref<1x1000xi32, #tpu.memory_space<hbm>>
          %dma_wait3A_114 = tpu.memref_squeeze %dma_wait3A_113 : memref<1x1000xi32, #tpu.memory_space<hbm>> -> memref<1000xi32, #tpu.memory_space<hbm>>
          %dma_wait3A_115 = tpu.memref_slice %arg2[%run_scoped3A_103, %multiple_of3A_102] : memref<2x320000xi32, #tpu.memory_space<hbm>> -> memref<1x1000xi32, #tpu.memory_space<hbm>>
          %dma_wait3A_116 = tpu.memref_squeeze %dma_wait3A_115 : memref<1x1000xi32, #tpu.memory_space<hbm>> -> memref<1000xi32, #tpu.memory_space<hbm>>
          tpu.wait_dma2 semaphore(%run_scoped3A_108 : memref<!tpu.dma_semaphore, #tpu.memory_space<semaphore_mem>>) src(%dma_wait3A_116 : memref<1000xi32, #tpu.memory_space<hbm>>) dst(%arg6 : memref<1000xi32, #tpu.memory_space<vmem>>)
          tpu.yield
        }) : () -> ()
        %run_scoped3A_104 = arith.constant 1 : i32
        "tpu.region"() ({
          %run_scoped3A_108 = tpu.sem_alloc : memref<!tpu.dma_semaphore, #tpu.memory_space<semaphore_mem>>
          %dma_start3A_109 = tpu.memref_slice %arg2[%run_scoped3A_104, %multiple_of3A_102] : memref<2x320000xi32, #tpu.memory_space<hbm>> -> memref<1x1000xi32, #tpu.memory_space<hbm>>
          %dma_start3A_110 = tpu.memref_squeeze %dma_start3A_109 : memref<1x1000xi32, #tpu.memory_space<hbm>> -> memref<1000xi32, #tpu.memory_space<hbm>>
          %dma_start3A_111 = tpu.memref_slice %arg2[%run_scoped3A_104, %multiple_of3A_102] : memref<2x320000xi32, #tpu.memory_space<hbm>> -> memref<1x1000xi32, #tpu.memory_space<hbm>>
          %dma_start3A_112 = tpu.memref_squeeze %dma_start3A_111 : memref<1x1000xi32, #tpu.memory_space<hbm>> -> memref<1000xi32, #tpu.memory_space<hbm>>
          tpu.enqueue_dma source(%dma_start3A_112 : memref<1000xi32, #tpu.memory_space<hbm>>) target(%arg8 : memref<1000xi32, #tpu.memory_space<vmem>>) target_semaphore(%run_scoped3A_108 : memref<!tpu.dma_semaphore, #tpu.memory_space<semaphore_mem>>)
          %dma_wait3A_113 = tpu.memref_slice %arg2[%run_scoped3A_104, %multiple_of3A_102] : memref<2x320000xi32, #tpu.memory_space<hbm>> -> memref<1x1000xi32, #tpu.memory_space<hbm>>
          %dma_wait3A_114 = tpu.memref_squeeze %dma_wait3A_113 : memref<1x1000xi32, #tpu.memory_space<hbm>> -> memref<1000xi32, #tpu.memory_space<hbm>>
          %dma_wait3A_115 = tpu.memref_slice %arg2[%run_scoped3A_104, %multiple_of3A_102] : memref<2x320000xi32, #tpu.memory_space<hbm>> -> memref<1x1000xi32, #tpu.memory_space<hbm>>
          %dma_wait3A_116 = tpu.memref_squeeze %dma_wait3A_115 : memref<1x1000xi32, #tpu.memory_space<hbm>> -> memref<1000xi32, #tpu.memory_space<hbm>>
          tpu.wait_dma2 semaphore(%run_scoped3A_108 : memref<!tpu.dma_semaphore, #tpu.memory_space<semaphore_mem>>) src(%dma_wait3A_116 : memref<1000xi32, #tpu.memory_space<hbm>>) dst(%arg8 : memref<1000xi32, #tpu.memory_space<vmem>>)
          tpu.yield
        }) : () -> ()
        %dma_start3A_105 = arith.constant 0 : i32
        %dma_start3A_106 = arith.constant 0 : i32
        %dma_start3A_107 = tpu.memref_slice %arg3[%dma_start3A_105, %dma_start3A_106] : memref<10000x32xf32, #tpu.memory_space<hbm>> -> memref<10000x32xf32, #tpu.memory_space<hbm>>
        tpu.enqueue_indirect_dma source(%dma_start3A_107 : memref<10000x32xf32, #tpu.memory_space<hbm>>) target(%arg10 : memref<1000x32xf32, #tpu.memory_space<vmem>>) offsets(%arg6 : memref<1000xi32, #tpu.memory_space<vmem>>) semaphore(%arg12 : memref<!tpu.dma_semaphore, #tpu.memory_space<semaphore_mem>>)
      } else {
      }
      %dma_wait3A_91 = arith.constant 0 : i32
      %dma_wait3A_92 = arith.constant 0 : i32
      %dma_wait3A_93 = tpu.memref_slice %arg3[%dma_wait3A_91, %dma_wait3A_92] : memref<10000x32xf32, #tpu.memory_space<hbm>> -> memref<10000x32xf32, #tpu.memory_space<hbm>>
      tpu.wait_indirect_dma semaphore(%arg13 : memref<!tpu.dma_semaphore, #tpu.memory_space<semaphore_mem>>) src(%dma_wait3A_93 : memref<10000x32xf32, #tpu.memory_space<hbm>>) dst(%arg11 : memref<1000x32xf32, #tpu.memory_space<vmem>>)
      "tpu.region"() ({
        %run_scoped3A_95 = tpu.sem_alloc : memref<!tpu.dma_semaphore, #tpu.memory_space<semaphore_mem>>
        %dma_start3A_96 = arith.constant 0 : i32
        %dma_start3A_97 = arith.constant 0 : i32
        %dma_start3A_98 = tpu.memref_slice %arg15[%dma_start3A_96, %dma_start3A_97] : memref<10000x32xf32, #tpu.memory_space<vmem_shared>> -> memref<10000x32xf32, #tpu.memory_space<vmem_shared>>
        tpu.enqueue_indirect_dma source(%arg11 : memref<1000x32xf32, #tpu.memory_space<vmem>>) target(%dma_start3A_98 : memref<10000x32xf32, #tpu.memory_space<vmem_shared>>) offsets(%arg9 : memref<1000xi32, #tpu.memory_space<vmem>>) semaphore(%run_scoped3A_95 : memref<!tpu.dma_semaphore, #tpu.memory_space<semaphore_mem>>) {add = true}
        %dma_wait3A_99 = arith.constant 0 : i32
        %dma_wait3A_100 = arith.constant 0 : i32
        %dma_wait3A_101 = tpu.memref_slice %arg15[%dma_wait3A_99, %dma_wait3A_100] : memref<10000x32xf32, #tpu.memory_space<vmem_shared>> -> memref<10000x32xf32, #tpu.memory_space<vmem_shared>>
        tpu.wait_indirect_dma semaphore(%run_scoped3A_95 : memref<!tpu.dma_semaphore, #tpu.memory_space<semaphore_mem>>) src(%arg11 : memref<1000x32xf32, #tpu.memory_space<vmem>>) dst(%dma_wait3A_101 : memref<10000x32xf32, #tpu.memory_space<vmem_shared>>)
        tpu.yield
      }) : () -> ()
      "tpu.region"() ({
        %run_scoped3A_95 = tpu.sem_alloc : memref<!tpu.dma_semaphore, #tpu.memory_space<semaphore_mem>>
        %dma_start3A_96 = arith.constant 0 : i32
        %dma_start3A_97 = arith.constant 0 : i32
        %dma_start3A_98 = tpu.memref_slice %arg16[%dma_start3A_96, %dma_start3A_97] : memref<10000x16xf32, #tpu.memory_space<vmem_shared>> -> memref<10000x16xf32, #tpu.memory_space<vmem_shared>>
        tpu.enqueue_indirect_dma source(%arg14 : memref<1000x16xf32, #tpu.memory_space<vmem>>) target(%dma_start3A_98 : memref<10000x16xf32, #tpu.memory_space<vmem_shared>>) offsets(%arg9 : memref<1000xi32, #tpu.memory_space<vmem>>) semaphore(%run_scoped3A_95 : memref<!tpu.dma_semaphore, #tpu.memory_space<semaphore_mem>>) {add = true}
        %dma_wait3A_99 = arith.constant 0 : i32
        %dma_wait3A_100 = arith.constant 0 : i32
        %dma_wait3A_101 = tpu.memref_slice %arg16[%dma_wait3A_99, %dma_wait3A_100] : memref<10000x16xf32, #tpu.memory_space<vmem_shared>> -> memref<10000x16xf32, #tpu.memory_space<vmem_shared>>
        tpu.wait_indirect_dma semaphore(%run_scoped3A_95 : memref<!tpu.dma_semaphore, #tpu.memory_space<semaphore_mem>>) src(%arg14 : memref<1000x16xf32, #tpu.memory_space<vmem>>) dst(%dma_wait3A_101 : memref<10000x16xf32, #tpu.memory_space<vmem_shared>>)
        tpu.yield
      }) : () -> ()
      %scan3A_94 = arith.constant 0 : i32
      scf.yield %scan3A_94 : i32
    }
    %scan3A_44 = arith.constant 5 : i32
    %barrier3A_45 = arith.constant 0 : index
    tpu.barrier barrier_id(%barrier3A_45)
    %convert_element_type3A_46 = arith.extui %eq3A_3 : i1 to i32
    %cond3A_47 = arith.constant 0 : i32
    %cond3A_48 = arith.cmpi ne, %convert_element_type3A_46, %cond3A_47 : i32
    scf.if %cond3A_48 {
      "tpu.region"() ({
        %run_scoped3A_62 = tpu.sem_alloc : memref<!tpu.dma_semaphore, #tpu.memory_space<semaphore_mem>>
        %dma_start3A_63 = arith.constant 0 : i32
        %dma_start3A_64 = tpu.memref_slice %arg4[%arg0, %multiple_of3A, %dma_start3A_63] : memref<2x10000x32xf32, #tpu.memory_space<hbm>> -> memref<1x640x32xf32, #tpu.memory_space<hbm>>
        %dma_start3A_65 = tpu.memref_squeeze %dma_start3A_64 : memref<1x640x32xf32, #tpu.memory_space<hbm>> -> memref<640x32xf32, #tpu.memory_space<hbm>>
        %dma_start3A_66 = arith.constant 0 : i32
        %dma_start3A_67 = tpu.memref_slice %arg15[%multiple_of3A, %dma_start3A_66] : memref<10000x32xf32, #tpu.memory_space<vmem_shared>> -> memref<640x32xf32, #tpu.memory_space<vmem_shared>>
        tpu.enqueue_dma source(%dma_start3A_67 : memref<640x32xf32, #tpu.memory_space<vmem_shared>>) target(%dma_start3A_65 : memref<640x32xf32, #tpu.memory_space<hbm>>) target_semaphore(%run_scoped3A_62 : memref<!tpu.dma_semaphore, #tpu.memory_space<semaphore_mem>>)
        %dma_wait3A = arith.constant 0 : i32
        %dma_wait3A_68 = tpu.memref_slice %arg4[%arg0, %multiple_of3A, %dma_wait3A] : memref<2x10000x32xf32, #tpu.memory_space<hbm>> -> memref<1x640x32xf32, #tpu.memory_space<hbm>>
        %dma_wait3A_69 = tpu.memref_squeeze %dma_wait3A_68 : memref<1x640x32xf32, #tpu.memory_space<hbm>> -> memref<640x32xf32, #tpu.memory_space<hbm>>
        %dma_wait3A_70 = arith.constant 0 : i32
        %dma_wait3A_71 = tpu.memref_slice %arg15[%multiple_of3A, %dma_wait3A_70] : memref<10000x32xf32, #tpu.memory_space<vmem_shared>> -> memref<640x32xf32, #tpu.memory_space<vmem_shared>>
        tpu.wait_dma2 semaphore(%run_scoped3A_62 : memref<!tpu.dma_semaphore, #tpu.memory_space<semaphore_mem>>) src(%dma_wait3A_71 : memref<640x32xf32, #tpu.memory_space<vmem_shared>>) dst(%dma_wait3A_69 : memref<640x32xf32, #tpu.memory_space<hbm>>)
        tpu.yield
      }) : () -> ()
    } else {
    }
    %not3A_49 = arith.constant true
    %not3A_50 = arith.xori %eq3A_3, %not3A_49 : i1
    %convert_element_type3A_51 = arith.extui %not3A_50 : i1 to i32
    %cond3A_52 = arith.constant 0 : i32
    %cond3A_53 = arith.cmpi ne, %convert_element_type3A_51, %cond3A_52 : i32
    scf.if %cond3A_53 {
      "tpu.region"() ({
        %run_scoped3A_62 = tpu.sem_alloc : memref<!tpu.dma_semaphore, #tpu.memory_space<semaphore_mem>>
        %dma_start3A_63 = arith.constant 0 : i32
        %dma_start3A_64 = tpu.memref_slice %arg4[%arg0, %multiple_of3A, %dma_start3A_63] : memref<2x10000x32xf32, #tpu.memory_space<hbm>> -> memref<1x624x32xf32, #tpu.memory_space<hbm>>
        %dma_start3A_65 = tpu.memref_squeeze %dma_start3A_64 : memref<1x624x32xf32, #tpu.memory_space<hbm>> -> memref<624x32xf32, #tpu.memory_space<hbm>>
        %dma_start3A_66 = arith.constant 0 : i32
        %dma_start3A_67 = tpu.memref_slice %arg15[%multiple_of3A, %dma_start3A_66] : memref<10000x32xf32, #tpu.memory_space<vmem_shared>> -> memref<624x32xf32, #tpu.memory_space<vmem_shared>>
        tpu.enqueue_dma source(%dma_start3A_67 : memref<624x32xf32, #tpu.memory_space<vmem_shared>>) target(%dma_start3A_65 : memref<624x32xf32, #tpu.memory_space<hbm>>) target_semaphore(%run_scoped3A_62 : memref<!tpu.dma_semaphore, #tpu.memory_space<semaphore_mem>>)
        %dma_wait3A = arith.constant 0 : i32
        %dma_wait3A_68 = tpu.memref_slice %arg4[%arg0, %multiple_of3A, %dma_wait3A] : memref<2x10000x32xf32, #tpu.memory_space<hbm>> -> memref<1x624x32xf32, #tpu.memory_space<hbm>>
        %dma_wait3A_69 = tpu.memref_squeeze %dma_wait3A_68 : memref<1x624x32xf32, #tpu.memory_space<hbm>> -> memref<624x32xf32, #tpu.memory_space<hbm>>
        %dma_wait3A_70 = arith.constant 0 : i32
        %dma_wait3A_71 = tpu.memref_slice %arg15[%multiple_of3A, %dma_wait3A_70] : memref<10000x32xf32, #tpu.memory_space<vmem_shared>> -> memref<624x32xf32, #tpu.memory_space<vmem_shared>>
        tpu.wait_dma2 semaphore(%run_scoped3A_62 : memref<!tpu.dma_semaphore, #tpu.memory_space<semaphore_mem>>) src(%dma_wait3A_71 : memref<624x32xf32, #tpu.memory_space<vmem_shared>>) dst(%dma_wait3A_69 : memref<624x32xf32, #tpu.memory_space<hbm>>)
        tpu.yield
      }) : () -> ()
    } else {
    }
    %convert_element_type3A_54 = arith.extui %eq3A_3 : i1 to i32
    %cond3A_55 = arith.constant 0 : i32
    %cond3A_56 = arith.cmpi ne, %convert_element_type3A_54, %cond3A_55 : i32
    scf.if %cond3A_56 {
      "tpu.region"() ({
        %run_scoped3A_62 = tpu.sem_alloc : memref<!tpu.dma_semaphore, #tpu.memory_space<semaphore_mem>>
        %dma_start3A_63 = arith.constant 0 : i32
        %dma_start3A_64 = tpu.memref_slice %arg5[%arg0, %multiple_of3A, %dma_start3A_63] : memref<2x10000x16xf32, #tpu.memory_space<hbm>> -> memref<1x640x16xf32, #tpu.memory_space<hbm>>
        %dma_start3A_65 = tpu.memref_squeeze %dma_start3A_64 : memref<1x640x16xf32, #tpu.memory_space<hbm>> -> memref<640x16xf32, #tpu.memory_space<hbm>>
        %dma_start3A_66 = arith.constant 0 : i32
        %dma_start3A_67 = tpu.memref_slice %arg16[%multiple_of3A, %dma_start3A_66] : memref<10000x16xf32, #tpu.memory_space<vmem_shared>> -> memref<640x16xf32, #tpu.memory_space<vmem_shared>>
        tpu.enqueue_dma source(%dma_start3A_67 : memref<640x16xf32, #tpu.memory_space<vmem_shared>>) target(%dma_start3A_65 : memref<640x16xf32, #tpu.memory_space<hbm>>) target_semaphore(%run_scoped3A_62 : memref<!tpu.dma_semaphore, #tpu.memory_space<semaphore_mem>>)
        %dma_wait3A = arith.constant 0 : i32
        %dma_wait3A_68 = tpu.memref_slice %arg5[%arg0, %multiple_of3A, %dma_wait3A] : memref<2x10000x16xf32, #tpu.memory_space<hbm>> -> memref<1x640x16xf32, #tpu.memory_space<hbm>>
        %dma_wait3A_69 = tpu.memref_squeeze %dma_wait3A_68 : memref<1x640x16xf32, #tpu.memory_space<hbm>> -> memref<640x16xf32, #tpu.memory_space<hbm>>
        %dma_wait3A_70 = arith.constant 0 : i32
        %dma_wait3A_71 = tpu.memref_slice %arg16[%multiple_of3A, %dma_wait3A_70] : memref<10000x16xf32, #tpu.memory_space<vmem_shared>> -> memref<640x16xf32, #tpu.memory_space<vmem_shared>>
        tpu.wait_dma2 semaphore(%run_scoped3A_62 : memref<!tpu.dma_semaphore, #tpu.memory_space<semaphore_mem>>) src(%dma_wait3A_71 : memref<640x16xf32, #tpu.memory_space<vmem_shared>>) dst(%dma_wait3A_69 : memref<640x16xf32, #tpu.memory_space<hbm>>)
        tpu.yield
      }) : () -> ()
    } else {
    }
    %not3A_57 = arith.constant true
    %not3A_58 = arith.xori %eq3A_3, %not3A_57 : i1
    %convert_element_type3A_59 = arith.extui %not3A_58 : i1 to i32
    %cond3A_60 = arith.constant 0 : i32
    %cond3A_61 = arith.cmpi ne, %convert_element_type3A_59, %cond3A_60 : i32
    scf.if %cond3A_61 {
      "tpu.region"() ({
        %run_scoped3A_62 = tpu.sem_alloc : memref<!tpu.dma_semaphore, #tpu.memory_space<semaphore_mem>>
        %dma_start3A_63 = arith.constant 0 : i32
        %dma_start3A_64 = tpu.memref_slice %arg5[%arg0, %multiple_of3A, %dma_start3A_63] : memref<2x10000x16xf32, #tpu.memory_space<hbm>> -> memref<1x624x16xf32, #tpu.memory_space<hbm>>
        %dma_start3A_65 = tpu.memref_squeeze %dma_start3A_64 : memref<1x624x16xf32, #tpu.memory_space<hbm>> -> memref<624x16xf32, #tpu.memory_space<hbm>>
        %dma_start3A_66 = arith.constant 0 : i32
        %dma_start3A_67 = tpu.memref_slice %arg16[%multiple_of3A, %dma_start3A_66] : memref<10000x16xf32, #tpu.memory_space<vmem_shared>> -> memref<624x16xf32, #tpu.memory_space<vmem_shared>>
        tpu.enqueue_dma source(%dma_start3A_67 : memref<624x16xf32, #tpu.memory_space<vmem_shared>>) target(%dma_start3A_65 : memref<624x16xf32, #tpu.memory_space<hbm>>) target_semaphore(%run_scoped3A_62 : memref<!tpu.dma_semaphore, #tpu.memory_space<semaphore_mem>>)
        %dma_wait3A = arith.constant 0 : i32
        %dma_wait3A_68 = tpu.memref_slice %arg5[%arg0, %multiple_of3A, %dma_wait3A] : memref<2x10000x16xf32, #tpu.memory_space<hbm>> -> memref<1x624x16xf32, #tpu.memory_space<hbm>>
        %dma_wait3A_69 = tpu.memref_squeeze %dma_wait3A_68 : memref<1x624x16xf32, #tpu.memory_space<hbm>> -> memref<624x16xf32, #tpu.memory_space<hbm>>
        %dma_wait3A_70 = arith.constant 0 : i32
        %dma_wait3A_71 = tpu.memref_slice %arg16[%multiple_of3A, %dma_wait3A_70] : memref<10000x16xf32, #tpu.memory_space<vmem_shared>> -> memref<624x16xf32, #tpu.memory_space<vmem_shared>>
        tpu.wait_dma2 semaphore(%run_scoped3A_62 : memref<!tpu.dma_semaphore, #tpu.memory_space<semaphore_mem>>) src(%dma_wait3A_71 : memref<624x16xf32, #tpu.memory_space<vmem_shared>>) dst(%dma_wait3A_69 : memref<624x16xf32, #tpu.memory_space<hbm>>)
        tpu.yield
      }) : () -> ()
    } else {
    }
    return
  }
}

module attributes {stable_mosaic.version = 14 : i64} {
  func.func @_pre_body(%arg0: memref<10000x128xf32, #tpu.memory_space<vmem>>, %arg1: memref<32x128xf32, #tpu.memory_space<vmem>>, %arg2: memref<32x128xf32, #tpu.memory_space<vmem>>, %arg3: memref<1x32xf32, #tpu.memory_space<vmem>>, %arg4: memref<10000x32xf32, #tpu.memory_space<vmem>>, %arg5: memref<10000x32xf32, #tpu.memory_space<vmem>>) attributes {dimension_semantics = [], scalar_prefetch = 0 : i64, scratch_operands = 0 : i64, tpu.core_type = #tpu.core_type<tc>} {
    %get3A = arith.constant 0 : index
    %get3A_0 = arith.constant 0 : index
    %get3A_1 = vector.load %arg0[%get3A, %get3A_0] : memref<10000x128xf32, #tpu.memory_space<vmem>>, vector<10000x128xf32>
    %get3A_2 = arith.constant 0 : index
    %get3A_3 = arith.constant 0 : index
    %get3A_4 = vector.load %arg1[%get3A_2, %get3A_3] : memref<32x128xf32, #tpu.memory_space<vmem>>, vector<32x128xf32>
    %dot_general3A = arith.constant dense<0.000000e+00> : vector<10000x32xf32>
    %dot_general3A_5 = tpu.matmul %get3A_1, %get3A_4, %dot_general3A {dimension_numbers = #tpu.dot_dimension_numbers<[1], [1], [0], [0], [0, 0, 1, 0], [], []>, transpose_lhs_hint = false} : vector<10000x128xf32>, vector<32x128xf32>, vector<10000x32xf32> -> vector<10000x32xf32>
    %swap3A = arith.constant 0 : index
    %swap3A_6 = arith.constant 0 : index
    %swap3A_7 = vector.load %arg4[%swap3A, %swap3A_6] : memref<10000x32xf32, #tpu.memory_space<vmem>>, vector<10000x32xf32>
    tpu.vector_store %arg4[%swap3A, %swap3A_6], %dot_general3A_5 {strides = array<i32>} : memref<10000x32xf32, #tpu.memory_space<vmem>>, vector<10000x32xf32>,
    %get3A_8 = arith.constant 0 : index
    %get3A_9 = arith.constant 0 : index
    %get3A_10 = vector.load %arg2[%get3A_8, %get3A_9] : memref<32x128xf32, #tpu.memory_space<vmem>>, vector<32x128xf32>
    %dot_general3A_11 = arith.constant dense<0.000000e+00> : vector<10000x32xf32>
    %dot_general3A_12 = tpu.matmul %get3A_1, %get3A_10, %dot_general3A_11 {dimension_numbers = #tpu.dot_dimension_numbers<[1], [1], [0], [0], [0, 0, 1, 0], [], []>, transpose_lhs_hint = false} : vector<10000x128xf32>, vector<32x128xf32>, vector<10000x32xf32> -> vector<10000x32xf32>
    %get3A_13 = arith.constant 0 : index
    %get3A_14 = arith.constant 0 : index
    %get3A_15 = vector.load %arg3[%get3A_13, %get3A_14] : memref<1x32xf32, #tpu.memory_space<vmem>>, vector<1x32xf32>
    %add3A = vector.broadcast %get3A_15 : vector<1x32xf32> to vector<10000x32xf32>
    %add3A_16 = arith.addf %dot_general3A_12, %add3A : vector<10000x32xf32>
    %swap3A_17 = arith.constant 0 : index
    %swap3A_18 = arith.constant 0 : index
    %swap3A_19 = vector.load %arg5[%swap3A_17, %swap3A_18] : memref<10000x32xf32, #tpu.memory_space<vmem>>, vector<10000x32xf32>
    tpu.vector_store %arg5[%swap3A_17, %swap3A_18], %add3A_16 {strides = array<i32>} : memref<10000x32xf32, #tpu.memory_space<vmem>>, vector<10000x32xf32>,
    return
  }
}

module attributes {stable_mosaic.version = 14 : i64} {
  func.func @_out_body(%arg0: i32, %arg1: memref<2x2500x128xf32, #tpu.memory_space<vmem>>, %arg2: memref<1x2500x128xf32, #tpu.memory_space<vmem>>, %arg3: memref<32x32xf32, #tpu.memory_space<vmem>>, %arg4: memref<32x32xf32, #tpu.memory_space<vmem>>, %arg5: memref<1x32xf32, #tpu.memory_space<vmem>>, %arg6: memref<2500x128xf32, #tpu.memory_space<vmem>>) attributes {dimension_semantics = [#tpu.dimension_semantics<arbitrary>], iteration_bounds = array<i64: 1>, scalar_prefetch = 0 : i64, scratch_operands = 0 : i64, tpu.core_type = #tpu.core_type<tc>, window_params = [{pipeline_mode = #tpu.pipeline_mode<synchronous>, transform_indices = @transform_0, window_bounds = array<i64: 2, 2500, 128>}, {transform_indices = @transform_1, window_bounds = array<i64: 1, 2500, 128>}, {pipeline_mode = #tpu.pipeline_mode<synchronous>, transform_indices = @transform_2, window_bounds = array<i64: 32, 32>}, {pipeline_mode = #tpu.pipeline_mode<synchronous>, transform_indices = @transform_3, window_bounds = array<i64: 32, 32>}, {pipeline_mode = #tpu.pipeline_mode<synchronous>, transform_indices = @transform_4, window_bounds = array<i64: 1, 32>}, {pipeline_mode = #tpu.pipeline_mode<synchronous>, transform_indices = @transform_5, window_bounds = array<i64: 2500, 128>}]} {
    %get3A = arith.constant 0 : index
    %get3A_0 = arith.constant 0 : index
    %get3A_1 = arith.constant 0 : index
    %get3A_2 = vector.load %arg1[%get3A, %get3A_0, %get3A_1] : memref<2x2500x128xf32, #tpu.memory_space<vmem>>, vector<1x2500x128xf32>
    %get3A_3 = vector.shape_cast %get3A_2 : vector<1x2500x128xf32> to vector<2500x128xf32>
    %get3A_4 = arith.constant 1 : index
    %get3A_5 = arith.constant 0 : index
    %get3A_6 = arith.constant 0 : index
    %get3A_7 = vector.load %arg1[%get3A_4, %get3A_5, %get3A_6] : memref<2x2500x128xf32, #tpu.memory_space<vmem>>, vector<1x2500x128xf32>
    %get3A_8 = vector.shape_cast %get3A_7 : vector<1x2500x128xf32> to vector<2500x128xf32>
    %add3A = arith.addf %get3A_3, %get3A_8 : vector<2500x128xf32>
    %get3A_9 = arith.constant 0 : index
    %get3A_10 = arith.constant 0 : index
    %get3A_11 = arith.constant 0 : index
    %get3A_12 = vector.load %arg2[%get3A_9, %get3A_10, %get3A_11] : memref<1x2500x128xf32, #tpu.memory_space<vmem>>, vector<1x2500x128xf32>
    %get3A_13 = vector.shape_cast %get3A_12 : vector<1x2500x128xf32> to vector<2500x128xf32>
    %get3A_14 = arith.constant 0 : index
    %get3A_15 = arith.constant 0 : index
    %get3A_16 = vector.load %arg3[%get3A_14, %get3A_15] : memref<32x32xf32, #tpu.memory_space<vmem>>, vector<32x32xf32>
    %get3A_17 = arith.constant 0 : index
    %get3A_18 = arith.constant 0 : index
    %get3A_19 = vector.load %arg4[%get3A_17, %get3A_18] : memref<32x32xf32, #tpu.memory_space<vmem>>, vector<32x32xf32>
    %get3A_20 = arith.constant 0 : index
    %get3A_21 = arith.constant 0 : index
    %get3A_22 = vector.load %arg5[%get3A_20, %get3A_21] : memref<1x32xf32, #tpu.memory_space<vmem>>, vector<1x32xf32>
    %slice3A = vector.extract_strided_slice %add3A {offsets = [0, 0], sizes = [2500, 32], strides = [1, 1]} : vector<2500x128xf32> to vector<2500x32xf32>
    %dot_general3A = arith.constant dense<0.000000e+00> : vector<2500x32xf32>
    %dot_general3A_23 = tpu.matmul %slice3A, %get3A_16, %dot_general3A {dimension_numbers = #tpu.dot_dimension_numbers<[1], [1], [0], [0], [0, 0, 1, 0], [], []>, transpose_lhs_hint = false} : vector<2500x32xf32>, vector<32x32xf32>, vector<2500x32xf32> -> vector<2500x32xf32>
    %add3A_24 = vector.broadcast %get3A_22 : vector<1x32xf32> to vector<2500x32xf32>
    %add3A_25 = arith.addf %dot_general3A_23, %add3A_24 : vector<2500x32xf32>
    %slice3A_26 = vector.extract_strided_slice %get3A_13 {offsets = [0, 0], sizes = [2500, 32], strides = [1, 1]} : vector<2500x128xf32> to vector<2500x32xf32>
    %dot_general3A_27 = arith.constant dense<0.000000e+00> : vector<2500x32xf32>
    %dot_general3A_28 = tpu.matmul %slice3A_26, %get3A_19, %dot_general3A_27 {dimension_numbers = #tpu.dot_dimension_numbers<[1], [1], [0], [0], [0, 0, 1, 0], [], []>, transpose_lhs_hint = false} : vector<2500x32xf32>, vector<32x32xf32>, vector<2500x32xf32> -> vector<2500x32xf32>
    %add3A_29 = arith.addf %add3A_25, %dot_general3A_28 : vector<2500x32xf32>
    %swap3A = arith.constant 0 : index
    %swap3A_30 = arith.constant 0 : index
    %swap3A_31 = vector.load %arg6[%swap3A, %swap3A_30] : memref<2500x128xf32, #tpu.memory_space<vmem>>, vector<2500x32xf32>
    tpu.vector_store %arg6[%swap3A, %swap3A_30], %add3A_29 {strides = array<i32>} : memref<2500x128xf32, #tpu.memory_space<vmem>>, vector<2500x32xf32>,
    %slice3A_32 = vector.extract_strided_slice %add3A {offsets = [0, 32], sizes = [2500, 32], strides = [1, 1]} : vector<2500x128xf32> to vector<2500x32xf32>
    %dot_general3A_33 = arith.constant dense<0.000000e+00> : vector<2500x32xf32>
    %dot_general3A_34 = tpu.matmul %slice3A_32, %get3A_16, %dot_general3A_33 {dimension_numbers = #tpu.dot_dimension_numbers<[1], [1], [0], [0], [0, 0, 1, 0], [], []>, transpose_lhs_hint = false} : vector<2500x32xf32>, vector<32x32xf32>, vector<2500x32xf32> -> vector<2500x32xf32>
    %add3A_35 = vector.broadcast %get3A_22 : vector<1x32xf32> to vector<2500x32xf32>
    %add3A_36 = arith.addf %dot_general3A_34, %add3A_35 : vector<2500x32xf32>
    %slice3A_37 = vector.extract_strided_slice %get3A_13 {offsets = [0, 32], sizes = [2500, 32], strides = [1, 1]} : vector<2500x128xf32> to vector<2500x32xf32>
    %dot_general3A_38 = arith.constant dense<0.000000e+00> : vector<2500x32xf32>
    %dot_general3A_39 = tpu.matmul %slice3A_37, %get3A_19, %dot_general3A_38 {dimension_numbers = #tpu.dot_dimension_numbers<[1], [1], [0], [0], [0, 0, 1, 0], [], []>, transpose_lhs_hint = false} : vector<2500x32xf32>, vector<32x32xf32>, vector<2500x32xf32> -> vector<2500x32xf32>
    %add3A_40 = arith.addf %add3A_36, %dot_general3A_39 : vector<2500x32xf32>
    %swap3A_41 = arith.constant 0 : index
    %swap3A_42 = arith.constant 32 : index
    %swap3A_43 = vector.load %arg6[%swap3A_41, %swap3A_42] : memref<2500x128xf32, #tpu.memory_space<vmem>>, vector<2500x32xf32>
    tpu.vector_store %arg6[%swap3A_41, %swap3A_42], %add3A_40 {strides = array<i32>} : memref<2500x128xf32, #tpu.memory_space<vmem>>, vector<2500x32xf32>,
    %slice3A_44 = vector.extract_strided_slice %add3A {offsets = [0, 64], sizes = [2500, 32], strides = [1, 1]} : vector<2500x128xf32> to vector<2500x32xf32>
    %dot_general3A_45 = arith.constant dense<0.000000e+00> : vector<2500x32xf32>
    %dot_general3A_46 = tpu.matmul %slice3A_44, %get3A_16, %dot_general3A_45 {dimension_numbers = #tpu.dot_dimension_numbers<[1], [1], [0], [0], [0, 0, 1, 0], [], []>, transpose_lhs_hint = false} : vector<2500x32xf32>, vector<32x32xf32>, vector<2500x32xf32> -> vector<2500x32xf32>
    %add3A_47 = vector.broadcast %get3A_22 : vector<1x32xf32> to vector<2500x32xf32>
    %add3A_48 = arith.addf %dot_general3A_46, %add3A_47 : vector<2500x32xf32>
    %slice3A_49 = vector.extract_strided_slice %get3A_13 {offsets = [0, 64], sizes = [2500, 32], strides = [1, 1]} : vector<2500x128xf32> to vector<2500x32xf32>
    %dot_general3A_50 = arith.constant dense<0.000000e+00> : vector<2500x32xf32>
    %dot_general3A_51 = tpu.matmul %slice3A_49, %get3A_19, %dot_general3A_50 {dimension_numbers = #tpu.dot_dimension_numbers<[1], [1], [0], [0], [0, 0, 1, 0], [], []>, transpose_lhs_hint = false} : vector<2500x32xf32>, vector<32x32xf32>, vector<2500x32xf32> -> vector<2500x32xf32>
    %add3A_52 = arith.addf %add3A_48, %dot_general3A_51 : vector<2500x32xf32>
    %swap3A_53 = arith.constant 0 : index
    %swap3A_54 = arith.constant 64 : index
    %swap3A_55 = vector.load %arg6[%swap3A_53, %swap3A_54] : memref<2500x128xf32, #tpu.memory_space<vmem>>, vector<2500x32xf32>
    tpu.vector_store %arg6[%swap3A_53, %swap3A_54], %add3A_52 {strides = array<i32>} : memref<2500x128xf32, #tpu.memory_space<vmem>>, vector<2500x32xf32>,
    %slice3A_56 = vector.extract_strided_slice %add3A {offsets = [0, 96], sizes = [2500, 32], strides = [1, 1]} : vector<2500x128xf32> to vector<2500x32xf32>
    %dot_general3A_57 = arith.constant dense<0.000000e+00> : vector<2500x32xf32>
    %dot_general3A_58 = tpu.matmul %slice3A_56, %get3A_16, %dot_general3A_57 {dimension_numbers = #tpu.dot_dimension_numbers<[1], [1], [0], [0], [0, 0, 1, 0], [], []>, transpose_lhs_hint = false} : vector<2500x32xf32>, vector<32x32xf32>, vector<2500x32xf32> -> vector<2500x32xf32>
    %add3A_59 = vector.broadcast %get3A_22 : vector<1x32xf32> to vector<2500x32xf32>
    %add3A_60 = arith.addf %dot_general3A_58, %add3A_59 : vector<2500x32xf32>
    %slice3A_61 = vector.extract_strided_slice %get3A_13 {offsets = [0, 96], sizes = [2500, 32], strides = [1, 1]} : vector<2500x128xf32> to vector<2500x32xf32>
    %dot_general3A_62 = arith.constant dense<0.000000e+00> : vector<2500x32xf32>
    %dot_general3A_63 = tpu.matmul %slice3A_61, %get3A_19, %dot_general3A_62 {dimension_numbers = #tpu.dot_dimension_numbers<[1], [1], [0], [0], [0, 0, 1, 0], [], []>, transpose_lhs_hint = false} : vector<2500x32xf32>, vector<32x32xf32>, vector<2500x32xf32> -> vector<2500x32xf32>
    %add3A_64 = arith.addf %add3A_60, %dot_general3A_63 : vector<2500x32xf32>
    %swap3A_65 = arith.constant 0 : index
    %swap3A_66 = arith.constant 96 : index
    %swap3A_67 = vector.load %arg6[%swap3A_65, %swap3A_66] : memref<2500x128xf32, #tpu.memory_space<vmem>>, vector<2500x32xf32>
    tpu.vector_store %arg6[%swap3A_65, %swap3A_66], %add3A_64 {strides = array<i32>} : memref<2500x128xf32, #tpu.memory_space<vmem>>, vector<2500x32xf32>,
    return
  }
  func.func @transform_0(%arg0: i32) -> (i32, i32, i32) {
    %c0_i32 = arith.constant 0 : i32
    %c0_i32_0 = arith.constant 0 : i32
    %c0_i32_1 = arith.constant 0 : i32
    %c0_i32_2 = arith.constant 0 : i32
    return %c0_i32, %c0_i32_0, %c0_i32_1 : i32, i32, i32
  }
  func.func @transform_1(%arg0: i32) -> (i32, i32, i32) {
    %c0_i32 = arith.constant 0 : i32
    %c0_i32_0 = arith.constant 0 : i32
    %c0_i32_1 = arith.constant 0 : i32
    %c0_i32_2 = arith.constant 0 : i32
    return %c0_i32, %c0_i32_0, %c0_i32_1 : i32, i32, i32
  }
  func.func @transform_2(%arg0: i32) -> (i32, i32) {
    %c0_i32 = arith.constant 0 : i32
    %c0_i32_0 = arith.constant 0 : i32
    %c0_i32_1 = arith.constant 0 : i32
    return %c0_i32, %c0_i32_0 : i32, i32
  }
  func.func @transform_3(%arg0: i32) -> (i32, i32) {
    %c0_i32 = arith.constant 0 : i32
    %c0_i32_0 = arith.constant 0 : i32
    %c0_i32_1 = arith.constant 0 : i32
    return %c0_i32, %c0_i32_0 : i32, i32
  }
  func.func @transform_4(%arg0: i32) -> (i32, i32) {
    %c0_i32 = arith.constant 0 : i32
    %c0_i32_0 = arith.constant 0 : i32
    %c0_i32_1 = arith.constant 0 : i32
    return %c0_i32, %c0_i32_0 : i32, i32
  }
  func.func @transform_5(%arg0: i32) -> (i32, i32) {
    %c0_i32 = arith.constant 0 : i32
    %c0_i32_0 = arith.constant 0 : i32
    %c0_i32_1 = arith.constant 0 : i32
    return %c0_i32, %c0_i32_0 : i32, i32
  }
}

</mosaic_0001>

<sc_bundles>
// kernel: sage_sc_pass1.3.cloned.1.call-start
scs
__scs_entry_jumppad:
0x0: {  	(pc) =	sbr.rel $0x88, $3  }
0x1: {  	(tag) =	ssettag $0x0;
	lr =	simm.s32 $0x1  }
0x2: {  	[smem:$0x3F99] =	sst lr;
	_ =	strace $0xD0000000  }
0x3: {  	_ = 	snop  }
0x4: {  	_ = 	snop  }
0x5: {  	_ = 	snop  }
0x6: {  	_ = 	snop  }
0x7: {  	_ = 	snop  }
__scs_overlays_trampoline_lowered:
0x8: {  	[smem:$0x3FA8] =	sst s0  }
0x9: {  	[smem:$0x3FA9] =	sst s1  }
0xa: {  	[smem:$0x3FAA] =	sst s2  }
0xb: {  	[smem:$0x3FAB] =	sst s3  }
0xc: {  	[smem:$0x3FAC] =	sst s4  }
0xd: {  	[smem:$0x3FAD] =	sst s5  }
0xe: {  	[smem:$0x3FAE] =	sst s6  }
0xf: {  	[smem:$0x3FAF] =	sst s7  }
0x10: {  	[smem:$0x3FB0] =	sst s8  }
0x11: {  	[smem:$0x3FB1] =	sst s9;
	s0 =	simm.s32 @!p0 $0x0  }
0x12: {  	s1 =	sld [smem:$0x3F97];
	s0 =	simm.s32 @p0 $0x1  }
0x13: {  	[smem:$0x3FB2] =	sst s0;
	s0 =	simm.s32 @!p1 $0x0  }
0x14: {  	s2 =	sld [smem:$0x3F96];
	s0 =	simm.s32 @p1 $0x1  }
0x15: {  	[smem:$0x3FB3] =	sst s0;
	s0 =	simm.s32 @!p2 $0x0  }
0x16: {  	s3 =	sld [smem:$0x3FDB];
	s0 =	simm.s32 @p2 $0x1  }
0x17: {  	s4 =	simm.s32 $0x1BF5;
	[smem:$0x3FB5] =	sst s0  }
0x18: {  	s0 =	sld [smem:$0x3F98];
	_ =	swait.ge [sflag:s4], $0x0  }
0x19: {  	s7 =	sld [smem:$0x3F99]  }
0x1a: {  	s8 =	sadd.s32 $0xFFFFE003, lr  }
0x1b: {  	s9 =	sadd.s32 $0xFFFFFEF7, lr;
	s5 =	simm.s32 $0xFFFFFFFF;
	p2 =	slt.u32 s8, $0xFFFFF086  }
0x1c: {  	p1 =	slt.u32 s9, $0xF7A;
	s5 =	simm.s32 @!p2 $0x0  }
0x1d: {  	s5 =	simm.s32 @p1 $0x1;
	p0 =	seq.s32 s7, s2  }
0x1e: {  	s7 =	smul.u32 @!p0 $0xF7A, s2;
	p2 =	seq.s32 @!p0 s5, $0x0  }
0x1f: {  	s9 =	smul.u32 $0xF7A, s1;
	s8 =	simm.s32 @!p0 $0x1BF5;
	p2 =	por !p2, p0  }
0x20: {  	[sflag:s8] =	ssyncset.s32 @!p0 $0xFFFFF086;
	s6 =	sadd.s32 @!p0 s3, s7;
	s7 =	simm.s32 @!p0 $0x108  }
0x21: {  	s3 =	sadd.s32 s3, s9;
	s6 =	sadd.s32 @!p0 $0x88, s6;
	s7 =	simm.s32 @p2 $0x1082  }
0x22: {  	[simem:s7], [sflag:s8] =	dma.local @!p0 [hbm:s6], $0xF7A  }
0x23: {  	s9 =	sor.u32 $0xD0000000, s2;
	s6 =	simm.s32 $0x108;
	_ =	swait.ge @!p0 [sflag:s8], $0x0  }
0x24: {  	s3 =	sadd.s32 $0x88, s3;
	s6 =	simm.s32 @!p1 $0x1082;
	[sflag:s4] =	ssyncset.s32 $0xFFFFF086  }
0x25: {  	[simem:s6], [sflag:s4] =	dma.local [hbm:s3], $0xF7A  }
0x26: {  	[smem:$0x3F99] =	sst s1;
	(tag) =	ssettag s2;
	_ =	strace s9  }
0x27: {  	s1 =	sld [smem:$0x3FA9]  }
0x28: {  	s2 =	sld [smem:$0x3FAA]  }
0x29: {  	s4 =	sld [smem:$0x3FAC]  }
0x2a: {  	p0 =	seq.s32 s5, $0x0;
	s5 =	sld [smem:$0x3FAD]  }
0x2b: {  	s6 =	sld [smem:$0x3FAE]  }
0x2c: {  	s7 =	sld [smem:$0x3FAF]  }
0x2d: {  	s3 =	simm.s32 $0x108;
	s8 =	sld [smem:$0x3FB0]  }
0x2e: {  	s3 =	simm.s32 @!p0 $0x1082;
	s9 =	sld [smem:$0x3FB1]  }
0x2f: {  	lr =	sadd.s32 s0, s3;
	s0 =	sld [smem:$0x3FA8]  }
0x30: {  	s3 =	sld [smem:$0x3FAB]  }
0x31: {  	[smem:$0x3FB4] =	sst s10  }
0x32: {  	s10 =	sld [smem:$0x3FB2];
	_ =	sdelay $0x3  }
0x33: {  	p0 =	seq.s32 s10, $0x1;
	s10 =	sld [smem:$0x3FB4];
	_ =	sdelay $0x3  }
0x34: {  	[smem:$0x3FB4] =	sst s10  }
0x35: {  	s10 =	sld [smem:$0x3FB3];
	_ =	sdelay $0x3  }
0x36: {  	p1 =	seq.s32 s10, $0x1;
	s10 =	sld [smem:$0x3FB4];
	_ =	sdelay $0x3  }
0x37: {  	[smem:$0x3FB4] =	sst s10  }
0x38: {  	s10 =	sld [smem:$0x3FB5]  }
0x39: {  	_ = 	snop;
	(pc) =	sbr.ind lr, $3  }
0x3a: {  	_ = 	snop  }
0x3b: {  	_ = 	snop  }
0x3c: {  	p2 =	seq.s32 s10, $0x1;
	s10 =	sld [smem:$0x3FB4]  }
0x3d: {  	_ =	shalt  }
0x3e: {  	_ =	shalt  }
0x3f: {  	_ =	shalt  }
0x40: {  	_ =	shalt  }
0x41: {  	_ =	shalt  }
0x42: {  	_ =	shalt  }
0x43: {  	_ =	shalt  }
0x44: {  	_ =	shalt  }
0x45: {  	_ =	shalt  }
0x46: {  	_ =	shalt  }
0x47: {  	_ =	shalt  }
0x48: {  	_ =	shalt  }
0x49: {  	_ =	shalt  }
0x4a: {  	_ =	shalt  }
0x4b: {  	_ =	shalt  }
0x4c: {  	_ =	shalt  }
0x4d: {  	_ =	shalt  }
0x4e: {  	_ =	shalt  }
0x4f: {  	_ =	shalt  }
0x50: {  	_ =	shalt  }
0x51: {  	_ =	shalt  }
0x52: {  	_ =	shalt  }
0x53: {  	_ =	shalt  }
0x54: {  	_ =	shalt  }
0x55: {  	_ =	shalt  }
0x56: {  	_ =	shalt  }
0x57: {  	_ =	shalt  }
0x58: {  	_ =	shalt  }
0x59: {  	_ =	shalt  }
0x5a: {  	_ =	shalt  }
0x5b: {  	_ =	shalt  }
0x5c: {  	_ =	shalt  }
0x5d: {  	_ =	shalt  }
0x5e: {  	_ =	shalt  }
0x5f: {  	_ =	shalt  }
0x60: {  	_ =	shalt  }
0x61: {  	_ =	shalt  }
0x62: {  	_ =	shalt  }
0x63: {  	_ =	shalt  }
0x64: {  	_ =	shalt  }
0x65: {  	_ =	shalt  }
0x66: {  	_ =	shalt  }
0x67: {  	_ =	shalt  }
0x68: {  	_ =	shalt  }
0x69: {  	_ =	shalt  }
0x6a: {  	_ =	shalt  }
0x6b: {  	_ =	shalt  }
0x6c: {  	_ =	shalt  }
0x6d: {  	_ =	shalt  }
0x6e: {  	_ =	shalt  }
0x6f: {  	_ =	shalt  }
0x70: {  	_ =	shalt  }
0x71: {  	_ =	shalt  }
0x72: {  	_ =	shalt  }
0x73: {  	_ =	shalt  }
0x74: {  	_ =	shalt  }
0x75: {  	_ =	shalt  }
0x76: {  	_ =	shalt  }
0x77: {  	_ =	shalt  }
0x78: {  	_ =	shalt  }
0x79: {  	_ =	shalt  }
0x7a: {  	_ =	shalt  }
0x7b: {  	_ =	shalt  }
0x7c: {  	_ =	shalt  }
0x7d: {  	_ =	shalt  }
0x7e: {  	_ =	shalt  }
0x7f: {  	_ =	shalt  }
0x80: {  	_ =	shalt  }
0x81: {  	_ =	shalt  }
0x82: {  	_ =	shalt  }
0x83: {  	_ =	shalt  }
0x84: {  	_ =	shalt  }
0x85: {  	_ =	shalt  }
0x86: {  	_ =	shalt  }
0x87: {  	_ =	shalt  }
.Lfunc_end0:
.L_simem_size_0:
called_computation_lowered:
.L_overlay_start_0:
0x88: {  	s2 =	sld [smem:$0x3FD9]  }
0x89: {  	s3 =	sld [smem:$0x3FFE];
	_ =	sdelay $0x1  }
0x8a: {  	s1 =	srdreg.scid  }
0x8b: {  	s0 =	sand.u32 $0x1, s1  }
0x8c: {  	s17 =	sshll.u32 s0, $0xA;
	s2 =	sadd.s32 s3, s2  }
0x8d: {  	s2 =	sadd.s32 s2, s17  }
0x8e: {  	[smem:$0x3FC0] =	sst s2  }
0x8f: {  	_ = 	snop  }
0x90: {  	s2 =	sld [smem:$0x3FD0];
	(tm) =	ssettm $0x1  }
0x91: {  	s18 =	sld [smem:$0x3FFB];
	_ =	sdelay $0x3  }
0x92: {  	_ =	strace s18  }
0x93: {  	s3 =	sld [smem:$0x3FFC];
	_ =	sdelay $0x3  }
0x94: {  	_ =	strace s3  }
0x95: {  	s3 =	sld [smem:$0x3FFD];
	_ =	sdelay $0x3  }
0x96: {  	_ =	strace s3  }
0x97: {  	_ =	strace $0x8FFFFFFF  }
0x98: {  	s19 =	sld [smem:$0x3FDB];
	_ =	sdelay $0x1  }
0x99: {  	s4 =	simm.s32 $_scs_section_size  }
0x9a: {  	s5 =	simm.s32 $_size__tile_overlayer_lowered;
	s6 =	simm.s32 $_tile_overlayer_lowered  }
0x9b: {  	s22 =	simm.s32 $0x1BFF;
	s21 =	sshll.u32 s6, $0x1;
	s3 =	sadd.s32 s4, s19  }
0x9c: {  	s7 =	simm.s32 $0x0;
	s20 =	sshll.u32 s5, $0x1;
	s5 =	sadd.s32 s21, s3  }
0x9d: {  	[timem:s7], [sflag:s22] =	dma.local [hbm:s5], s20  }
0x9e: {  	_ =	swait.ge [sflag:s22], s20  }
0x9f: {  	s4 =	ssub.s32 $0x0, s20;
	[sflag:s22] =	ssyncset.done $0x0  }
0xa0: {  	[sflag:s22] =	ssyncadd.s32 s4;
	_ =	sdelay $0x1  }
0xa1: {  	s23 =	simm.s32 $0x1B8B  }
0xa2: {  	_ =	swait.ge [sflag:s23], $0x1  }
0xa3: {  	[sflag:s23] =	ssyncset.done $0x0  }
0xa4: {  	s25 =	simm.s32 $0x1B8E;
	s24 =	sld [smem:$0x3FFE];
	[sflag:s23] =	ssyncadd.s32 $0xFFFFFFFF  }
0xa5: {  	s26 =	simm.s32 $execute0_lowered;
	[smem:$0x3FD2] =	sst s25  }
0xa6: {  	s5 =	sshll.u32 s26, $0x1;
	_ =	strace $0x80000046;
	[dreg:$0x1] =	wrdreg $0xFFFFFFFF  }
0xa7: {  	s28 =	simm.s32 $_size_execute0_lowered;
	s3 =	sadd.s32 s3, s5;
	[dreg:$0x0] =	wrdreg $0x0  }
0xa8: {  	s5 =	sshll.u32 s28, $0x1;
	[dreg:$0x2] =	wrdreg s3  }
0xa9: {  	[dreg:$0x3] =	wrdreg s5  }
0xaa: {  	[dreg:$0x4] =	wrdreg $0xC0  }
0xab: {  	_ =	task [dreg:s7], $0x5FFFF  }
0xac: {  	[dreg:$0x1] =	wrdreg $0xFFFFFFFF  }
0xad: {  	[dreg:$0x0] =	wrdreg $0x60  }
0xae: {  	[dreg:$0x2] =	wrdreg s24  }
0xaf: {  	[dreg:$0x3] =	wrdreg s2  }
0xb0: {  	[dreg:$0x4] =	wrdreg $0x148200  }
0xb1: {  	[dreg:$0x5] =	wrdreg $0x196400  }
0xb2: {  	[dreg:$0x6] =	wrdreg $0x9  }
0xb3: {  	_ =	task.clear_ibuf [dreg:s7], $0x7FFFF;
	_ =	strace $0x90000046  }
0xb4: {  	s29 =	simm.s32 $0x9;
	_ =	strace $0x80000048  }
0xb5: {  	_ =	swait.ge [sflag:s29], $0x1  }
0xb6: {  	[sflag:s29] =	ssyncadd.s32 $0xFFFFFFFF  }
0xb7: {  	_ =	strace $0x90000048  }
0xb8: {  	_ =	sfence  }
0xb9: {  	s30 =	sld [smem:$0x0];
	_ =	sdelay $0x2  }
0xba: {  	s31 =	sshll.u32 s1, $0xD;
	s1 =	sshrl.u32 s1, $0x2  }
0xbb: {  	s3 =	sand.u32 $0x4000, s31;
	s1 =	sadd.s32 s1, s30  }
0xbc: {  	s0 =	sor.u32 s3, s0;
	s1 =	sshll.u32 s1, $0x11  }
0xbd: {  	s0 =	sor.u32 s1, s0  }
0xbe: {  	s0 =	sadd.s32 $0x8F2B, s0  }
0xbf: {  	[sflag:s0] =	ssyncadd.remote.s32 $0x1  }
0xc0: {  	_ =	sfence.sel $0xFFFF  }
0xc1: {  	[dreg:$0x0] =	wrdreg $0xFFFFFFFF;
	(pc) =	sbr.abs _section_cstart, $3  }
0xc2: {  	[dreg:$0x1] =	wrdreg $0xFFFFFFFF  }
0xc3: {  	_ =	task.clear_ibuf [dreg:s7], $0x2FFFF;
	_ =	strace $0x9FFFFFFF  }
0xc4: {  	(tm) =	ssettm $0x7FFFFFFF  }
0xc5: {  	_ =	shalt  }
tec
execute0_lowered:
.L_overlay_start_1:
0x0: {  	(tag) =	ssettag $0x1  }
0x1: {  	s0 =	rddreg [dreg:$0x0]  }
0x2: {  	s1 =	rddreg [dreg:$0x1]  }
0x3: {  	s2 =	rddreg [dreg:$0x2];
	s24 =	stileid.u32  }
0x4: {  	s3 =	rddreg [dreg:$0x3];
	s8 =	smul.u32 $0x13800, s24  }
0x5: {  	s5 =	simm.s32 $0x0;
	s4 =	srdreg.scid;
	s9 =	smul.u32 $0x9C00, s24  }
0x6: {  	s28 =	simm.s32 $0x7D0;
	s29 =	simm.s32 $0x3E8;
	s14 =	smul.u32 $0x4E00, s24  }
0x7: {  	s30 =	simm.s32 $0xFA0;
	s31 =	simm.s32 $0xBB8;
	s23 =	smul.u32 $0x2700, s24  }
0x8: {  	[smem:$0x7FF] =	sst s5;
	s4 =	sand.u32 $0x1, s4;
	s20 =	smul.u32 $0x4E20, s24  }
0x9: {  	s7 =	sshll.u32 s24, $0x1;
	s6 =	sadd.s32 $0x2400, s0;
	s13 =	smul.u32 $0x4E200, s4  }
0xa: {  	s11 =	sadd.s32 $0x15E00, s0;
	s0 =	sadd.s32 $0x29800, s0;
	s15 =	smul.u32 $0x27100, s4  }
0xb: {  	s7 =	sor.u32 s4, s7;
	s10 =	ssub.s32 $0x2, s4;
	s4 =	smul.u32 $0x2710, s4  }
0xc: {  	p0 =	sne.s32 s24, $0xF;
	_ =	strace $0x80000047;
	s7 =	smul.u32 $0x2710, s7  }
0xd: {  	s12 =	sshrl.u32 s10, $0x1;
	s8 =	sshrl.u32 s8, $0x2;
	s22 =	sshrl.u32 s9, $0x2  }
0xe: {  	s9 =	sadd.s32 $0x49200, s2;
	s12 =	ssub.s32 s10, s12;
	s8 =	sadd.s32 s8, s2  }
0xf: {  	s10 =	sadd.s32 $0x24900, s3;
	s17 =	sadd.s32 s14, s13;
	s26 =	sadd.s32 s23, s15  }
0x10: {  	s14 =	sadd.s32 s14, s2;
	s13 =	sshrl.u32 s13, $0x3;
	s19 =	sshrl.u32 s15, $0x3  }
0x11: {  	s4 =	sadd.s32 s4, s20;
	[dreg:$0x5] =	wrdreg s8;
	s8 =	sadd.s32 s22, s3  }
0x12: {  	s16 =	sshrl.u32 s7, $0x3;
	s25 =	sshrl.u32 s17, $0x3;
	s21 =	sadd.s32 $0x2328, s7  }
0x13: {  	s12 =	smax.u32 s12, $0x1;
	s7 =	sadd.s32 $0x50528, s7;
	s20 =	sadd.s32 $0x7D0, s4  }
0x14: {  	s24 =	sshrl.u32 @p0 s14, $0x3;
	[dreg:$0x6] =	wrdreg s8;
	s18 =	sadd.s32 s6, s16  }
0x15: {  	s16 =	sadd.s32 s11, s25;
	s8 =	sadd.s32 s23, s3;
	s11 =	sadd.s32 s11, s13  }
0x16: {  	[dreg:$0xd] =	wrdreg s12;
	s22 =	sshrl.u32 s7, $0x3;
	s23 =	sadd.s32 $0x4E9D0, s4  }
0x17: {  	s25 =	sadd.s32 $0x3E8, s4;
	s4 =	sadd.s32 $0x4E5E8, s4;
	[dreg:$0x7] =	wrdreg s18  }
0x18: {  	s7 =	simm.s32 $0x109A0;
	s18 =	sadd.s32 $0x9C40, s18;
	[dreg:$0x9] =	wrdreg s16  }
0x19: {  	s12 =	simm.s32 $0x0;
	s11 =	sadd.s32 $0x9240, s11;
	[dreg:$0x8] =	wrdreg s18  }
0x1a: {  	s4 =	sshrl.u32 s4, $0x3;
	s18 =	sshrl.u32 s26, $0x3;
	[dreg:$0xb] =	wrdreg s11  }
0x1b: {  	s26 =	sshrl.u32 s25, $0x3;
	s25 =	sshrl.u32 @p0 s8, $0x3;
	s8 =	simm.s32 $0x2  }
0x1c: {  	s16 =	sadd.s32 s0, s18;
	s0 =	sadd.s32 s0, s19;
	s19 =	sadd.s32 s6, s22  }
0x1d: {  	s22 =	sadd.s32 s26, s6;
	[dreg:$0xa] =	wrdreg s16;
	s0 =	sadd.s32 $0x4920, s0  }
0x1e: {  	s26 =	simm.s32 $0x3;
	[dreg:$0xc] =	wrdreg s0;
	s0 =	sshrl.u32 s21, $0x3  }
0x1f: {  	s18 =	sadd.s32 s6, s0;
	s0 =	sshrl.u32 s23, $0x3;
	s23 =	sadd.s32 s4, s6  }
0x20: {  	v0 =	vimm.f32 $0.0e+00;
	v1 =	vimm.f32 $1.000000000e+00;
	s4 =	simm.s32 $0x1;
	s21 =	sadd.s32 s0, s6;
	s0 =	simm.s32 $0x8CA0  }
.LBB2_1:
0x21: {  	s11 =	simm.s32 $0xFB0  }
0x22: {  	[tilespmem:s11+$0xFFFFFFF0] =	vst v0  }
0x23: {  	s13 =	simm.s32 $0x40;
	s14 =	simm.s32 $0x0;
	[tilespmem:s11+$0x0] =	vst v0  }
.LBB2_2:
0x24: {  	p1 =	sne.s32 s13, $0x9FC0  }
0x25: {  	[tilespmem:s14+$0x109A0] =	vst v0;
	s11 =	sadd.s32 $0x20, s11;
	s14 =	smov.u32 s13;
	s13 =	sadd.s32 $0x40, s13  }
.Ltmp0:
0x26: {  	[tilespmem:s11+$0xFFFFFFF0] =	vst v0;
	(pc) =	sbr.rel @p1 .LBB2_2-.Ltmp0, $2  }
0x27: {  	_ =	sdelay $0x2  }
0x28: {  	s14 =	sshra.s32 s14, $0x2;
	[tilespmem:s11+$0x0] =	vst v0  }
0x29: {  	[tilespmem:s14+$0x109A0] =	vst v0;
	s11 =	simm.s32 @p0 $0xFA0;
	s13 =	rddreg [dreg:$0x5]  }
0x2a: {  	[spmem:s13] =	stream.linear.scatter @p0 [tilespmem:s11], [sflag:$0x3], $0x4E00, $0x38;
	[tilespmem:$0x1BD50] =	vst v63  }
0x2b: {  	s11 =	simm.s32 @p0 $0x3  }
0x2c: {  	_ =	swait.ge @p0 [sflag:s11], $0x4E00  }
0x2d: {  	[sflag:s11] =	ssyncset.done @p0 $0x0  }
0x2e: {  	s13 =	simm.s32 @p0 $0x109A0;
	s14 =	rddreg [dreg:$0x6];
	[sflag:s11] =	ssyncadd.s32 @p0 $0xFFFFB200  }
0x2f: {  	[spmem:s14] =	stream.linear.scatter @p0 [tilespmem:s13], [sflag:$0x3], $0x2700, $0x38;
	[tilespmem:$0x1BD50] =	vst v63  }
0x30: {  	_ =	swait.ge @p0 [sflag:s11], $0x2700  }
0x31: {  	[sflag:s11] =	ssyncset.done @p0 $0x0  }
0x32: {  	[sflag:s11] =	ssyncadd.s32 @p0 $0xFFFFD900;
	s11 =	simm.s32 @!p0 $0xFA0  }
0x33: {  	[spmem:s9] =	stream.linear.scatter @!p0 [tilespmem:s11], [sflag:$0x3], $0x5000, $0x38;
	[tilespmem:$0x1BD50] =	vst v63  }
0x34: {  	s11 =	simm.s32 @!p0 $0x3  }
0x35: {  	_ =	swait.ge @!p0 [sflag:s11], $0x5000  }
0x36: {  	[sflag:s11] =	ssyncset.done @!p0 $0x0  }
0x37: {  	s13 =	simm.s32 @!p0 $0x109A0;
	[sflag:s11] =	ssyncadd.s32 @!p0 $0xFFFFB000  }
0x38: {  	[spmem:s10] =	stream.linear.scatter @!p0 [tilespmem:s13], [sflag:$0x3], $0x2800, $0x38;
	[tilespmem:$0x1BD50] =	vst v63  }
0x39: {  	_ =	swait.ge @!p0 [sflag:s11], $0x2800  }
0x3a: {  	[sflag:s11] =	ssyncset.done @!p0 $0x0  }
0x3b: {  	s13 =	simm.s32 $0x0;
	[sflag:s11] =	ssyncadd.s32 @!p0 $0xFFFFD800;
	s11 =	simm.s32 $0x40  }
.LBB2_4:
0x3c: {  	p1 =	sne.s32 s11, $0xF9C0;
	[tilespmem:s13+$0x109A0] =	vst v1;
	s13 =	smov.u32 s11;
	s11 =	sadd.s32 $0x40, s11  }
.Ltmp1:
0x3d: {  	(pc) =	sbr.rel @p1 .LBB2_4-.Ltmp1, $2  }
0x3e: {  	_ =	sdelay $0x2  }
0x3f: {  	s13 =	sshra.s32 s13, $0x2  }
0x40: {  	[tilespmem:s13+$0x109A0] =	vst v1  }
0x41: {  	[bflag:$0x0] =	sbarrier.arrive $0xFFFF  }
0x42: {  	s11 =	simm.s32 $0x0;
	s16 =	rddreg [dreg:$0x7]  }
0x43: {  	[tilespmem:s11], [sflag:$0x3] =	stream.linear.gather [hbm4b:s16+s11], $0x3E8, $0x38;
	[tilespmem:$0x1BD50] =	vst v63  }
0x44: {  	_ =	swait.ge [sflag:s26], $0x3E8  }
0x45: {  	[sflag:s26] =	ssyncset.done $0x0  }
0x46: {  	s17 =	rddreg [dreg:$0x8];
	[sflag:s26] =	ssyncadd.s32 $0xFFFFFC18  }
0x47: {  	[tilespmem:s28], [sflag:$0x3] =	stream.linear.gather [hbm4b:s17+s11], $0x3E8, $0x38;
	[tilespmem:$0x1BD50] =	vst v63  }
0x48: {  	_ =	swait.ge [sflag:s26], $0x3E8  }
0x49: {  	[sflag:s26] =	ssyncset.done $0x0  }
0x4a: {  	[sflag:s26] =	ssyncadd.s32 $0xFFFFFC18  }
0x4b: {  	[tilespmem:s30], [sflag:$0x1] =	stream.indirect.gather [hbm4b:s1+s29], $0x20, s11, s29, $0xb8;
	[tilespmem:$0x1BD50] =	vst v63  }
0x4c: {  	s14 =	sadd.s32 $0x0, s22  }
0x4d: {  	[tilespmem:s29], [sflag:$0x3] =	stream.linear.gather [hbm4b:s14+s5], $0x3E8, $0x38;
	[tilespmem:$0x1BD50] =	vst v63  }
0x4e: {  	_ =	swait.ge [sflag:s26], $0x3E8  }
0x4f: {  	[sflag:s26] =	ssyncset.done $0x0  }
0x50: {  	s15 =	sadd.s32 $0x0, s23;
	[sflag:s26] =	ssyncadd.s32 $0xFFFFFC18  }
0x51: {  	[tilespmem:s31], [sflag:$0x3] =	stream.linear.gather [hbm4b:s15+s5], $0x3E8, $0x38;
	[tilespmem:$0x1BD50] =	vst v63  }
0x52: {  	_ =	swait.ge [sflag:s26], $0x3E8  }
0x53: {  	[sflag:s26] =	ssyncset.done $0x0  }
0x54: {  	[sflag:s26] =	ssyncadd.s32 $0xFFFFFC18  }
0x55: {  	[tilespmem:s0], [sflag:$0x2] =	stream.indirect.gather [hbm4b:s1+s29], $0x20, s29, s29, $0xb8;
	[tilespmem:$0x1BD50] =	vst v63  }
0x56: {  	_ =	swait.ge [sflag:s4], $0x7D00  }
0x57: {  	[sflag:s4] =	ssyncset.done $0x0  }
0x58: {  	[sflag:s4] =	ssyncadd.s32 $0xFFFF8300  }
0x59: {  	[spmem:s2] =	stream.indirect.scatter.add.f32 [tilespmem:s30], [sflag:$0x3], $0x20, s28, s29, $0xb8;
	[tilespmem:$0x1BD50] =	vst v63  }
0x5a: {  	_ =	swait.ge [sflag:s26], $0x7D00  }
0x5b: {  	[sflag:s26] =	ssyncset.done $0x0  }
0x5c: {  	[sflag:s26] =	ssyncadd.s32 $0xFFFF8300  }
0x5d: {  	[spmem:s3] =	stream.indirect.scatter.add.f32 [tilespmem:s7], [sflag:$0x3], $0x10, s28, s29, $0xb8;
	[tilespmem:$0x1BD50] =	vst v63  }
0x5e: {  	_ =	swait.ge [sflag:s26], $0x3E80  }
0x5f: {  	s16 =	sshrl.u32 s20, $0x3;
	[sflag:s26] =	ssyncset.done $0x0  }
0x60: {  	s11 =	sadd.s32 s6, s16;
	[sflag:s26] =	ssyncadd.s32 $0xFFFFC180  }
0x61: {  	[tilespmem:s5], [sflag:$0x3] =	stream.linear.gather [hbm4b:s11+s5], $0x3E8, $0x38;
	[tilespmem:$0x1BD50] =	vst v63  }
0x62: {  	_ =	swait.ge [sflag:s26], $0x3E8  }
0x63: {  	[sflag:s26] =	ssyncset.done $0x0  }
0x64: {  	s17 =	sadd.s32 $0x0, s21;
	[sflag:s26] =	ssyncadd.s32 $0xFFFFFC18  }
0x65: {  	[tilespmem:s28], [sflag:$0x3] =	stream.linear.gather [hbm4b:s17+s5], $0x3E8, $0x38;
	[tilespmem:$0x1BD50] =	vst v63  }
0x66: {  	_ =	swait.ge [sflag:s26], $0x3E8  }
0x67: {  	[sflag:s26] =	ssyncset.done $0x0  }
0x68: {  	[sflag:s26] =	ssyncadd.s32 $0xFFFFFC18  }
0x69: {  	[tilespmem:s30], [sflag:$0x1] =	stream.indirect.gather [hbm4b:s1+s29], $0x20, s5, s29, $0xb8;
	[tilespmem:$0x1BD50] =	vst v63  }
0x6a: {  	_ =	swait.ge [sflag:s8], $0x7D00  }
0x6b: {  	[sflag:s8] =	ssyncset.done $0x0  }
0x6c: {  	[sflag:s8] =	ssyncadd.s32 $0xFFFF8300  }
0x6d: {  	[spmem:s2] =	stream.indirect.scatter.add.f32 [tilespmem:s0], [sflag:$0x3], $0x20, s31, s29, $0xb8;
	[tilespmem:$0x1BD50] =	vst v63  }
0x6e: {  	_ =	swait.ge [sflag:s26], $0x7D00  }
0x6f: {  	[sflag:s26] =	ssyncset.done $0x0  }
0x70: {  	[sflag:s26] =	ssyncadd.s32 $0xFFFF8300  }
0x71: {  	[spmem:s3] =	stream.indirect.scatter.add.f32 [tilespmem:s7], [sflag:$0x3], $0x10, s31, s29, $0xb8;
	[tilespmem:$0x1BD50] =	vst v63  }
0x72: {  	s13 =	simm.s32 $0xFA;
	_ =	swait.ge [sflag:s26], $0x3E80  }
0x73: {  	s14 =	sadd.s32 $0x7D0, s20;
	s11 =	simm.s32 $0x1F4;
	[sflag:s26] =	ssyncset.done $0x0  }
.LBB2_6:
0x74: {  	s16 =	sadd.s32 s13, s22  }
0x75: {  	[sflag:s26] =	ssyncadd.s32 $0xFFFFC180;
	s17 =	smov.u32 s11;
	s15 =	sadd.s32 $0xFA, s11  }
0x76: {  	[tilespmem:s29], [sflag:$0x3] =	stream.linear.gather [hbm4b:s16+s5], $0x3E8, $0x38;
	[tilespmem:$0x1BD50] =	vst v63  }
0x77: {  	p1 =	sne.s32 s11, $0x2EE;
	_ =	swait.ge [sflag:s26], $0x3E8  }
0x78: {  	[sflag:s26] =	ssyncset.done $0x0  }
0x79: {  	s11 =	sadd.s32 s13, s23;
	[sflag:s26] =	ssyncadd.s32 $0xFFFFFC18  }
0x7a: {  	[tilespmem:s31], [sflag:$0x3] =	stream.linear.gather [hbm4b:s11+s5], $0x3E8, $0x38;
	[tilespmem:$0x1BD50] =	vst v63  }
0x7b: {  	_ =	swait.ge [sflag:s26], $0x3E8  }
0x7c: {  	[sflag:s26] =	ssyncset.done $0x0  }
0x7d: {  	[sflag:s26] =	ssyncadd.s32 $0xFFFFFC18  }
0x7e: {  	[tilespmem:s0], [sflag:$0x2] =	stream.indirect.gather [hbm4b:s1+s29], $0x20, s29, s29, $0xb8;
	[tilespmem:$0x1BD50] =	vst v63  }
0x7f: {  	_ =	swait.ge [sflag:s4], $0x7D00  }
0x80: {  	[sflag:s4] =	ssyncset.done $0x0  }
0x81: {  	[sflag:s4] =	ssyncadd.s32 $0xFFFF8300  }
0x82: {  	[spmem:s2] =	stream.indirect.scatter.add.f32 [tilespmem:s30], [sflag:$0x3], $0x20, s28, s29, $0xb8;
	[tilespmem:$0x1BD50] =	vst v63  }
0x83: {  	_ =	swait.ge [sflag:s26], $0x7D00  }
0x84: {  	[sflag:s26] =	ssyncset.done $0x0  }
0x85: {  	[sflag:s26] =	ssyncadd.s32 $0xFFFF8300  }
0x86: {  	[spmem:s3] =	stream.indirect.scatter.add.f32 [tilespmem:s7], [sflag:$0x3], $0x10, s28, s29, $0xb8;
	[tilespmem:$0x1BD50] =	vst v63  }
0x87: {  	_ =	swait.ge [sflag:s26], $0x3E80  }
0x88: {  	s11 =	sshrl.u32 s14, $0x3;
	[sflag:s26] =	ssyncset.done $0x0  }
0x89: {  	s11 =	sadd.s32 s6, s11;
	[sflag:s26] =	ssyncadd.s32 $0xFFFFC180  }
0x8a: {  	[tilespmem:s5], [sflag:$0x3] =	stream.linear.gather [hbm4b:s11+s5], $0x3E8, $0x38;
	[tilespmem:$0x1BD50] =	vst v63  }
0x8b: {  	_ =	swait.ge [sflag:s26], $0x3E8  }
0x8c: {  	[sflag:s26] =	ssyncset.done $0x0  }
0x8d: {  	s11 =	sadd.s32 s13, s21;
	s13 =	smov.u32 s17;
	[sflag:s26] =	ssyncadd.s32 $0xFFFFFC18  }
0x8e: {  	[tilespmem:s28], [sflag:$0x3] =	stream.linear.gather [hbm4b:s11+s5], $0x3E8, $0x38;
	[tilespmem:$0x1BD50] =	vst v63  }
0x8f: {  	_ =	swait.ge [sflag:s26], $0x3E8  }
0x90: {  	[sflag:s26] =	ssyncset.done $0x0  }
0x91: {  	[sflag:s26] =	ssyncadd.s32 $0xFFFFFC18  }
0x92: {  	[tilespmem:s30], [sflag:$0x1] =	stream.indirect.gather [hbm4b:s1+s29], $0x20, s5, s29, $0xb8;
	[tilespmem:$0x1BD50] =	vst v63  }
0x93: {  	_ =	swait.ge [sflag:s8], $0x7D00  }
0x94: {  	[sflag:s8] =	ssyncset.done $0x0  }
0x95: {  	[sflag:s8] =	ssyncadd.s32 $0xFFFF8300  }
0x96: {  	[spmem:s2] =	stream.indirect.scatter.add.f32 [tilespmem:s0], [sflag:$0x3], $0x20, s31, s29, $0xb8;
	[tilespmem:$0x1BD50] =	vst v63  }
0x97: {  	_ =	swait.ge [sflag:s26], $0x7D00  }
.Ltmp2:
0x98: {  	[sflag:s26] =	ssyncset.done $0x0;
	(pc) =	sbr.rel @p1 .LBB2_6-.Ltmp2, $4  }
0x99: {  	[sflag:s26] =	ssyncadd.s32 $0xFFFF8300  }
0x9a: {  	[spmem:s3] =	stream.indirect.scatter.add.f32 [tilespmem:s7], [sflag:$0x3], $0x10, s31, s29, $0xb8;
	[tilespmem:$0x1BD50] =	vst v63  }
0x9b: {  	_ =	swait.ge [sflag:s26], $0x3E80  }
0x9c: {  	s14 =	sadd.s32 $0x7D0, s14;
	s11 =	smov.u32 s15;
	[sflag:s26] =	ssyncset.done $0x0  }
0x9d: {  	s11 =	sadd.s32 s13, s22;
	[sflag:s26] =	ssyncadd.s32 $0xFFFFC180  }
0x9e: {  	[tilespmem:s29], [sflag:$0x3] =	stream.linear.gather [hbm4b:s11+s5], $0x3E8, $0x38;
	[tilespmem:$0x1BD50] =	vst v63  }
0x9f: {  	_ =	swait.ge [sflag:s26], $0x3E8  }
0xa0: {  	[sflag:s26] =	ssyncset.done $0x0  }
0xa1: {  	s17 =	sadd.s32 s13, s23;
	[sflag:s26] =	ssyncadd.s32 $0xFFFFFC18  }
0xa2: {  	[tilespmem:s31], [sflag:$0x3] =	stream.linear.gather [hbm4b:s17+s5], $0x3E8, $0x38;
	[tilespmem:$0x1BD50] =	vst v63  }
0xa3: {  	_ =	swait.ge [sflag:s26], $0x3E8  }
0xa4: {  	[sflag:s26] =	ssyncset.done $0x0  }
0xa5: {  	[sflag:s26] =	ssyncadd.s32 $0xFFFFFC18  }
0xa6: {  	[tilespmem:s0], [sflag:$0x2] =	stream.indirect.gather [hbm4b:s1+s29], $0x20, s29, s29, $0xb8;
	[tilespmem:$0x1BD50] =	vst v63  }
0xa7: {  	_ =	swait.ge [sflag:s4], $0x7D00  }
0xa8: {  	[sflag:s4] =	ssyncset.done $0x0  }
0xa9: {  	[sflag:s4] =	ssyncadd.s32 $0xFFFF8300  }
0xaa: {  	[spmem:s2] =	stream.indirect.scatter.add.f32 [tilespmem:s30], [sflag:$0x3], $0x20, s28, s29, $0xb8;
	[tilespmem:$0x1BD50] =	vst v63  }
0xab: {  	_ =	swait.ge [sflag:s26], $0x7D00  }
0xac: {  	[sflag:s26] =	ssyncset.done $0x0  }
0xad: {  	[sflag:s26] =	ssyncadd.s32 $0xFFFF8300  }
0xae: {  	[spmem:s3] =	stream.indirect.scatter.add.f32 [tilespmem:s7], [sflag:$0x3], $0x10, s28, s29, $0xb8;
	[tilespmem:$0x1BD50] =	vst v63  }
0xaf: {  	_ =	swait.ge [sflag:s26], $0x3E80  }
0xb0: {  	s15 =	sshrl.u32 s14, $0x3;
	[sflag:s26] =	ssyncset.done $0x0  }
0xb1: {  	s11 =	sadd.s32 s6, s15;
	[sflag:s26] =	ssyncadd.s32 $0xFFFFC180  }
0xb2: {  	[tilespmem:s5], [sflag:$0x3] =	stream.linear.gather [hbm4b:s11+s5], $0x3E8, $0x38;
	[tilespmem:$0x1BD50] =	vst v63  }
0xb3: {  	_ =	swait.ge [sflag:s26], $0x3E8  }
0xb4: {  	[sflag:s26] =	ssyncset.done $0x0  }
0xb5: {  	s16 =	sadd.s32 s13, s21;
	[sflag:s26] =	ssyncadd.s32 $0xFFFFFC18  }
0xb6: {  	[tilespmem:s28], [sflag:$0x3] =	stream.linear.gather [hbm4b:s16+s5], $0x3E8, $0x38;
	[tilespmem:$0x1BD50] =	vst v63  }
0xb7: {  	_ =	swait.ge [sflag:s26], $0x3E8  }
0xb8: {  	[sflag:s26] =	ssyncset.done $0x0  }
0xb9: {  	[sflag:s26] =	ssyncadd.s32 $0xFFFFFC18  }
0xba: {  	[tilespmem:s30], [sflag:$0x1] =	stream.indirect.gather [hbm4b:s1+s29], $0x20, s5, s29, $0xb8;
	[tilespmem:$0x1BD50] =	vst v63  }
0xbb: {  	_ =	swait.ge [sflag:s8], $0x7D00  }
0xbc: {  	[sflag:s8] =	ssyncset.done $0x0  }
0xbd: {  	[sflag:s8] =	ssyncadd.s32 $0xFFFF8300  }
0xbe: {  	[spmem:s2] =	stream.indirect.scatter.add.f32 [tilespmem:s0], [sflag:$0x3], $0x20, s31, s29, $0xb8;
	[tilespmem:$0x1BD50] =	vst v63  }
0xbf: {  	_ =	swait.ge [sflag:s26], $0x7D00  }
0xc0: {  	[sflag:s26] =	ssyncset.done $0x0  }
0xc1: {  	[sflag:s26] =	ssyncadd.s32 $0xFFFF8300  }
0xc2: {  	[spmem:s3] =	stream.indirect.scatter.add.f32 [tilespmem:s7], [sflag:$0x3], $0x10, s31, s29, $0xb8;
	[tilespmem:$0x1BD50] =	vst v63  }
0xc3: {  	_ =	swait.ge [sflag:s26], $0x3E80  }
0xc4: {  	[sflag:s26] =	ssyncset.done $0x0  }
0xc5: {  	[sflag:s26] =	ssyncadd.s32 $0xFFFFC180  }
0xc6: {  	[tilespmem:s29], [sflag:$0x3] =	stream.linear.gather [hbm4b:s18+s5], $0x3E8, $0x38;
	[tilespmem:$0x1BD50] =	vst v63  }
0xc7: {  	_ =	swait.ge [sflag:s26], $0x3E8  }
0xc8: {  	[sflag:s26] =	ssyncset.done $0x0  }
0xc9: {  	[sflag:s26] =	ssyncadd.s32 $0xFFFFFC18  }
0xca: {  	[tilespmem:s31], [sflag:$0x3] =	stream.linear.gather [hbm4b:s19+s5], $0x3E8, $0x38;
	[tilespmem:$0x1BD50] =	vst v63  }
0xcb: {  	_ =	swait.ge [sflag:s26], $0x3E8  }
0xcc: {  	[sflag:s26] =	ssyncset.done $0x0  }
0xcd: {  	[sflag:s26] =	ssyncadd.s32 $0xFFFFFC18  }
0xce: {  	[tilespmem:s0], [sflag:$0x2] =	stream.indirect.gather [hbm4b:s1+s29], $0x20, s29, s29, $0xb8;
	[tilespmem:$0x1BD50] =	vst v63  }
0xcf: {  	_ =	swait.ge [sflag:s4], $0x7D00  }
0xd0: {  	[sflag:s4] =	ssyncset.done $0x0  }
0xd1: {  	[sflag:s4] =	ssyncadd.s32 $0xFFFF8300  }
0xd2: {  	[spmem:s2] =	stream.indirect.scatter.add.f32 [tilespmem:s30], [sflag:$0x3], $0x20, s28, s29, $0xb8;
	[tilespmem:$0x1BD50] =	vst v63  }
0xd3: {  	_ =	swait.ge [sflag:s26], $0x7D00  }
0xd4: {  	[sflag:s26] =	ssyncset.done $0x0  }
0xd5: {  	[sflag:s26] =	ssyncadd.s32 $0xFFFF8300  }
0xd6: {  	[spmem:s3] =	stream.indirect.scatter.add.f32 [tilespmem:s7], [sflag:$0x3], $0x10, s28, s29, $0xb8;
	[tilespmem:$0x1BD50] =	vst v63  }
0xd7: {  	_ =	swait.ge [sflag:s26], $0x3E80  }
0xd8: {  	[sflag:s26] =	ssyncset.done $0x0  }
0xd9: {  	[sflag:s26] =	ssyncadd.s32 $0xFFFFC180  }
0xda: {  	_ =	swait.ge [sflag:s8], $0x7D00  }
0xdb: {  	[sflag:s8] =	ssyncset.done $0x0  }
0xdc: {  	[sflag:s8] =	ssyncadd.s32 $0xFFFF8300  }
0xdd: {  	[spmem:s2] =	stream.indirect.scatter.add.f32 [tilespmem:s0], [sflag:$0x3], $0x20, s31, s29, $0xb8;
	[tilespmem:$0x1BD50] =	vst v63  }
0xde: {  	_ =	swait.ge [sflag:s26], $0x7D00  }
0xdf: {  	[sflag:s26] =	ssyncset.done $0x0  }
0xe0: {  	[sflag:s26] =	ssyncadd.s32 $0xFFFF8300  }
0xe1: {  	[spmem:s3] =	stream.indirect.scatter.add.f32 [tilespmem:s7], [sflag:$0x3], $0x10, s31, s29, $0xb8;
	[tilespmem:$0x1BD50] =	vst v63  }
0xe2: {  	_ =	swait.ge [sflag:s26], $0x3E80  }
0xe3: {  	[sflag:s26] =	ssyncset.done $0x0  }
0xe4: {  	s11 =	stileid.u32;
	[sflag:s26] =	ssyncadd.s32 $0xFFFFC180  }
0xe5: {  	s11 =	sshll.u32 @p0 s11, $0x6;
	[bflag:$0x0] =	sbarrier.arrive $0xFFFF  }
0xe6: {  	s11 =	sor.u32 @p0 $0x1C03, s11;
	s13 =	rddreg [dreg:$0x9]  }
0xe7: {  	[hbm:s13], [sflag:s11] =	dma.local @p0 [spmem:s24], $0x9C0  }
0xe8: {  	s13 =	simm.s32 @p0 $0x3  }
0xe9: {  	_ =	swait.ge @p0 [sflag:s13], $0x9C0  }
0xea: {  	[sflag:s13] =	ssyncset.done @p0 $0x0  }
0xeb: {  	s14 =	rddreg [dreg:$0xa];
	[sflag:s13] =	ssyncadd.s32 @p0 $0xFFFFF640  }
0xec: {  	[hbm:s14], [sflag:s11] =	dma.local @p0 [spmem:s25], $0x4E0  }
0xed: {  	_ =	swait.ge @p0 [sflag:s13], $0x4E0  }
0xee: {  	s11 =	sshrl.u32 @!p0 s9, $0x3;
	[sflag:s13] =	ssyncset.done @p0 $0x0  }
0xef: {  	s14 =	rddreg [dreg:$0xb];
	[sflag:s13] =	ssyncadd.s32 @p0 $0xFFFFFB20;
	s13 =	simm.s32 @!p0 $0x1FC3  }
0xf0: {  	[hbm:s14], [sflag:s13] =	dma.local @!p0 [spmem:s11], $0xA00  }
0xf1: {  	s11 =	simm.s32 @!p0 $0x3  }
0xf2: {  	_ =	swait.ge @!p0 [sflag:s11], $0xA00  }
0xf3: {  	[sflag:s11] =	ssyncset.done @!p0 $0x0  }
0xf4: {  	s14 =	sshrl.u32 @!p0 s10, $0x3;
	s15 =	rddreg [dreg:$0xc];
	[sflag:s11] =	ssyncadd.s32 @!p0 $0xFFFFF600  }
0xf5: {  	[hbm:s15], [sflag:s13] =	dma.local @!p0 [spmem:s14], $0x500  }
0xf6: {  	_ =	swait.ge @!p0 [sflag:s11], $0x500  }
0xf7: {  	s12 =	sadd.s32 $0x1, s12;
	s17 =	rddreg [dreg:$0xd]  }
0xf8: {  	p1 =	sne.s32 s12, s17  }
.Ltmp3:
0xf9: {  	_ = 	snop;
	(pc) =	sbr.rel @p1 .LBB2_1-.Ltmp3, $3  }
0xfa: {  	_ =	sdelay $0x1  }
0xfb: {  	[sflag:s11] =	ssyncset.done @!p0 $0x0  }
0xfc: {  	[sflag:s11] =	ssyncadd.s32 @!p0 $0xFFFFFB00  }
0xfd: {  	_ =	sfence.sel $0x180000  }
0xfe: {  	[bflag:$0x0] =	sbarrier.arrive $0xFFFF  }
0xff: {  	_ =	strace $0x90000047  }
0x100: {  	s0 =	stileid.u32;
	[bflag:$0x2] =	sbarrier.arrive $0xFFFF  }
0x101: {  	p0 =	sne.s32 s0, $0x0;
	s0 =	rddreg [dreg:$0x4]  }
0x102: {  	s0 =	sadd.s32 @!p0 $0x100000, s0  }
0x103: {  	[sflag:s0] =	ssyncadd.tile.s32 @!p0 $0x1;
	_ =	shalt  }
.Lfunc_end2:
_tile_overlayer_lowered:
.L_overlay_start_2:
0x104: {  	(tag) =	ssettag $0x2  }
0x105: {  	s0 =	rddreg [dreg:$0x0];
	s2 =	stileid.u32  }
0x106: {  	s1 =	rddreg [dreg:$0x1];
	p0 =	sne.s32 s2, $0x0  }
0x107: {  	s3 =	rddreg [dreg:$0x2];
	[bflag:$0x3] =	sbarrier.arrive $0xFFFF;
	s2 =	simm.s32 @!p0 $0x1C03  }
0x108: {  	[timem:s3], [sflag:s2] =	dma.local @!p0 [hbm:s0], s1  }
0x109: {  	s0 =	simm.s32 @!p0 $0x3  }
0x10a: {  	_ =	swait.ge @!p0 [sflag:s0], s1  }
0x10b: {  	s1 =	ssub.s32 @!p0 $0x0, s1;
	[sflag:s0] =	ssyncset.done @!p0 $0x0  }
0x10c: {  	[sflag:s0] =	ssyncadd.s32 @!p0 s1  }
0x10d: {  	[bflag:$0x3] =	sbarrier.arrive $0xFFFF  }
0x10e: {  	_ =	shalt  }

// kernel: sage_sc_pass2.3.cloned.1.call-start
scs
__scs_entry_jumppad:
0x0: {  	(pc) =	sbr.rel $0x88, $3  }
0x1: {  	(tag) =	ssettag $0x0;
	lr =	simm.s32 $0x1  }
0x2: {  	[smem:$0x3F99] =	sst lr;
	_ =	strace $0xD0000000  }
0x3: {  	_ = 	snop  }
0x4: {  	_ = 	snop  }
0x5: {  	_ = 	snop  }
0x6: {  	_ = 	snop  }
0x7: {  	_ = 	snop  }
__scs_overlays_trampoline_lowered:
0x8: {  	[smem:$0x3FA8] =	sst s0  }
0x9: {  	[smem:$0x3FA9] =	sst s1  }
0xa: {  	[smem:$0x3FAA] =	sst s2  }
0xb: {  	[smem:$0x3FAB] =	sst s3  }
0xc: {  	[smem:$0x3FAC] =	sst s4  }
0xd: {  	[smem:$0x3FAD] =	sst s5  }
0xe: {  	[smem:$0x3FAE] =	sst s6  }
0xf: {  	[smem:$0x3FAF] =	sst s7  }
0x10: {  	[smem:$0x3FB0] =	sst s8  }
0x11: {  	[smem:$0x3FB1] =	sst s9;
	s0 =	simm.s32 @!p0 $0x0  }
0x12: {  	s1 =	sld [smem:$0x3F97];
	s0 =	simm.s32 @p0 $0x1  }
0x13: {  	[smem:$0x3FB2] =	sst s0;
	s0 =	simm.s32 @!p1 $0x0  }
0x14: {  	s2 =	sld [smem:$0x3F96];
	s0 =	simm.s32 @p1 $0x1  }
0x15: {  	[smem:$0x3FB3] =	sst s0;
	s0 =	simm.s32 @!p2 $0x0  }
0x16: {  	s3 =	sld [smem:$0x3FDB];
	s0 =	simm.s32 @p2 $0x1  }
0x17: {  	s4 =	simm.s32 $0x1BF5;
	[smem:$0x3FB5] =	sst s0  }
0x18: {  	s0 =	sld [smem:$0x3F98];
	_ =	swait.ge [sflag:s4], $0x0  }
0x19: {  	s7 =	sld [smem:$0x3F99]  }
0x1a: {  	s8 =	sadd.s32 $0xFFFFE003, lr  }
0x1b: {  	s9 =	sadd.s32 $0xFFFFFEF7, lr;
	s5 =	simm.s32 $0xFFFFFFFF;
	p2 =	slt.u32 s8, $0xFFFFF086  }
0x1c: {  	p1 =	slt.u32 s9, $0xF7A;
	s5 =	simm.s32 @!p2 $0x0  }
0x1d: {  	s5 =	simm.s32 @p1 $0x1;
	p0 =	seq.s32 s7, s2  }
0x1e: {  	s7 =	smul.u32 @!p0 $0xF7A, s2;
	p2 =	seq.s32 @!p0 s5, $0x0  }
0x1f: {  	s9 =	smul.u32 $0xF7A, s1;
	s8 =	simm.s32 @!p0 $0x1BF5;
	p2 =	por !p2, p0  }
0x20: {  	[sflag:s8] =	ssyncset.s32 @!p0 $0xFFFFF086;
	s6 =	sadd.s32 @!p0 s3, s7;
	s7 =	simm.s32 @!p0 $0x108  }
0x21: {  	s3 =	sadd.s32 s3, s9;
	s6 =	sadd.s32 @!p0 $0x88, s6;
	s7 =	simm.s32 @p2 $0x1082  }
0x22: {  	[simem:s7], [sflag:s8] =	dma.local @!p0 [hbm:s6], $0xF7A  }
0x23: {  	s9 =	sor.u32 $0xD0000000, s2;
	s6 =	simm.s32 $0x108;
	_ =	swait.ge @!p0 [sflag:s8], $0x0  }
0x24: {  	s3 =	sadd.s32 $0x88, s3;
	s6 =	simm.s32 @!p1 $0x1082;
	[sflag:s4] =	ssyncset.s32 $0xFFFFF086  }
0x25: {  	[simem:s6], [sflag:s4] =	dma.local [hbm:s3], $0xF7A  }
0x26: {  	[smem:$0x3F99] =	sst s1;
	(tag) =	ssettag s2;
	_ =	strace s9  }
0x27: {  	s1 =	sld [smem:$0x3FA9]  }
0x28: {  	s2 =	sld [smem:$0x3FAA]  }
0x29: {  	s4 =	sld [smem:$0x3FAC]  }
0x2a: {  	p0 =	seq.s32 s5, $0x0;
	s5 =	sld [smem:$0x3FAD]  }
0x2b: {  	s6 =	sld [smem:$0x3FAE]  }
0x2c: {  	s7 =	sld [smem:$0x3FAF]  }
0x2d: {  	s3 =	simm.s32 $0x108;
	s8 =	sld [smem:$0x3FB0]  }
0x2e: {  	s3 =	simm.s32 @!p0 $0x1082;
	s9 =	sld [smem:$0x3FB1]  }
0x2f: {  	lr =	sadd.s32 s0, s3;
	s0 =	sld [smem:$0x3FA8]  }
0x30: {  	s3 =	sld [smem:$0x3FAB]  }
0x31: {  	[smem:$0x3FB4] =	sst s10  }
0x32: {  	s10 =	sld [smem:$0x3FB2];
	_ =	sdelay $0x3  }
0x33: {  	p0 =	seq.s32 s10, $0x1;
	s10 =	sld [smem:$0x3FB4];
	_ =	sdelay $0x3  }
0x34: {  	[smem:$0x3FB4] =	sst s10  }
0x35: {  	s10 =	sld [smem:$0x3FB3];
	_ =	sdelay $0x3  }
0x36: {  	p1 =	seq.s32 s10, $0x1;
	s10 =	sld [smem:$0x3FB4];
	_ =	sdelay $0x3  }
0x37: {  	[smem:$0x3FB4] =	sst s10  }
0x38: {  	s10 =	sld [smem:$0x3FB5]  }
0x39: {  	_ = 	snop;
	(pc) =	sbr.ind lr, $3  }
0x3a: {  	_ = 	snop  }
0x3b: {  	_ = 	snop  }
0x3c: {  	p2 =	seq.s32 s10, $0x1;
	s10 =	sld [smem:$0x3FB4]  }
0x3d: {  	_ =	shalt  }
0x3e: {  	_ =	shalt  }
0x3f: {  	_ =	shalt  }
0x40: {  	_ =	shalt  }
0x41: {  	_ =	shalt  }
0x42: {  	_ =	shalt  }
0x43: {  	_ =	shalt  }
0x44: {  	_ =	shalt  }
0x45: {  	_ =	shalt  }
0x46: {  	_ =	shalt  }
0x47: {  	_ =	shalt  }
0x48: {  	_ =	shalt  }
0x49: {  	_ =	shalt  }
0x4a: {  	_ =	shalt  }
0x4b: {  	_ =	shalt  }
0x4c: {  	_ =	shalt  }
0x4d: {  	_ =	shalt  }
0x4e: {  	_ =	shalt  }
0x4f: {  	_ =	shalt  }
0x50: {  	_ =	shalt  }
0x51: {  	_ =	shalt  }
0x52: {  	_ =	shalt  }
0x53: {  	_ =	shalt  }
0x54: {  	_ =	shalt  }
0x55: {  	_ =	shalt  }
0x56: {  	_ =	shalt  }
0x57: {  	_ =	shalt  }
0x58: {  	_ =	shalt  }
0x59: {  	_ =	shalt  }
0x5a: {  	_ =	shalt  }
0x5b: {  	_ =	shalt  }
0x5c: {  	_ =	shalt  }
0x5d: {  	_ =	shalt  }
0x5e: {  	_ =	shalt  }
0x5f: {  	_ =	shalt  }
0x60: {  	_ =	shalt  }
0x61: {  	_ =	shalt  }
0x62: {  	_ =	shalt  }
0x63: {  	_ =	shalt  }
0x64: {  	_ =	shalt  }
0x65: {  	_ =	shalt  }
0x66: {  	_ =	shalt  }
0x67: {  	_ =	shalt  }
0x68: {  	_ =	shalt  }
0x69: {  	_ =	shalt  }
0x6a: {  	_ =	shalt  }
0x6b: {  	_ =	shalt  }
0x6c: {  	_ =	shalt  }
0x6d: {  	_ =	shalt  }
0x6e: {  	_ =	shalt  }
0x6f: {  	_ =	shalt  }
0x70: {  	_ =	shalt  }
0x71: {  	_ =	shalt  }
0x72: {  	_ =	shalt  }
0x73: {  	_ =	shalt  }
0x74: {  	_ =	shalt  }
0x75: {  	_ =	shalt  }
0x76: {  	_ =	shalt  }
0x77: {  	_ =	shalt  }
0x78: {  	_ =	shalt  }
0x79: {  	_ =	shalt  }
0x7a: {  	_ =	shalt  }
0x7b: {  	_ =	shalt  }
0x7c: {  	_ =	shalt  }
0x7d: {  	_ =	shalt  }
0x7e: {  	_ =	shalt  }
0x7f: {  	_ =	shalt  }
0x80: {  	_ =	shalt  }
0x81: {  	_ =	shalt  }
0x82: {  	_ =	shalt  }
0x83: {  	_ =	shalt  }
0x84: {  	_ =	shalt  }
0x85: {  	_ =	shalt  }
0x86: {  	_ =	shalt  }
0x87: {  	_ =	shalt  }
.Lfunc_end0:
.L_simem_size_0:
called_computation.1_lowered:
.L_overlay_start_0:
0x88: {  	s2 =	sld [smem:$0x3FD9]  }
0x89: {  	s3 =	sld [smem:$0x3FFE];
	_ =	sdelay $0x1  }
0x8a: {  	s1 =	srdreg.scid  }
0x8b: {  	s0 =	sand.u32 $0x1, s1  }
0x8c: {  	s16 =	sshll.u32 s0, $0xA;
	s2 =	sadd.s32 s3, s2  }
0x8d: {  	s2 =	sadd.s32 s2, s16  }
0x8e: {  	[smem:$0x3FC0] =	sst s2  }
0x8f: {  	_ = 	snop  }
0x90: {  	(tm) =	ssettm $0x1  }
0x91: {  	s17 =	sld [smem:$0x3FFB];
	_ =	sdelay $0x3  }
0x92: {  	_ =	strace s17  }
0x93: {  	s2 =	sld [smem:$0x3FFC];
	_ =	sdelay $0x3  }
0x94: {  	_ =	strace s2  }
0x95: {  	s2 =	sld [smem:$0x3FFD];
	_ =	sdelay $0x3  }
0x96: {  	_ =	strace s2  }
0x97: {  	_ =	strace $0x8FFFFFFF  }
0x98: {  	s18 =	sld [smem:$0x3FDB];
	_ =	sdelay $0x1  }
0x99: {  	s19 =	simm.s32 $_scs_section_size  }
0x9a: {  	s4 =	simm.s32 $_size__tile_overlayer_lowered;
	s5 =	simm.s32 $_tile_overlayer_lowered  }
0x9b: {  	s22 =	simm.s32 $0x1BFF;
	s21 =	sshll.u32 s5, $0x1;
	s2 =	sadd.s32 s19, s18  }
0x9c: {  	s6 =	simm.s32 $0x0;
	s20 =	sshll.u32 s4, $0x1;
	s4 =	sadd.s32 s21, s2  }
0x9d: {  	[timem:s6], [sflag:s22] =	dma.local [hbm:s4], s20  }
0x9e: {  	_ =	swait.ge [sflag:s22], s20  }
0x9f: {  	s3 =	ssub.s32 $0x0, s20;
	[sflag:s22] =	ssyncset.done $0x0  }
0xa0: {  	[sflag:s22] =	ssyncadd.s32 s3;
	_ =	sdelay $0x1  }
0xa1: {  	s23 =	simm.s32 $0x1B8B  }
0xa2: {  	_ =	swait.ge [sflag:s23], $0x1  }
0xa3: {  	[sflag:s23] =	ssyncset.done $0x0  }
0xa4: {  	s25 =	simm.s32 $0x1B8E;
	s24 =	sld [smem:$0x3FFE];
	[sflag:s23] =	ssyncadd.s32 $0xFFFFFFFF  }
0xa5: {  	s26 =	simm.s32 $execute0_lowered;
	[smem:$0x3FD2] =	sst s25  }
0xa6: {  	s4 =	sshll.u32 s26, $0x1;
	_ =	strace $0x80000049;
	[dreg:$0x1] =	wrdreg $0xFFFFFFFF  }
0xa7: {  	s28 =	simm.s32 $_size_execute0_lowered;
	s2 =	sadd.s32 s2, s4;
	[dreg:$0x0] =	wrdreg $0x0  }
0xa8: {  	s4 =	sshll.u32 s28, $0x1;
	[dreg:$0x2] =	wrdreg s2  }
0xa9: {  	[dreg:$0x3] =	wrdreg s4  }
0xaa: {  	[dreg:$0x4] =	wrdreg $0xC0  }
0xab: {  	_ =	task [dreg:s6], $0x5FFFF  }
0xac: {  	[dreg:$0x1] =	wrdreg $0xFFFFFFFF  }
0xad: {  	[dreg:$0x0] =	wrdreg $0x60  }
0xae: {  	[dreg:$0x2] =	wrdreg s24  }
0xaf: {  	[dreg:$0x3] =	wrdreg $0x1A9A00  }
0xb0: {  	[dreg:$0x4] =	wrdreg $0x9  }
0xb1: {  	_ =	task.clear_ibuf [dreg:s6], $0x5FFFF;
	_ =	strace $0x90000049  }
0xb2: {  	s29 =	simm.s32 $0x9;
	_ =	strace $0x8000004B  }
0xb3: {  	_ =	swait.ge [sflag:s29], $0x1  }
0xb4: {  	[sflag:s29] =	ssyncadd.s32 $0xFFFFFFFF  }
0xb5: {  	_ =	strace $0x9000004B  }
0xb6: {  	_ =	sfence  }
0xb7: {  	s30 =	sld [smem:$0x0];
	_ =	sdelay $0x2  }
0xb8: {  	s31 =	sshll.u32 s1, $0xD;
	s1 =	sshrl.u32 s1, $0x2  }
0xb9: {  	s3 =	sand.u32 $0x4000, s31;
	s1 =	sadd.s32 s1, s30  }
0xba: {  	s0 =	sor.u32 s3, s0;
	s1 =	sshll.u32 s1, $0x11  }
0xbb: {  	s0 =	sor.u32 s1, s0  }
0xbc: {  	s0 =	sadd.s32 $0x8F2B, s0  }
0xbd: {  	[sflag:s0] =	ssyncadd.remote.s32 $0x1  }
0xbe: {  	_ =	sfence.sel $0xFFFF  }
0xbf: {  	[dreg:$0x0] =	wrdreg $0xFFFFFFFF;
	(pc) =	sbr.abs _section_cstart, $3  }
0xc0: {  	[dreg:$0x1] =	wrdreg $0xFFFFFFFF  }
0xc1: {  	_ =	task.clear_ibuf [dreg:s6], $0x2FFFF;
	_ =	strace $0x9FFFFFFF  }
0xc2: {  	(tm) =	ssettm $0x7FFFFFFF  }
0xc3: {  	_ =	shalt  }
tec
execute0_lowered:
.L_overlay_start_1:
0x0: {  	(tag) =	ssettag $0x1  }
0x1: {  	s0 =	rddreg [dreg:$0x0]  }
0x2: {  	s2 =	rddreg [dreg:$0x1];
	s15 =	stileid.u32  }
0x3: {  	s3 =	simm.s32 $0x0;
	s6 =	srdreg.scid;
	s1 =	smul.u32 $0x2700, s15  }
0x4: {  	[smem:$0x7FF] =	sst s3;
	s5 =	smul.u32 $0x4E00, s15  }
0x5: {  	s4 =	sadd.s32 $0x2400, s0;
	s6 =	sand.u32 $0x1, s6;
	s9 =	sadd.s32 $0x3D400, s0  }
0x6: {  	s11 =	sshll.u32 s15, $0x1;
	s12 =	sadd.s32 $0x50E00, s0;
	s16 =	sadd.s32 $0x1F040, s0  }
0x7: {  	s17 =	sadd.s32 $0x28C80, s0;
	s19 =	sadd.s32 $0x2E120, s0;
	s20 =	smul.u32 $0x13800, s15  }
0x8: {  	p0 =	sne.s32 s15, $0xF;
	s31 =	sadd.s32 $0x49200, s2;
	_ =	strace $0x8000004A  }
0x9: {  	s8 =	ssub.s32 $0x2, s6;
	s23 =	sor.u32 s6, s11;
	[dreg:$0x8] =	wrdreg s16  }
0xa: {  	s26 =	smul.u32 $0x4E200, s6;
	[dreg:$0x9] =	wrdreg s17;
	s1 =	sshrl.u32 s1, $0x3  }
0xb: {  	[dreg:$0xa] =	wrdreg s19;
	s7 =	sshrl.u32 s5, $0x3;
	s1 =	sadd.s32 s1, s0  }
0xc: {  	s18 =	sadd.s32 s5, s26;
	s11 =	sshrl.u32 s26, $0x3;
	s26 =	sadd.s32 $0x32F40, s0  }
0xd: {  	s7 =	sadd.s32 s7, s0;
	s0 =	sadd.s32 $0x3C840, s0;
	[dreg:$0xf] =	wrdreg s26  }
0xe: {  	s10 =	sshrl.u32 s8, $0x1;
	s24 =	sadd.s32 $0x15E00, s7;
	[dreg:$0x10] =	wrdreg s0  }
0xf: {  	s8 =	ssub.s32 s8, s10;
	s25 =	sadd.s32 $0x1FA40, s7;
	[dreg:$0x3] =	wrdreg s24  }
0x10: {  	s10 =	smul.u32 $0x2710, s23;
	s13 =	sadd.s32 $0x29800, s1;
	[dreg:$0x4] =	wrdreg s25  }
0x11: {  	s23 =	smul.u32 $0x4E20, s15;
	s1 =	sadd.s32 $0x2E620, s1;
	[dreg:$0x5] =	wrdreg s13  }
0x12: {  	s14 =	sadd.s32 $0x33600, s7;
	s22 =	sadd.s32 $0x9240, s11;
	[dreg:$0x6] =	wrdreg s1  }
0x13: {  	s7 =	simm.s32 $0x1;
	[dreg:$0x7] =	wrdreg s14;
	s1 =	sshrl.u32 s18, $0x3  }
0x14: {  	s14 =	sadd.s32 s12, s11;
	s24 =	smul.u32 $0x2710, s6;
	s25 =	sadd.s32 s9, s22  }
0x15: {  	s11 =	sshrl.u32 s10, $0x3;
	s13 =	sadd.s32 $0x2328, s10;
	s16 =	sadd.s32 $0x50528, s10  }
0x16: {  	s6 =	simm.s32 $0x159A0;
	s21 =	sadd.s32 s12, s1;
	[dreg:$0xe] =	wrdreg s25  }
0x17: {  	s10 =	simm.s32 $0x3E8;
	s12 =	sadd.s32 s12, s22;
	[dreg:$0xb] =	wrdreg s21  }
0x18: {  	s1 =	sadd.s32 s9, s1;
	s9 =	sshrl.u32 s20, $0x2;
	[dreg:$0xc] =	wrdreg s12  }
0x19: {  	s0 =	sshrl.u32 s13, $0x3;
	s13 =	simm.s32 $0x0;
	[dreg:$0xd] =	wrdreg s1  }
0x1a: {  	s1 =	sadd.s32 s24, s23;
	s20 =	sadd.s32 s9, s2;
	s21 =	sadd.s32 s4, s11  }
0x1b: {  	s12 =	sadd.s32 s5, s2;
	s23 =	smax.u32 s8, $0x1;
	s5 =	sshrl.u32 s16, $0x3  }
0x1c: {  	s24 =	sadd.s32 s4, s0;
	s8 =	simm.s32 $0x3;
	s9 =	simm.s32 $0x7D0  }
0x1d: {  	s11 =	simm.s32 $0xBB8;
	[dreg:$0x11] =	wrdreg s12;
	s17 =	sadd.s32 $0x4E9D0, s1  }
.Ltmp0:
0x1e: {  	s25 =	sadd.s32 s4, s5;
	s26 =	sadd.s32 $0x7D0, s1;
	(pc) =	sbr.rel .LBB2_1-.Ltmp0, $4  }
0x1f: {  	s19 =	sadd.s32 $0x3E8, s1;
	s1 =	sadd.s32 $0x4E5E8, s1;
	s0 =	sadd.s32 $0x9C40, s21  }
0x20: {  	s5 =	simm.s32 $0x8CA0;
	s12 =	simm.s32 $0x2;
	s18 =	sshrl.u32 s17, $0x3  }
0x21: {  	s22 =	sshrl.u32 s19, $0x3;
	s1 =	sshrl.u32 s1, $0x3;
	s28 =	sadd.s32 s18, s4  }
0x22: {  	v0 =	vimm.f32 $0.0e+00;
	s29 =	sadd.s32 s22, s4;
	s30 =	sadd.s32 s1, s4;
	s1 =	simm.s32 $0xFA0  }
.LBB2_18:
0x23: {  	v2 =	vld [tilespmem:s17+$0x109A0];
	_ =	sdelay $0x4  }
0x24: {  	v1 =	vadd.f32 v1, v2;
	_ =	sdelay $0x1  }
0x25: {  	v1 =	vmax.f32 v1, $1.000000000e+00  }
0x26: {  	(erf) = vrcp.f32 v1;
	_ =	sdelay $0x3  }
0x27: {  	s15 =	sadd.s32 $0x20, s15  }
0x28: {  	v1 =	vld [tilespmem:s15+$0xFFFFFFF0]  }
0x29: {  	v2 =	vld [tilespmem:s15+$0x0];
	_ =	sdelay $0x2  }
0x2a: {  	v3 =	vpop (erf)  }
0x2b: {  	v1 =	vmul.f32 v3, v1  }
0x2c: {  	v2 =	vmul.f32 v3, v2  }
0x2d: {  	[tilespmem:s15+$0xFFFFFFF0] =	vst v1  }
0x2e: {  	s22 =	rddreg [dreg:$0xd];
	[tilespmem:s15+$0x0] =	vst v2  }
0x2f: {  	[hbm4b:s22+s3] =	stream.linear.scatter [tilespmem:s1], [sflag:$0x3], $0x4E00, $0x38;
	[tilespmem:$0x1F7C0] =	vst v63  }
0x30: {  	_ =	swait.ge [sflag:s8], $0x4E00  }
0x31: {  	[sflag:s8] =	ssyncset.done $0x0  }
0x32: {  	[sflag:s8] =	ssyncadd.s32 $0xFFFFB200  }
.LBB2_19:
0x33: {  	s13 =	sadd.s32 $0x1, s13  }
0x34: {  	p1 =	sne.s32 s13, s23  }
.Ltmp1:
0x35: {  	_ = 	snop;
	(pc) =	sbr.rel @!p1 .LBB2_20-.Ltmp1, $1  }
0x36: {  	_ =	sdelay $0x3  }
.LBB2_1:
.Ltmp2:
0x37: {  	(pc) =	sbr.rel @p0 .LBB2_5-.Ltmp2, $2  }
0x38: {  	_ =	sdelay $0x2  }
0x39: {  	s15 =	simm.s32 $0x0  }
0x3a: {  	s16 =	rddreg [dreg:$0x8]  }
0x3b: {  	[tilespmem:s1], [sflag:$0x1] =	stream.linear.gather [hbm4b:s16+s15], $0x5000, $0x38;
	[tilespmem:$0x1F7C0] =	vst v63  }
0x3c: {  	s19 =	rddreg [dreg:$0x9]  }
0x3d: {  	[tilespmem:s5], [sflag:$0x1] =	stream.linear.gather [hbm4b:s19+s15], $0x5000, $0x38;
	[tilespmem:$0x1F7C0] =	vst v63  }
0x3e: {  	s17 =	rddreg [dreg:$0xa];
	s16 =	simm.s32 $0x109A0  }
0x3f: {  	[tilespmem:s16], [sflag:$0x1] =	stream.linear.gather [hbm4b:s17+s15], $0x2800, $0x38;
	[tilespmem:$0x1F7C0] =	vst v63  }
0x40: {  	s18 =	rddreg [dreg:$0xf];
	s17 =	simm.s32 $0x131A0  }
0x41: {  	[tilespmem:s17], [sflag:$0x1] =	stream.linear.gather [hbm4b:s18+s15], $0x2800, $0x38;
	[tilespmem:$0x1F7C0] =	vst v63  }
0x42: {  	s22 =	rddreg [dreg:$0x10]  }
0x43: {  	[tilespmem:s6], [sflag:$0x1] =	stream.linear.gather [hbm4b:s22+s15], $0x5000, $0x38;
	[tilespmem:$0x1F7C0] =	vst v63  }
0x44: {  	_ =	swait.ge [sflag:s7], $0x5000  }
0x45: {  	[sflag:s7] =	ssyncset.done $0x0  }
0x46: {  	[sflag:s7] =	ssyncadd.s32 $0xFFFFB000  }
0x47: {  	_ =	swait.ge [sflag:s7], $0x5000  }
0x48: {  	[sflag:s7] =	ssyncset.done $0x0  }
0x49: {  	[sflag:s7] =	ssyncadd.s32 $0xFFFFB000  }
0x4a: {  	_ =	swait.ge [sflag:s7], $0x2800  }
0x4b: {  	[sflag:s7] =	ssyncset.done $0x0  }
0x4c: {  	[sflag:s7] =	ssyncadd.s32 $0xFFFFD800  }
0x4d: {  	_ =	swait.ge [sflag:s7], $0x2800  }
0x4e: {  	[sflag:s7] =	ssyncset.done $0x0  }
0x4f: {  	[sflag:s7] =	ssyncadd.s32 $0xFFFFD800  }
0x50: {  	_ =	swait.ge [sflag:s7], $0x5000  }
0x51: {  	[sflag:s7] =	ssyncset.done $0x0  }
0x52: {  	[sflag:s7] =	ssyncadd.s32 $0xFFFFB000  }
0x53: {  	v1 =	vld [tilespmem:s17+$0x0]  }
0x54: {  	s18 =	simm.s32 $0x80;
	v2 =	vld [tilespmem:s16+$0x0]  }
.LBB2_3:
0x55: {  	p1 =	seq.s32 s18, $0x13F80;
	_ =	sdelay $0x3  }
0x56: {  	v1 =	vadd.f32 v1, v2;
	_ =	sdelay $0x1  }
0x57: {  	s19 =	sshra.s32 s15, $0x2;
	s15 =	smov.u32 s18;
	v1 =	vmax.f32 v1, $1.000000000e+00  }
0x58: {  	v2 =	vld [tilespmem:s19+$0xFA0];
	(erf) = vrcp.f32 v1  }
0x59: {  	v1 =	vld [tilespmem:s19+$0x8CA0]  }
0x5a: {  	v3 =	vld [tilespmem:s19+$0xFB0]  }
0x5b: {  	v4 =	vld [tilespmem:s19+$0x8CB0];
	_ =	sdelay $0x2  }
0x5c: {  	v5 =	vld [tilespmem:s19+$0x159B0]  }
0x5d: {  	v6 =	vld [tilespmem:s19+$0x159A0]  }
0x5e: {  	v1 =	vadd.f32 v1, v2;
	v2 =	vadd.f32 v4, v3  }
0x5f: {  	v3 =	vpop (erf)  }
0x60: {  	v1 =	vmul.f32 v3, v1;
	v2 =	vmul.f32 v2, v3;
	_ =	sdelay $0x1  }
0x61: {  	v1 =	vadd.f32 v1, v6;
	v2 =	vadd.f32 v2, v5;
	_ =	sdelay $0x1  }
.Ltmp3:
0x62: {  	v1 =	vmax.f32 v1, $0.0e+00;
	v2 =	vmax.f32 v2, $0.0e+00;
	(pc) =	sbr.rel @!p1 .LBB2_3-.Ltmp3, $4  }
0x63: {  	[tilespmem:s19+$0x159A0] =	vst v1  }
0x64: {  	s17 =	sadd.s32 $0x10, s17;
	[tilespmem:s19+$0x159B0] =	vst v2  }
0x65: {  	s16 =	sadd.s32 $0x10, s16;
	v1 =	vld [tilespmem:s17+$0x0]  }
0x66: {  	s18 =	sadd.s32 $0x80, s18;
	v2 =	vld [tilespmem:s16+$0x0]  }
0x67: {  	_ =	sdelay $0x3  }
0x68: {  	v1 =	vadd.f32 v1, v2;
	_ =	sdelay $0x1  }
0x69: {  	v1 =	vmax.f32 v1, $1.000000000e+00  }
0x6a: {  	s15 =	sshra.s32 s15, $0x2;
	(erf) = vrcp.f32 v1  }
0x6b: {  	v3 =	vld [tilespmem:s15+$0xFB0]  }
0x6c: {  	v2 =	vld [tilespmem:s15+$0x8CA0]  }
0x6d: {  	v1 =	vld [tilespmem:s15+$0xFA0]  }
0x6e: {  	v4 =	vld [tilespmem:s15+$0x8CB0];
	_ =	sdelay $0x2  }
0x6f: {  	v5 =	vld [tilespmem:s15+$0x159A0]  }
0x70: {  	v6 =	vld [tilespmem:s15+$0x159B0];
	v1 =	vadd.f32 v2, v1  }
0x71: {  	v2 =	vadd.f32 v4, v3;
	v3 =	vpop (erf)  }
0x72: {  	v1 =	vmul.f32 v3, v1  }
0x73: {  	v2 =	vmul.f32 v2, v3  }
0x74: {  	v1 =	vadd.f32 v1, v5  }
0x75: {  	v2 =	vadd.f32 v2, v6  }
0x76: {  	v1 =	vmax.f32 v1, $0.0e+00  }
0x77: {  	v2 =	vmax.f32 v2, $0.0e+00;
	[tilespmem:s15+$0x159A0] =	vst v1  }
.Ltmp4:
0x78: {  	s22 =	rddreg [dreg:$0xc];
	[tilespmem:s15+$0x159B0] =	vst v2;
	(pc) =	sbr.rel .LBB2_8-.Ltmp4, $4  }
0x79: {  	[hbm4b:s22+s3] =	stream.linear.scatter [tilespmem:s6], [sflag:$0x3], $0x5000, $0x38;
	[tilespmem:$0x1F7C0] =	vst v63  }
0x7a: {  	_ =	swait.ge [sflag:s8], $0x5000  }
0x7b: {  	[sflag:s8] =	ssyncset.done $0x0  }
0x7c: {  	[sflag:s8] =	ssyncadd.s32 $0xFFFFB000  }
.LBB2_5:
0x7d: {  	s16 =	rddreg [dreg:$0x3]  }
0x7e: {  	[tilespmem:s1], [sflag:$0x1] =	stream.linear.gather [hbm4b:s16+s15], $0x4E00, $0x38;
	[tilespmem:$0x1F7C0] =	vst v63  }
0x7f: {  	s19 =	rddreg [dreg:$0x4]  }
0x80: {  	[tilespmem:s5], [sflag:$0x1] =	stream.linear.gather [hbm4b:s19+s15], $0x4E00, $0x38;
	[tilespmem:$0x1F7C0] =	vst v63  }
0x81: {  	s17 =	rddreg [dreg:$0x5];
	s16 =	simm.s32 $0x109A0  }
0x82: {  	[tilespmem:s16], [sflag:$0x1] =	stream.linear.gather [hbm4b:s17+s15], $0x2700, $0x38;
	[tilespmem:$0x1F7C0] =	vst v63  }
0x83: {  	s18 =	rddreg [dreg:$0x6];
	s17 =	simm.s32 $0x131A0  }
0x84: {  	[tilespmem:s17], [sflag:$0x1] =	stream.linear.gather [hbm4b:s18+s15], $0x2700, $0x38;
	[tilespmem:$0x1F7C0] =	vst v63  }
0x85: {  	s22 =	rddreg [dreg:$0x7]  }
0x86: {  	[tilespmem:s6], [sflag:$0x1] =	stream.linear.gather [hbm4b:s22+s15], $0x4E00, $0x38;
	[tilespmem:$0x1F7C0] =	vst v63  }
0x87: {  	_ =	swait.ge [sflag:s7], $0x4E00  }
0x88: {  	[sflag:s7] =	ssyncset.done $0x0  }
0x89: {  	[sflag:s7] =	ssyncadd.s32 $0xFFFFB200  }
0x8a: {  	_ =	swait.ge [sflag:s7], $0x4E00  }
0x8b: {  	[sflag:s7] =	ssyncset.done $0x0  }
0x8c: {  	[sflag:s7] =	ssyncadd.s32 $0xFFFFB200  }
0x8d: {  	_ =	swait.ge [sflag:s7], $0x2700  }
0x8e: {  	[sflag:s7] =	ssyncset.done $0x0  }
0x8f: {  	[sflag:s7] =	ssyncadd.s32 $0xFFFFD900  }
0x90: {  	_ =	swait.ge [sflag:s7], $0x2700  }
0x91: {  	[sflag:s7] =	ssyncset.done $0x0  }
0x92: {  	[sflag:s7] =	ssyncadd.s32 $0xFFFFD900  }
0x93: {  	_ =	swait.ge [sflag:s7], $0x4E00  }
0x94: {  	[sflag:s7] =	ssyncset.done $0x0  }
0x95: {  	[sflag:s7] =	ssyncadd.s32 $0xFFFFB200  }
0x96: {  	v1 =	vld [tilespmem:s17+$0x0]  }
0x97: {  	s18 =	simm.s32 $0x80;
	v2 =	vld [tilespmem:s16+$0x0]  }
.LBB2_6:
0x98: {  	p1 =	seq.s32 s18, $0x13780;
	_ =	sdelay $0x3  }
0x99: {  	v1 =	vadd.f32 v1, v2;
	_ =	sdelay $0x1  }
0x9a: {  	s19 =	sshra.s32 s15, $0x2;
	s15 =	smov.u32 s18;
	v1 =	vmax.f32 v1, $1.000000000e+00  }
0x9b: {  	v2 =	vld [tilespmem:s19+$0xFA0];
	(erf) = vrcp.f32 v1  }
0x9c: {  	v1 =	vld [tilespmem:s19+$0x8CA0]  }
0x9d: {  	v3 =	vld [tilespmem:s19+$0xFB0]  }
0x9e: {  	v4 =	vld [tilespmem:s19+$0x8CB0];
	_ =	sdelay $0x2  }
0x9f: {  	v5 =	vld [tilespmem:s19+$0x159B0]  }
0xa0: {  	v6 =	vld [tilespmem:s19+$0x159A0]  }
0xa1: {  	v1 =	vadd.f32 v1, v2;
	v2 =	vadd.f32 v4, v3  }
0xa2: {  	v3 =	vpop (erf)  }
0xa3: {  	v1 =	vmul.f32 v3, v1;
	v2 =	vmul.f32 v2, v3;
	_ =	sdelay $0x1  }
0xa4: {  	v1 =	vadd.f32 v1, v6;
	v2 =	vadd.f32 v2, v5;
	_ =	sdelay $0x1  }
.Ltmp5:
0xa5: {  	v1 =	vmax.f32 v1, $0.0e+00;
	v2 =	vmax.f32 v2, $0.0e+00;
	(pc) =	sbr.rel @!p1 .LBB2_6-.Ltmp5, $4  }
0xa6: {  	[tilespmem:s19+$0x159A0] =	vst v1  }
0xa7: {  	s17 =	sadd.s32 $0x10, s17;
	[tilespmem:s19+$0x159B0] =	vst v2  }
0xa8: {  	s16 =	sadd.s32 $0x10, s16;
	v1 =	vld [tilespmem:s17+$0x0]  }
0xa9: {  	s18 =	sadd.s32 $0x80, s18;
	v2 =	vld [tilespmem:s16+$0x0]  }
0xaa: {  	_ =	sdelay $0x3  }
0xab: {  	v1 =	vadd.f32 v1, v2;
	_ =	sdelay $0x1  }
0xac: {  	v1 =	vmax.f32 v1, $1.000000000e+00  }
0xad: {  	s15 =	sshra.s32 s15, $0x2;
	(erf) = vrcp.f32 v1  }
0xae: {  	v3 =	vld [tilespmem:s15+$0xFB0]  }
0xaf: {  	v2 =	vld [tilespmem:s15+$0x8CA0]  }
0xb0: {  	v1 =	vld [tilespmem:s15+$0xFA0]  }
0xb1: {  	v4 =	vld [tilespmem:s15+$0x8CB0];
	_ =	sdelay $0x2  }
0xb2: {  	v5 =	vld [tilespmem:s15+$0x159A0]  }
0xb3: {  	v6 =	vld [tilespmem:s15+$0x159B0];
	v1 =	vadd.f32 v2, v1  }
0xb4: {  	v2 =	vadd.f32 v4, v3;
	v3 =	vpop (erf)  }
0xb5: {  	v1 =	vmul.f32 v3, v1  }
0xb6: {  	v2 =	vmul.f32 v2, v3  }
0xb7: {  	v1 =	vadd.f32 v1, v5  }
0xb8: {  	v2 =	vadd.f32 v2, v6  }
0xb9: {  	v1 =	vmax.f32 v1, $0.0e+00  }
0xba: {  	v2 =	vmax.f32 v2, $0.0e+00;
	[tilespmem:s15+$0x159A0] =	vst v1  }
0xbb: {  	s22 =	rddreg [dreg:$0xb];
	[tilespmem:s15+$0x159B0] =	vst v2  }
0xbc: {  	[hbm4b:s22+s3] =	stream.linear.scatter [tilespmem:s6], [sflag:$0x3], $0x4E00, $0x38;
	[tilespmem:$0x1F7C0] =	vst v63  }
0xbd: {  	_ =	swait.ge [sflag:s8], $0x4E00  }
0xbe: {  	[sflag:s8] =	ssyncset.done $0x0  }
0xbf: {  	[sflag:s8] =	ssyncadd.s32 $0xFFFFB200  }
.LBB2_8:
0xc0: {  	s15 =	simm.s32 $0x80;
	s16 =	simm.s32 $0x0  }
.LBB2_9:
0xc1: {  	p1 =	sne.s32 s15, $0x13F80;
	[tilespmem:s16+$0xFA0] =	vst v0;
	s17 =	smov.u32 s15;
	s15 =	sadd.s32 $0x80, s15  }
.Ltmp6:
0xc2: {  	[tilespmem:s16+$0xFB0] =	vst v0;
	(pc) =	sbr.rel @p1 .LBB2_9-.Ltmp6, $2  }
0xc3: {  	_ =	sdelay $0x2  }
0xc4: {  	s16 =	sshra.s32 s17, $0x2  }
0xc5: {  	[tilespmem:s16+$0xFA0] =	vst v0  }
0xc6: {  	[tilespmem:s16+$0xFB0] =	vst v0;
	s15 =	simm.s32 @p0 $0xFA0  }
0xc7: {  	[spmem:s20] =	stream.linear.scatter @p0 [tilespmem:s15], [sflag:$0x3], $0x4E00, $0x38;
	[tilespmem:$0x1F7C0] =	vst v63  }
0xc8: {  	s15 =	simm.s32 @p0 $0x3  }
0xc9: {  	_ =	swait.ge @p0 [sflag:s15], $0x4E00  }
0xca: {  	[sflag:s15] =	ssyncset.done @p0 $0x0  }
0xcb: {  	[sflag:s15] =	ssyncadd.s32 @p0 $0xFFFFB200;
	s15 =	simm.s32 @!p0 $0xFA0  }
0xcc: {  	[spmem:s31] =	stream.linear.scatter @!p0 [tilespmem:s15], [sflag:$0x3], $0x5000, $0x38;
	[tilespmem:$0x1F7C0] =	vst v63  }
0xcd: {  	s15 =	simm.s32 @!p0 $0x3  }
0xce: {  	_ =	swait.ge @!p0 [sflag:s15], $0x5000  }
0xcf: {  	[sflag:s15] =	ssyncset.done @!p0 $0x0  }
0xd0: {  	[sflag:s15] =	ssyncadd.s32 @!p0 $0xFFFFB000  }
0xd1: {  	s16 =	simm.s32 $0x0;
	[bflag:$0x0] =	sbarrier.arrive $0xFFFF  }
0xd2: {  	[tilespmem:s16], [sflag:$0x3] =	stream.linear.gather [hbm4b:s21+s16], $0x3E8, $0x38;
	[tilespmem:$0x1F7C0] =	vst v63  }
0xd3: {  	_ =	swait.ge [sflag:s8], $0x3E8  }
0xd4: {  	[sflag:s8] =	ssyncset.done $0x0  }
0xd5: {  	[sflag:s8] =	ssyncadd.s32 $0xFFFFFC18  }
0xd6: {  	[tilespmem:s9], [sflag:$0x3] =	stream.linear.gather [hbm4b:s0+s16], $0x3E8, $0x38;
	[tilespmem:$0x1F7C0] =	vst v63  }
0xd7: {  	_ =	swait.ge [sflag:s8], $0x3E8  }
0xd8: {  	[sflag:s8] =	ssyncset.done $0x0  }
0xd9: {  	[sflag:s8] =	ssyncadd.s32 $0xFFFFFC18  }
0xda: {  	[tilespmem:s1], [sflag:$0x1] =	stream.indirect.gather [hbm4b:s14+s10], $0x20, s16, s10, $0xb8;
	[tilespmem:$0x1F7C0] =	vst v63  }
0xdb: {  	s17 =	sadd.s32 $0x0, s29  }
0xdc: {  	[tilespmem:s10], [sflag:$0x3] =	stream.linear.gather [hbm4b:s17+s3], $0x3E8, $0x38;
	[tilespmem:$0x1F7C0] =	vst v63  }
0xdd: {  	_ =	swait.ge [sflag:s8], $0x3E8  }
0xde: {  	[sflag:s8] =	ssyncset.done $0x0  }
0xdf: {  	s18 =	sadd.s32 $0x0, s30;
	[sflag:s8] =	ssyncadd.s32 $0xFFFFFC18  }
0xe0: {  	[tilespmem:s11], [sflag:$0x3] =	stream.linear.gather [hbm4b:s18+s3], $0x3E8, $0x38;
	[tilespmem:$0x1F7C0] =	vst v63  }
0xe1: {  	_ =	swait.ge [sflag:s8], $0x3E8  }
0xe2: {  	[sflag:s8] =	ssyncset.done $0x0  }
0xe3: {  	[sflag:s8] =	ssyncadd.s32 $0xFFFFFC18  }
0xe4: {  	[tilespmem:s5], [sflag:$0x2] =	stream.indirect.gather [hbm4b:s14+s10], $0x20, s10, s10, $0xb8;
	[tilespmem:$0x1F7C0] =	vst v63  }
0xe5: {  	_ =	swait.ge [sflag:s7], $0x7D00  }
0xe6: {  	[sflag:s7] =	ssyncset.done $0x0  }
0xe7: {  	[sflag:s7] =	ssyncadd.s32 $0xFFFF8300  }
0xe8: {  	[spmem:s2] =	stream.indirect.scatter.add.f32 [tilespmem:s1], [sflag:$0x3], $0x20, s9, s10, $0xb8;
	[tilespmem:$0x1F7C0] =	vst v63  }
0xe9: {  	_ =	swait.ge [sflag:s8], $0x7D00  }
0xea: {  	s19 =	sshrl.u32 s26, $0x3;
	[sflag:s8] =	ssyncset.done $0x0  }
0xeb: {  	s15 =	sadd.s32 s4, s19;
	[sflag:s8] =	ssyncadd.s32 $0xFFFF8300  }
0xec: {  	[tilespmem:s3], [sflag:$0x3] =	stream.linear.gather [hbm4b:s15+s3], $0x3E8, $0x38;
	[tilespmem:$0x1F7C0] =	vst v63  }
0xed: {  	_ =	swait.ge [sflag:s8], $0x3E8  }
0xee: {  	[sflag:s8] =	ssyncset.done $0x0  }
0xef: {  	s22 =	sadd.s32 $0x0, s28;
	[sflag:s8] =	ssyncadd.s32 $0xFFFFFC18  }
0xf0: {  	[tilespmem:s9], [sflag:$0x3] =	stream.linear.gather [hbm4b:s22+s3], $0x3E8, $0x38;
	[tilespmem:$0x1F7C0] =	vst v63  }
0xf1: {  	_ =	swait.ge [sflag:s8], $0x3E8  }
0xf2: {  	[sflag:s8] =	ssyncset.done $0x0  }
0xf3: {  	[sflag:s8] =	ssyncadd.s32 $0xFFFFFC18  }
0xf4: {  	[tilespmem:s1], [sflag:$0x1] =	stream.indirect.gather [hbm4b:s14+s10], $0x20, s3, s10, $0xb8;
	[tilespmem:$0x1F7C0] =	vst v63  }
0xf5: {  	_ =	swait.ge [sflag:s12], $0x7D00  }
0xf6: {  	[sflag:s12] =	ssyncset.done $0x0  }
0xf7: {  	[sflag:s12] =	ssyncadd.s32 $0xFFFF8300  }
0xf8: {  	[spmem:s2] =	stream.indirect.scatter.add.f32 [tilespmem:s5], [sflag:$0x3], $0x20, s11, s10, $0xb8;
	[tilespmem:$0x1F7C0] =	vst v63  }
0xf9: {  	s16 =	sadd.s32 $0x7D0, s26;
	_ =	swait.ge [sflag:s8], $0x7D00  }
0xfa: {  	s18 =	simm.s32 $0x1F4;
	s15 =	simm.s32 $0xFA;
	[sflag:s8] =	ssyncset.done $0x0  }
.LBB2_11:
0xfb: {  	s19 =	sadd.s32 s15, s29  }
0xfc: {  	[sflag:s8] =	ssyncadd.s32 $0xFFFF8300;
	s22 =	smov.u32 s18;
	s17 =	sadd.s32 $0xFA, s18  }
0xfd: {  	[tilespmem:s10], [sflag:$0x3] =	stream.linear.gather [hbm4b:s19+s3], $0x3E8, $0x38;
	[tilespmem:$0x1F7C0] =	vst v63  }
0xfe: {  	p1 =	sne.s32 s18, $0x2EE;
	_ =	swait.ge [sflag:s8], $0x3E8  }
0xff: {  	[sflag:s8] =	ssyncset.done $0x0  }
0x100: {  	s18 =	sadd.s32 s15, s30;
	[sflag:s8] =	ssyncadd.s32 $0xFFFFFC18  }
0x101: {  	[tilespmem:s11], [sflag:$0x3] =	stream.linear.gather [hbm4b:s18+s3], $0x3E8, $0x38;
	[tilespmem:$0x1F7C0] =	vst v63  }
0x102: {  	_ =	swait.ge [sflag:s8], $0x3E8  }
0x103: {  	[sflag:s8] =	ssyncset.done $0x0  }
0x104: {  	[sflag:s8] =	ssyncadd.s32 $0xFFFFFC18  }
0x105: {  	[tilespmem:s5], [sflag:$0x2] =	stream.indirect.gather [hbm4b:s14+s10], $0x20, s10, s10, $0xb8;
	[tilespmem:$0x1F7C0] =	vst v63  }
0x106: {  	_ =	swait.ge [sflag:s7], $0x7D00  }
0x107: {  	[sflag:s7] =	ssyncset.done $0x0  }
0x108: {  	[sflag:s7] =	ssyncadd.s32 $0xFFFF8300  }
0x109: {  	[spmem:s2] =	stream.indirect.scatter.add.f32 [tilespmem:s1], [sflag:$0x3], $0x20, s9, s10, $0xb8;
	[tilespmem:$0x1F7C0] =	vst v63  }
0x10a: {  	_ =	swait.ge [sflag:s8], $0x7D00  }
0x10b: {  	s18 =	sshrl.u32 s16, $0x3;
	[sflag:s8] =	ssyncset.done $0x0  }
0x10c: {  	s18 =	sadd.s32 s4, s18;
	[sflag:s8] =	ssyncadd.s32 $0xFFFF8300  }
0x10d: {  	[tilespmem:s3], [sflag:$0x3] =	stream.linear.gather [hbm4b:s18+s3], $0x3E8, $0x38;
	[tilespmem:$0x1F7C0] =	vst v63  }
0x10e: {  	_ =	swait.ge [sflag:s8], $0x3E8  }
0x10f: {  	[sflag:s8] =	ssyncset.done $0x0  }
0x110: {  	s18 =	sadd.s32 s15, s28;
	s15 =	smov.u32 s22;
	[sflag:s8] =	ssyncadd.s32 $0xFFFFFC18  }
0x111: {  	[tilespmem:s9], [sflag:$0x3] =	stream.linear.gather [hbm4b:s18+s3], $0x3E8, $0x38;
	[tilespmem:$0x1F7C0] =	vst v63  }
0x112: {  	_ =	swait.ge [sflag:s8], $0x3E8  }
0x113: {  	[sflag:s8] =	ssyncset.done $0x0  }
0x114: {  	[sflag:s8] =	ssyncadd.s32 $0xFFFFFC18  }
0x115: {  	[tilespmem:s1], [sflag:$0x1] =	stream.indirect.gather [hbm4b:s14+s10], $0x20, s3, s10, $0xb8;
	[tilespmem:$0x1F7C0] =	vst v63  }
0x116: {  	_ =	swait.ge [sflag:s12], $0x7D00  }
.Ltmp7:
0x117: {  	[sflag:s12] =	ssyncset.done $0x0;
	(pc) =	sbr.rel @p1 .LBB2_11-.Ltmp7, $4  }
0x118: {  	[sflag:s12] =	ssyncadd.s32 $0xFFFF8300  }
0x119: {  	[spmem:s2] =	stream.indirect.scatter.add.f32 [tilespmem:s5], [sflag:$0x3], $0x20, s11, s10, $0xb8;
	[tilespmem:$0x1F7C0] =	vst v63  }
0x11a: {  	_ =	swait.ge [sflag:s8], $0x7D00  }
0x11b: {  	s16 =	sadd.s32 $0x7D0, s16;
	s18 =	smov.u32 s17;
	[sflag:s8] =	ssyncset.done $0x0  }
0x11c: {  	s17 =	sadd.s32 s15, s29;
	[sflag:s8] =	ssyncadd.s32 $0xFFFF8300  }
0x11d: {  	[tilespmem:s10], [sflag:$0x3] =	stream.linear.gather [hbm4b:s17+s3], $0x3E8, $0x38;
	[tilespmem:$0x1F7C0] =	vst v63  }
0x11e: {  	_ =	swait.ge [sflag:s8], $0x3E8  }
0x11f: {  	[sflag:s8] =	ssyncset.done $0x0  }
0x120: {  	s19 =	sadd.s32 s15, s30;
	[sflag:s8] =	ssyncadd.s32 $0xFFFFFC18  }
0x121: {  	[tilespmem:s11], [sflag:$0x3] =	stream.linear.gather [hbm4b:s19+s3], $0x3E8, $0x38;
	[tilespmem:$0x1F7C0] =	vst v63  }
0x122: {  	_ =	swait.ge [sflag:s8], $0x3E8  }
0x123: {  	[sflag:s8] =	ssyncset.done $0x0  }
0x124: {  	[sflag:s8] =	ssyncadd.s32 $0xFFFFFC18  }
0x125: {  	[tilespmem:s5], [sflag:$0x2] =	stream.indirect.gather [hbm4b:s14+s10], $0x20, s10, s10, $0xb8;
	[tilespmem:$0x1F7C0] =	vst v63  }
0x126: {  	_ =	swait.ge [sflag:s7], $0x7D00  }
0x127: {  	[sflag:s7] =	ssyncset.done $0x0  }
0x128: {  	[sflag:s7] =	ssyncadd.s32 $0xFFFF8300  }
0x129: {  	[spmem:s2] =	stream.indirect.scatter.add.f32 [tilespmem:s1], [sflag:$0x3], $0x20, s9, s10, $0xb8;
	[tilespmem:$0x1F7C0] =	vst v63  }
0x12a: {  	_ =	swait.ge [sflag:s8], $0x7D00  }
0x12b: {  	s16 =	sshrl.u32 s16, $0x3;
	[sflag:s8] =	ssyncset.done $0x0  }
0x12c: {  	s16 =	sadd.s32 s4, s16;
	[sflag:s8] =	ssyncadd.s32 $0xFFFF8300  }
0x12d: {  	[tilespmem:s3], [sflag:$0x3] =	stream.linear.gather [hbm4b:s16+s3], $0x3E8, $0x38;
	[tilespmem:$0x1F7C0] =	vst v63  }
0x12e: {  	_ =	swait.ge [sflag:s8], $0x3E8  }
0x12f: {  	[sflag:s8] =	ssyncset.done $0x0  }
0x130: {  	s22 =	sadd.s32 s15, s28;
	[sflag:s8] =	ssyncadd.s32 $0xFFFFFC18  }
0x131: {  	[tilespmem:s9], [sflag:$0x3] =	stream.linear.gather [hbm4b:s22+s3], $0x3E8, $0x38;
	[tilespmem:$0x1F7C0] =	vst v63  }
0x132: {  	_ =	swait.ge [sflag:s8], $0x3E8  }
0x133: {  	[sflag:s8] =	ssyncset.done $0x0  }
0x134: {  	[sflag:s8] =	ssyncadd.s32 $0xFFFFFC18  }
0x135: {  	[tilespmem:s1], [sflag:$0x1] =	stream.indirect.gather [hbm4b:s14+s10], $0x20, s3, s10, $0xb8;
	[tilespmem:$0x1F7C0] =	vst v63  }
0x136: {  	_ =	swait.ge [sflag:s12], $0x7D00  }
0x137: {  	[sflag:s12] =	ssyncset.done $0x0  }
0x138: {  	[sflag:s12] =	ssyncadd.s32 $0xFFFF8300  }
0x139: {  	[spmem:s2] =	stream.indirect.scatter.add.f32 [tilespmem:s5], [sflag:$0x3], $0x20, s11, s10, $0xb8;
	[tilespmem:$0x1F7C0] =	vst v63  }
0x13a: {  	_ =	swait.ge [sflag:s8], $0x7D00  }
0x13b: {  	[sflag:s8] =	ssyncset.done $0x0  }
0x13c: {  	[sflag:s8] =	ssyncadd.s32 $0xFFFF8300  }
0x13d: {  	[tilespmem:s10], [sflag:$0x3] =	stream.linear.gather [hbm4b:s24+s3], $0x3E8, $0x38;
	[tilespmem:$0x1F7C0] =	vst v63  }
0x13e: {  	_ =	swait.ge [sflag:s8], $0x3E8  }
0x13f: {  	[sflag:s8] =	ssyncset.done $0x0  }
0x140: {  	[sflag:s8] =	ssyncadd.s32 $0xFFFFFC18  }
0x141: {  	[tilespmem:s11], [sflag:$0x3] =	stream.linear.gather [hbm4b:s25+s3], $0x3E8, $0x38;
	[tilespmem:$0x1F7C0] =	vst v63  }
0x142: {  	_ =	swait.ge [sflag:s8], $0x3E8  }
0x143: {  	[sflag:s8] =	ssyncset.done $0x0  }
0x144: {  	[sflag:s8] =	ssyncadd.s32 $0xFFFFFC18  }
0x145: {  	[tilespmem:s5], [sflag:$0x2] =	stream.indirect.gather [hbm4b:s14+s10], $0x20, s10, s10, $0xb8;
	[tilespmem:$0x1F7C0] =	vst v63  }
0x146: {  	_ =	swait.ge [sflag:s7], $0x7D00  }
0x147: {  	[sflag:s7] =	ssyncset.done $0x0  }
0x148: {  	[sflag:s7] =	ssyncadd.s32 $0xFFFF8300  }
0x149: {  	[spmem:s2] =	stream.indirect.scatter.add.f32 [tilespmem:s1], [sflag:$0x3], $0x20, s9, s10, $0xb8;
	[tilespmem:$0x1F7C0] =	vst v63  }
0x14a: {  	_ =	swait.ge [sflag:s8], $0x7D00  }
0x14b: {  	[sflag:s8] =	ssyncset.done $0x0  }
0x14c: {  	[sflag:s8] =	ssyncadd.s32 $0xFFFF8300  }
0x14d: {  	_ =	swait.ge [sflag:s12], $0x7D00  }
0x14e: {  	[sflag:s12] =	ssyncset.done $0x0  }
0x14f: {  	[sflag:s12] =	ssyncadd.s32 $0xFFFF8300  }
0x150: {  	[spmem:s2] =	stream.indirect.scatter.add.f32 [tilespmem:s5], [sflag:$0x3], $0x20, s11, s10, $0xb8;
	[tilespmem:$0x1F7C0] =	vst v63  }
.Ltmp8:
0x151: {  	_ =	swait.ge [sflag:s8], $0x7D00;
	(pc) =	sbr.rel @p0 .LBB2_16-.Ltmp8, $3  }
0x152: {  	[sflag:s8] =	ssyncset.done $0x0  }
0x153: {  	[sflag:s8] =	ssyncadd.s32 $0xFFFF8300  }
0x154: {  	[bflag:$0x0] =	sbarrier.arrive $0xFFFF;
	_ =	sdelay $0x1  }
0x155: {  	[tilespmem:s1], [sflag:$0x3] =	stream.linear.gather [spmem:s31], $0x5000, $0x38;
	[tilespmem:$0x1F7C0] =	vst v63  }
0x156: {  	_ =	swait.ge [sflag:s8], $0x5000  }
0x157: {  	[sflag:s8] =	ssyncset.done $0x0  }
0x158: {  	s15 =	simm.s32 $0x0;
	[sflag:s8] =	ssyncadd.s32 $0xFFFFB000  }
0x159: {  	v1 =	vld [tilespmem:s15+$0x131A0]  }
0x15a: {  	v2 =	vld [tilespmem:s15+$0x109A0];
	_ =	sdelay $0x4  }
0x15b: {  	v1 =	vadd.f32 v1, v2;
	_ =	sdelay $0x1  }
0x15c: {  	v1 =	vmax.f32 v1, $1.000000000e+00  }
0x15d: {  	(erf) = vrcp.f32 v1;
	_ =	sdelay $0x3  }
0x15e: {  	s15 =	simm.s32 $0xFB0  }
0x15f: {  	v1 =	vld [tilespmem:s15+$0xFFFFFFF0]  }
0x160: {  	v2 =	vld [tilespmem:s15+$0x0];
	_ =	sdelay $0x2  }
0x161: {  	v3 =	vpop (erf)  }
0x162: {  	v1 =	vmul.f32 v3, v1  }
0x163: {  	v2 =	vmul.f32 v3, v2  }
0x164: {  	[tilespmem:s15+$0xFFFFFFF0] =	vst v1  }
0x165: {  	s17 =	simm.s32 $0x10;
	[tilespmem:s15+$0x0] =	vst v2  }
0x166: {  	s16 =	simm.s32 $0x80;
	v1 =	vld [tilespmem:s17+$0x131A0]  }
.LBB2_14:
0x167: {  	p1 =	sne.s32 s16, $0x9FC0;
	v2 =	vld [tilespmem:s17+$0x109A0];
	_ =	sdelay $0x4  }
0x168: {  	v1 =	vadd.f32 v1, v2;
	_ =	sdelay $0x1  }
0x169: {  	v1 =	vmax.f32 v1, $1.000000000e+00  }
0x16a: {  	(erf) = vrcp.f32 v1;
	_ =	sdelay $0x2  }
0x16b: {  	s15 =	sadd.s32 $0x20, s15  }
0x16c: {  	v1 =	vld [tilespmem:s15+$0xFFFFFFF0]  }
0x16d: {  	v2 =	vld [tilespmem:s15+$0x0];
	_ =	sdelay $0x3  }
0x16e: {  	v3 =	vpop (erf)  }
.Ltmp9:
0x16f: {  	v1 =	vmul.f32 v3, v1;
	v2 =	vmul.f32 v3, v2;
	(pc) =	sbr.rel @p1 .LBB2_14-.Ltmp9, $4  }
0x170: {  	_ = 	snop  }
0x171: {  	[tilespmem:s15+$0xFFFFFFF0] =	vst v1  }
0x172: {  	s17 =	sshra.s32 s16, $0x2;
	[tilespmem:s15+$0x0] =	vst v2  }
0x173: {  	s16 =	sadd.s32 $0x40, s16;
	v1 =	vld [tilespmem:s17+$0x131A0]  }
0x174: {  	v2 =	vld [tilespmem:s17+$0x109A0];
	_ =	sdelay $0x4  }
0x175: {  	v1 =	vadd.f32 v1, v2;
	_ =	sdelay $0x1  }
0x176: {  	v1 =	vmax.f32 v1, $1.000000000e+00  }
0x177: {  	(erf) = vrcp.f32 v1;
	_ =	sdelay $0x3  }
0x178: {  	s15 =	sadd.s32 $0x20, s15  }
0x179: {  	v1 =	vld [tilespmem:s15+$0xFFFFFFF0]  }
0x17a: {  	v2 =	vld [tilespmem:s15+$0x0];
	_ =	sdelay $0x2  }
0x17b: {  	v3 =	vpop (erf)  }
0x17c: {  	v1 =	vmul.f32 v3, v1  }
0x17d: {  	v2 =	vmul.f32 v3, v2  }
0x17e: {  	[tilespmem:s15+$0xFFFFFFF0] =	vst v1  }
.Ltmp10:
0x17f: {  	s22 =	rddreg [dreg:$0xe];
	[tilespmem:s15+$0x0] =	vst v2;
	(pc) =	sbr.rel .LBB2_19-.Ltmp10, $4  }
0x180: {  	[hbm4b:s22+s3] =	stream.linear.scatter [tilespmem:s1], [sflag:$0x3], $0x5000, $0x38;
	[tilespmem:$0x1F7C0] =	vst v63  }
0x181: {  	_ =	swait.ge [sflag:s8], $0x5000  }
0x182: {  	[sflag:s8] =	ssyncset.done $0x0  }
0x183: {  	[sflag:s8] =	ssyncadd.s32 $0xFFFFB000  }
.LBB2_16:
0x184: {  	s15 =	rddreg [dreg:$0x11]  }
0x185: {  	[tilespmem:s1], [sflag:$0x3] =	stream.linear.gather [spmem:s15], $0x4E00, $0x38;
	[tilespmem:$0x1F7C0] =	vst v63  }
0x186: {  	_ =	swait.ge [sflag:s8], $0x4E00  }
0x187: {  	[sflag:s8] =	ssyncset.done $0x0  }
0x188: {  	s22 =	simm.s32 $0x0;
	[sflag:s8] =	ssyncadd.s32 $0xFFFFB200  }
0x189: {  	v1 =	vld [tilespmem:s22+$0x131A0]  }
0x18a: {  	v2 =	vld [tilespmem:s22+$0x109A0];
	_ =	sdelay $0x4  }
0x18b: {  	v1 =	vadd.f32 v1, v2;
	_ =	sdelay $0x1  }
0x18c: {  	v1 =	vmax.f32 v1, $1.000000000e+00  }
0x18d: {  	(erf) = vrcp.f32 v1;
	_ =	sdelay $0x3  }
0x18e: {  	s15 =	simm.s32 $0xFB0  }
0x18f: {  	v1 =	vld [tilespmem:s15+$0xFFFFFFF0]  }
0x190: {  	v2 =	vld [tilespmem:s15+$0x0];
	_ =	sdelay $0x2  }
0x191: {  	v3 =	vpop (erf)  }
0x192: {  	v1 =	vmul.f32 v3, v1  }
0x193: {  	v2 =	vmul.f32 v3, v2  }
0x194: {  	[tilespmem:s15+$0xFFFFFFF0] =	vst v1  }
0x195: {  	s17 =	simm.s32 $0x10;
	[tilespmem:s15+$0x0] =	vst v2  }
0x196: {  	s16 =	simm.s32 $0x80;
	v1 =	vld [tilespmem:s17+$0x131A0]  }
.LBB2_17:
0x197: {  	p1 =	sne.s32 s16, $0x9BC0;
	v2 =	vld [tilespmem:s17+$0x109A0];
	_ =	sdelay $0x4  }
0x198: {  	v1 =	vadd.f32 v1, v2;
	_ =	sdelay $0x1  }
0x199: {  	v1 =	vmax.f32 v1, $1.000000000e+00  }
0x19a: {  	(erf) = vrcp.f32 v1;
	_ =	sdelay $0x2  }
0x19b: {  	s15 =	sadd.s32 $0x20, s15  }
0x19c: {  	v1 =	vld [tilespmem:s15+$0xFFFFFFF0]  }
0x19d: {  	v2 =	vld [tilespmem:s15+$0x0];
	_ =	sdelay $0x3  }
0x19e: {  	v3 =	vpop (erf)  }
.Ltmp11:
0x19f: {  	v1 =	vmul.f32 v3, v1;
	v2 =	vmul.f32 v3, v2;
	(pc) =	sbr.rel @p1 .LBB2_17-.Ltmp11, $4  }
0x1a0: {  	_ = 	snop  }
0x1a1: {  	[tilespmem:s15+$0xFFFFFFF0] =	vst v1  }
0x1a2: {  	s17 =	sshra.s32 s16, $0x2;
	[tilespmem:s15+$0x0] =	vst v2  }
0x1a3: {  	s16 =	sadd.s32 $0x40, s16;
	v1 =	vld [tilespmem:s17+$0x131A0]  }
.Ltmp12:
0x1a4: {  	_ = 	snop;
	(pc) =	sbr.rel .LBB2_18-.Ltmp12, $1  }
0x1a5: {  	_ =	sdelay $0x3  }
.LBB2_20:
0x1a6: {  	_ =	sfence.sel $0x180000  }
0x1a7: {  	[bflag:$0x0] =	sbarrier.arrive $0xFFFF  }
0x1a8: {  	_ =	strace $0x9000004A  }
0x1a9: {  	s0 =	stileid.u32;
	[bflag:$0x2] =	sbarrier.arrive $0xFFFF  }
0x1aa: {  	p0 =	sne.s32 s0, $0x0;
	s0 =	rddreg [dreg:$0x2]  }
0x1ab: {  	s0 =	sadd.s32 @!p0 $0x100000, s0  }
0x1ac: {  	[sflag:s0] =	ssyncadd.tile.s32 @!p0 $0x1;
	_ =	shalt  }
.Lfunc_end2:
_tile_overlayer_lowered:
.L_overlay_start_2:
0x1ad: {  	(tag) =	ssettag $0x2  }
0x1ae: {  	s0 =	rddreg [dreg:$0x0];
	s2 =	stileid.u32  }
0x1af: {  	s1 =	rddreg [dreg:$0x1];
	p0 =	sne.s32 s2, $0x0  }
0x1b0: {  	s3 =	rddreg [dreg:$0x2];
	[bflag:$0x3] =	sbarrier.arrive $0xFFFF;
	s2 =	simm.s32 @!p0 $0x1C03  }
0x1b1: {  	[timem:s3], [sflag:s2] =	dma.local @!p0 [hbm:s0], s1  }
0x1b2: {  	s0 =	simm.s32 @!p0 $0x3  }
0x1b3: {  	_ =	swait.ge @!p0 [sflag:s0], s1  }
0x1b4: {  	s1 =	ssub.s32 @!p0 $0x0, s1;
	[sflag:s0] =	ssyncset.done @!p0 $0x0  }
0x1b5: {  	[sflag:s0] =	ssyncadd.s32 @!p0 s1  }
0x1b6: {  	[bflag:$0x3] =	sbarrier.arrive $0xFFFF  }
0x1b7: {  	_ =	shalt  }

</sc_bundles>
